<compile_context>
chip_gen: v7x
topology: tpu7x:2x2x1
jax: 0.10.2.dev20260603
libtpu: 0.0.44.dev20260713+nightly
codegen_flags: <defaults>
</compile_context>

<pallas_src>
import functools

import jax
import jax.numpy as jnp
from jax import lax
from jax.experimental import pallas as pl
from jax.experimental.pallas import tpu as pltpu
from jax.experimental.pallas import tpu_sc as plsc

_EPS = 1e-8
_LANES = 16

_LOG1P_C = (
    0.9999999978515015, -0.49999970549016043, 0.3333233204385284,
    -0.24985166951419607, 0.1988030687513739, -0.1607517519300022,
    0.12363706209802593, -0.0818373380867524, 0.041082179468388526,
    -0.013268948579038478, 0.0020109670905085796,
)


def _silu(x):
    return x * (0.5 * jnp.tanh(0.5 * x) + 0.5)



def _tc1_body(a_ref, wq_ref, wk_ref, bq_ref, g0_ref, g1_ref):
    mt = lax.dot_general(wk_ref[...], wq_ref[...], (((1,), (1,)), ((), ())),
                         preferred_element_type=jnp.float32)
    bk = lax.dot_general(wk_ref[...], bq_ref[...], (((1,), (1,)), ((), ())),
                         preferred_element_type=jnp.float32)
    gt = lax.dot_general(mt, a_ref[...], (((1,), (1,)), ((), ())),
                         preferred_element_type=jnp.float32) + bk
    t = gt.shape[1]
    g0_ref[...] = gt[0:1, :].reshape(t)
    g1_ref[...] = gt[1:2, :].reshape(t)


def _silu_bf(x):
    xb = x.astype(jnp.bfloat16)
    return xb * (0.5 * jnp.tanh(0.5 * xb) + 0.5)


def _tc2_body(u0_ref, u1_ref, wv_ref, w1_ref, w2_ref, wo_ref, o_ref):
    bf = jnp.bfloat16
    t = u0_ref.shape[0]
    ut = jnp.concatenate([u0_ref[...].reshape(1, t),
                          u1_ref[...].reshape(1, t)], axis=0)
    x = lax.dot_general(ut, wv_ref[...], (((0,), (0,)), ((), ())),
                        preferred_element_type=jnp.float32)
    s = jnp.dot(_silu_bf(x), w1_ref[...].astype(bf),
                preferred_element_type=jnp.float32)
    y = x + jnp.dot(_silu_bf(s), w2_ref[...].astype(bf),
                    preferred_element_type=jnp.float32)
    o_ref[...] = jnp.dot(_silu_bf(y), wo_ref[...].astype(bf),
                         preferred_element_type=jnp.float32)



def _softplus16(d):
    t = jnp.exp(-jnp.abs(d))
    p = jnp.full((_LANES,), _LOG1P_C[-1], jnp.float32)
    for c in reversed(_LOG1P_C[:-1]):
        p = p * t + c
    return jnp.maximum(d, 0.0) + p * t


def _worker_extent(n, nw):
    chunk = ((n + nw - 1) // nw + _LANES - 1) // _LANES * _LANES
    last = n - (nw - 1) * chunk
    assert last > 0 and last % _LANES == 0 and chunk % _LANES == 0
    return chunk, last


def _make_sc1(n, b, nw, nc, inv_sqrt_d):
    chunk, last = _worker_extent(n, nw)
    mesh = plsc.VectorSubcoreMesh(core_axis_name="c", subcore_axis_name="s")

    @functools.partial(
        pl.kernel,
        mesh=mesh,
        compiler_params=pltpu.CompilerParams(needs_layout_passes=False),
        out_type=[
            jax.ShapeDtypeStruct((n,), jnp.float32),
            jax.ShapeDtypeStruct((nw, b), jnp.float32),
        ],
        scratch_types=[
            pltpu.VMEM((b,), jnp.float32),
            pltpu.VMEM((b,), jnp.float32),
            pltpu.VMEM((b,), jnp.float32),
            pltpu.VMEM((chunk,), jnp.int32),
            pltpu.VMEM((chunk,), jnp.float32),
            pltpu.VMEM((chunk,), jnp.float32),
            pltpu.VMEM((chunk,), jnp.float32),
            pltpu.VMEM((_LANES, b), jnp.float32),
            pltpu.VMEM((b,), jnp.float32),
        ],
    )
    def sc1(q_hbm, seg_hbm, g0_hbm, g1_hbm, a_hbm, part_hbm,
            q_v, t0_v, t1_v, seg_v, g0_v, g1_v, a_v, an16_v, part_v):
        wid = lax.axis_index("s") * nc + lax.axis_index("c")
        base = wid * chunk
        is_last = wid == nw - 1
        pltpu.sync_copy(q_hbm, q_v)

        @pl.when(jnp.logical_not(is_last))
        def _():
            pltpu.sync_copy(seg_hbm.at[pl.ds(base, chunk)], seg_v)
            pltpu.sync_copy(g0_hbm.at[pl.ds(base, chunk)], g0_v)
            pltpu.sync_copy(g1_hbm.at[pl.ds(base, chunk)], g1_v)

        @pl.when(is_last)
        def _():
            pltpu.sync_copy(seg_hbm.at[pl.ds(base, last)],
                            seg_v.at[pl.ds(0, last)])
            pltpu.sync_copy(g0_hbm.at[pl.ds(base, last)],
                            g0_v.at[pl.ds(0, last)])
            pltpu.sync_copy(g1_hbm.at[pl.ds(base, last)],
                            g1_v.at[pl.ds(0, last)])

        iota = lax.iota(jnp.int32, _LANES)
        zeros = jnp.zeros((_LANES,), jnp.float32)

        @plsc.parallel_loop(0, b // _LANES, unroll=2)
        def _(j):
            q16 = q_v[pl.ds(j * _LANES, _LANES)]
            e0 = jnp.maximum(q16, 0.0)
            e1 = jnp.maximum(-q16, 0.0)
            t0_v[pl.ds(j * _LANES, _LANES)] = e0 / jnp.maximum(e0, 1.0)
            t1_v[pl.ds(j * _LANES, _LANES)] = e1 / jnp.maximum(e1, 1.0)
            for r in range(_LANES):
                an16_v[r, pl.ds(j * _LANES, _LANES)] = zeros

        nch = jnp.where(is_last, last // _LANES, chunk // _LANES)

        @plsc.parallel_loop(0, nch, unroll=4)
        def _(i):
            offs = i * _LANES
            idx16 = seg_v[pl.ds(offs, _LANES)]
            g0 = g0_v[pl.ds(offs, _LANES)]
            g1 = g1_v[pl.ds(offs, _LANES)]
            eh0 = plsc.load_gather(t0_v, [idx16])
            eh1 = plsc.load_gather(t1_v, [idx16])
            d = (eh0 * g0 + eh1 * g1) * inv_sqrt_d
            a = _softplus16(d)
            a_v[pl.ds(offs, _LANES)] = a
            plsc.addupdate_scatter(an16_v, [iota, idx16], a)

        @plsc.parallel_loop(0, b // _LANES, unroll=2)
        def _(j):
            acc = an16_v[0, pl.ds(j * _LANES, _LANES)]
            for r in range(1, _LANES):
                acc = acc + an16_v[r, pl.ds(j * _LANES, _LANES)]
            part_v[pl.ds(j * _LANES, _LANES)] = acc

        @pl.when(jnp.logical_not(is_last))
        def _():
            pltpu.sync_copy(a_v, a_hbm.at[pl.ds(base, chunk)])

        @pl.when(is_last)
        def _():
            pltpu.sync_copy(a_v.at[pl.ds(0, last)],
                            a_hbm.at[pl.ds(base, last)])

        pltpu.sync_copy(part_v, part_hbm.at[wid])

    return sc1


def _make_sc2(n, b, nw, nc):
    chunk, last = _worker_extent(n, nw)
    mesh = plsc.VectorSubcoreMesh(core_axis_name="c", subcore_axis_name="s")

    @functools.partial(
        pl.kernel,
        mesh=mesh,
        compiler_params=pltpu.CompilerParams(needs_layout_passes=False),
        out_type=[
            jax.ShapeDtypeStruct((n,), jnp.float32),
            jax.ShapeDtypeStruct((n,), jnp.float32),
        ],
        scratch_types=[
            pltpu.VMEM((b,), jnp.float32),
            pltpu.VMEM((b,), jnp.float32),
            pltpu.VMEM((b,), jnp.float32),
            pltpu.VMEM((nw, b), jnp.float32),
            pltpu.VMEM((b,), jnp.float32),
            pltpu.VMEM((chunk,), jnp.int32),
            pltpu.VMEM((chunk,), jnp.float32),
            pltpu.VMEM((chunk,), jnp.float32),
            pltpu.VMEM((chunk,), jnp.float32),
        ],
    )
    def sc2(q_hbm, seg_hbm, a_hbm, part_hbm, u0_hbm, u1_hbm,
            q_v, e0_v, e1_v, pall_v, an_v, seg_v, a_v, u0_v, u1_v):
        wid = lax.axis_index("s") * nc + lax.axis_index("c")
        base = wid * chunk
        is_last = wid == nw - 1
        pltpu.sync_copy(q_hbm, q_v)
        pltpu.sync_copy(part_hbm, pall_v)

        @pl.when(jnp.logical_not(is_last))
        def _():
            pltpu.sync_copy(seg_hbm.at[pl.ds(base, chunk)], seg_v)
            pltpu.sync_copy(a_hbm.at[pl.ds(base, chunk)], a_v)

        @pl.when(is_last)
        def _():
            pltpu.sync_copy(seg_hbm.at[pl.ds(base, last)],
                            seg_v.at[pl.ds(0, last)])
            pltpu.sync_copy(a_hbm.at[pl.ds(base, last)],
                            a_v.at[pl.ds(0, last)])

        @plsc.parallel_loop(0, b // _LANES, unroll=2)
        def _(j):
            q16 = q_v[pl.ds(j * _LANES, _LANES)]
            e0_v[pl.ds(j * _LANES, _LANES)] = jnp.maximum(q16, 0.0)
            e1_v[pl.ds(j * _LANES, _LANES)] = jnp.maximum(-q16, 0.0)
            acc = pall_v[0, pl.ds(j * _LANES, _LANES)]
            for r in range(1, nw):
                acc = acc + pall_v[r, pl.ds(j * _LANES, _LANES)]
            an_v[pl.ds(j * _LANES, _LANES)] = acc + _EPS

        nch = jnp.where(is_last, last // _LANES, chunk // _LANES)

        @plsc.parallel_loop(0, nch, unroll=4)
        def _(i):
            offs = i * _LANES
            idx16 = seg_v[pl.ds(offs, _LANES)]
            a16 = a_v[pl.ds(offs, _LANES)]
            av = plsc.load_gather(an_v, [idx16])
            c = a16 / av
            u0_v[pl.ds(offs, _LANES)] = c * plsc.load_gather(e0_v, [idx16])
            u1_v[pl.ds(offs, _LANES)] = c * plsc.load_gather(e1_v, [idx16])

        @pl.when(jnp.logical_not(is_last))
        def _():
            pltpu.sync_copy(u0_v, u0_hbm.at[pl.ds(base, chunk)])
            pltpu.sync_copy(u1_v, u1_hbm.at[pl.ds(base, chunk)])

        @pl.when(is_last)
        def _():
            pltpu.sync_copy(u0_v.at[pl.ds(0, last)],
                            u0_hbm.at[pl.ds(base, last)])
            pltpu.sync_copy(u1_v.at[pl.ds(0, last)],
                            u1_hbm.at[pl.ds(base, last)])

    return sc2



def kernel(atom_embedding, Q, batch_seg, Wq, bq, Wk, Wv, W1, W2, Wout):
    n, d = atom_embedding.shape
    b = Q.shape[0]
    inv_sqrt_d = 1.0 / float(d) ** 0.5

    info = plsc.get_sparse_core_info()
    nc, ns = info.num_cores, info.num_subcores
    nw = nc * ns

    tile = 8192
    nb = pl.cdiv(n, tile)

    seg32 = batch_seg.astype(jnp.int32)
    bq2 = bq.reshape(1, d)

    g0, g1 = pl.pallas_call(
        _tc1_body,
        grid=(nb,),
        in_specs=[
            pl.BlockSpec((tile, d), lambda i: (i, 0)),
            pl.BlockSpec((d, d), lambda i: (0, 0)),
            pl.BlockSpec((2, d), lambda i: (0, 0)),
            pl.BlockSpec((1, d), lambda i: (0, 0)),
        ],
        out_specs=[
            pl.BlockSpec((tile,), lambda i: (i,)),
            pl.BlockSpec((tile,), lambda i: (i,)),
        ],
        out_shape=[
            jax.ShapeDtypeStruct((n,), jnp.float32),
            jax.ShapeDtypeStruct((n,), jnp.float32),
        ],
    )(atom_embedding, Wq, Wk, bq2)

    a_arr, parts = _make_sc1(n, b, nw, nc, inv_sqrt_d)(Q, seg32, g0, g1)

    u0, u1 = _make_sc2(n, b, nw, nc)(Q, seg32, a_arr, parts)

    out = pl.pallas_call(
        _tc2_body,
        grid=(nb,),
        in_specs=[
            pl.BlockSpec((tile,), lambda i: (i,)),
            pl.BlockSpec((tile,), lambda i: (i,)),
            pl.BlockSpec((2, d), lambda i: (0, 0)),
            pl.BlockSpec((d, d), lambda i: (0, 0)),
            pl.BlockSpec((d, d), lambda i: (0, 0)),
            pl.BlockSpec((d, d), lambda i: (0, 0)),
        ],
        out_specs=pl.BlockSpec((tile, d), lambda i: (i, 0)),
        out_shape=jax.ShapeDtypeStruct((n, d), jnp.float32),
    )(u0, u1, Wv, W1, W2, Wout)
    return out

# --- scband reference (transcript-rebuilt; emitter-appended) ---
"""Pipeline reference for scband-electronic-embedding-17179869975 (READ-ONLY COPY).

The authoritative reference and input builder live on the scoring server;
editing this copy changes nothing except your own understanding.
"""

import jax, jax.numpy as jnp
import numpy as np

N = 100000
B = 1024
D = 128


def setup_inputs(seed: int = 0) -> dict:
    key = jax.random.key(seed)
    ks = jax.random.split(key, 10)
    atom_embedding = jax.random.normal(ks[0], (N, D), dtype=jnp.float32)
    Q = jax.random.normal(ks[1], (B,), dtype=jnp.float32)
    batch_seg = jnp.sort(jax.random.randint(ks[2], (N,), 0, B))
    # parameters (torch nn.Linear equivalents, stored as (in, out) for x @ W)
    Wq = jax.random.normal(ks[3], (D, D), dtype=jnp.float32) * 0.05
    bq = jnp.zeros((D,), dtype=jnp.float32)
    Wk = jax.random.normal(ks[4], (2, D), dtype=jnp.float32) * 0.05
    Wv = jax.random.normal(ks[5], (2, D), dtype=jnp.float32) * 0.05
    # ResidualMLP (num_residual=1, bias=False): one residual block + activation + output linear
    W1 = jax.random.normal(ks[6], (D, D), dtype=jnp.float32) * 0.05
    W2 = jax.random.normal(ks[7], (D, D), dtype=jnp.float32) * 0.05
    Wout = jax.random.normal(ks[8], (D, D), dtype=jnp.float32) * 0.05
    return {"atom_embedding": atom_embedding, "Q": Q, "batch_seg": batch_seg,
            "Wq": Wq, "bq": bq, "Wk": Wk, "Wv": Wv, "W1": W1, "W2": W2, "Wout": Wout}


def _resblock(x, W1, W2, Wout):
    # Residual pre-activation block: x + linear2(act(linear1(act(x)))), then act + output linear
    y = x + jax.nn.silu(jax.nn.silu(x) @ W1) @ W2
    return jax.nn.silu(y) @ Wout


def reference(atom_embedding, Q, batch_seg, Wq, bq, Wk, Wv, W1, W2, Wout):
    eps = 1e-8
    sqrt_d = float(D) ** 0.5
    q = atom_embedding @ Wq + bq                          # [N, D]
    e = jax.nn.relu(jnp.stack([Q, -Q], axis=-1))          # [B, 2] (attribute='charge')
    enorm = jnp.maximum(e, jnp.ones_like(e))
    k = ((e / enorm) @ Wk)[batch_seg]                     # gather per-atom  [N, D]
    v = (e @ Wv)[batch_seg]                               # gather per-atom  [N, D]
    dot = jnp.sum(k * q, axis=-1) / sqrt_d                # [N]
    a = jax.nn.softplus(dot)                              # [N]
    anorm = jax.ops.segment_sum(a, batch_seg, num_segments=B)  # [B]
    anorm = anorm[batch_seg]                              # gather back  [N]
    x = (a / (anorm + eps))[:, None] * v                  # [N, D]
    return _resblock(x, W1, W2, Wout)

if __name__ == "__main__":
    import jax
    _d = setup_inputs()
    print(jax.jit(kernel)(*tuple(_d.values())))

</pallas_src>

<mosaic_0001>
#map = affine_map<(d0, d1) -> (0)>
#map1 = affine_map<(d0, d1) -> (0, 0)>
module attributes {stable_mosaic.version = 14 : i64} {
  func.func @sc2(%arg0: i32, %arg1: i32, %arg2: memref<1024xf32, #tpu.memory_space<hbm>>, %arg3: memref<100000xi32, #tpu.memory_space<hbm>>, %arg4: memref<100000xf32, #tpu.memory_space<hbm>>, %arg5: memref<32x1024xf32, #tpu.memory_space<hbm>>, %arg6: memref<100000xf32, #tpu.memory_space<hbm>>, %arg7: memref<100000xf32, #tpu.memory_space<hbm>>, %arg8: memref<1024xf32, #tpu.memory_space<vmem>>, %arg9: memref<1024xf32, #tpu.memory_space<vmem>>, %arg10: memref<1024xf32, #tpu.memory_space<vmem>>, %arg11: memref<32x1024xf32, #tpu.memory_space<vmem>>, %arg12: memref<1024xf32, #tpu.memory_space<vmem>>, %arg13: memref<3136xi32, #tpu.memory_space<vmem>>, %arg14: memref<3136xf32, #tpu.memory_space<vmem>>, %arg15: memref<3136xf32, #tpu.memory_space<vmem>>, %arg16: memref<3136xf32, #tpu.memory_space<vmem>>) attributes {dimension_semantics = [#tpu.dimension_semantics<core_parallel>, #tpu.dimension_semantics<subcore_parallel>], iteration_bounds = array<i64: 2, 16>, scalar_prefetch = 0 : i64, scratch_operands = 9 : i64, tpu.core_type = #tpu.core_type<sc_vector_subcore>, window_params = [{transform_indices = #map}, {transform_indices = #map}, {transform_indices = #map}, {transform_indices = #map1}, {transform_indices = #map}, {transform_indices = #map}]} {
    %mul3A = arith.constant 2 : i32
    %mul3A_0 = arith.muli %arg1, %mul3A : i32
    %add3A = arith.addi %mul3A_0, %arg0 : i32
    %mul3A_1 = arith.constant 3136 : i32
    %mul3A_2 = arith.muli %add3A, %mul3A_1 : i32
    %eq3A = arith.constant 31 : i32
    %eq3A_3 = arith.cmpi eq, %add3A, %eq3A : i32
    "tpu.region"() ({
      %run_scoped3A = tpu.sem_alloc : memref<!tpu.dma_semaphore, #tpu.memory_space<semaphore_mem>>
      tpu.enqueue_dma source(%arg2 : memref<1024xf32, #tpu.memory_space<hbm>>) target(%arg8 : memref<1024xf32, #tpu.memory_space<vmem>>) target_semaphore(%run_scoped3A : memref<!tpu.dma_semaphore, #tpu.memory_space<semaphore_mem>>)
      tpu.wait_dma2 semaphore(%run_scoped3A : memref<!tpu.dma_semaphore, #tpu.memory_space<semaphore_mem>>) src(%arg2 : memref<1024xf32, #tpu.memory_space<hbm>>) dst(%arg8 : memref<1024xf32, #tpu.memory_space<vmem>>)
      tpu.yield
    }) : () -> ()
    "tpu.region"() ({
      %run_scoped3A = tpu.sem_alloc : memref<!tpu.dma_semaphore, #tpu.memory_space<semaphore_mem>>
      tpu.enqueue_dma source(%arg5 : memref<32x1024xf32, #tpu.memory_space<hbm>>) target(%arg11 : memref<32x1024xf32, #tpu.memory_space<vmem>>) target_semaphore(%run_scoped3A : memref<!tpu.dma_semaphore, #tpu.memory_space<semaphore_mem>>)
      tpu.wait_dma2 semaphore(%run_scoped3A : memref<!tpu.dma_semaphore, #tpu.memory_space<semaphore_mem>>) src(%arg5 : memref<32x1024xf32, #tpu.memory_space<hbm>>) dst(%arg11 : memref<32x1024xf32, #tpu.memory_space<vmem>>)
      tpu.yield
    }) : () -> ()
    %not3A = arith.constant true
    %not3A_4 = arith.xori %eq3A_3, %not3A : i1
    %convert_element_type3A = arith.extui %not3A_4 : i1 to i32
    %cond3A = arith.constant 0 : i32
    %cond3A_5 = arith.cmpi ne, %convert_element_type3A, %cond3A : i32
    scf.if %cond3A_5 {
      "tpu.region"() ({
        %run_scoped3A = tpu.sem_alloc : memref<!tpu.dma_semaphore, #tpu.memory_space<semaphore_mem>>
        %dma_start3A = tpu.memref_slice %arg3[%mul3A_2] : memref<100000xi32, #tpu.memory_space<hbm>> -> memref<3136xi32, #tpu.memory_space<hbm>>
        %dma_start3A_22 = tpu.memref_slice %arg3[%mul3A_2] : memref<100000xi32, #tpu.memory_space<hbm>> -> memref<3136xi32, #tpu.memory_space<hbm>>
        tpu.enqueue_dma source(%dma_start3A_22 : memref<3136xi32, #tpu.memory_space<hbm>>) target(%arg13 : memref<3136xi32, #tpu.memory_space<vmem>>) target_semaphore(%run_scoped3A : memref<!tpu.dma_semaphore, #tpu.memory_space<semaphore_mem>>)
        %dma_wait3A = tpu.memref_slice %arg3[%mul3A_2] : memref<100000xi32, #tpu.memory_space<hbm>> -> memref<3136xi32, #tpu.memory_space<hbm>>
        %dma_wait3A_23 = tpu.memref_slice %arg3[%mul3A_2] : memref<100000xi32, #tpu.memory_space<hbm>> -> memref<3136xi32, #tpu.memory_space<hbm>>
        tpu.wait_dma2 semaphore(%run_scoped3A : memref<!tpu.dma_semaphore, #tpu.memory_space<semaphore_mem>>) src(%dma_wait3A_23 : memref<3136xi32, #tpu.memory_space<hbm>>) dst(%arg13 : memref<3136xi32, #tpu.memory_space<vmem>>)
        tpu.yield
      }) : () -> ()
      "tpu.region"() ({
        %run_scoped3A = tpu.sem_alloc : memref<!tpu.dma_semaphore, #tpu.memory_space<semaphore_mem>>
        %dma_start3A = tpu.memref_slice %arg4[%mul3A_2] : memref<100000xf32, #tpu.memory_space<hbm>> -> memref<3136xf32, #tpu.memory_space<hbm>>
        %dma_start3A_22 = tpu.memref_slice %arg4[%mul3A_2] : memref<100000xf32, #tpu.memory_space<hbm>> -> memref<3136xf32, #tpu.memory_space<hbm>>
        tpu.enqueue_dma source(%dma_start3A_22 : memref<3136xf32, #tpu.memory_space<hbm>>) target(%arg14 : memref<3136xf32, #tpu.memory_space<vmem>>) target_semaphore(%run_scoped3A : memref<!tpu.dma_semaphore, #tpu.memory_space<semaphore_mem>>)
        %dma_wait3A = tpu.memref_slice %arg4[%mul3A_2] : memref<100000xf32, #tpu.memory_space<hbm>> -> memref<3136xf32, #tpu.memory_space<hbm>>
        %dma_wait3A_23 = tpu.memref_slice %arg4[%mul3A_2] : memref<100000xf32, #tpu.memory_space<hbm>> -> memref<3136xf32, #tpu.memory_space<hbm>>
        tpu.wait_dma2 semaphore(%run_scoped3A : memref<!tpu.dma_semaphore, #tpu.memory_space<semaphore_mem>>) src(%dma_wait3A_23 : memref<3136xf32, #tpu.memory_space<hbm>>) dst(%arg14 : memref<3136xf32, #tpu.memory_space<vmem>>)
        tpu.yield
      }) : () -> ()
    } else {
    }
    %convert_element_type3A_6 = arith.extui %eq3A_3 : i1 to i32
    %cond3A_7 = arith.constant 0 : i32
    %cond3A_8 = arith.cmpi ne, %convert_element_type3A_6, %cond3A_7 : i32
    scf.if %cond3A_8 {
      "tpu.region"() ({
        %run_scoped3A = tpu.sem_alloc : memref<!tpu.dma_semaphore, #tpu.memory_space<semaphore_mem>>
        %dma_start3A = arith.constant 0 : i32
        %dma_start3A_22 = tpu.memref_slice %arg13[%dma_start3A] : memref<3136xi32, #tpu.memory_space<vmem>> -> memref<2784xi32, #tpu.memory_space<vmem>>
        %dma_start3A_23 = tpu.memref_slice %arg3[%mul3A_2] : memref<100000xi32, #tpu.memory_space<hbm>> -> memref<2784xi32, #tpu.memory_space<hbm>>
        %dma_start3A_24 = arith.constant 0 : i32
        %dma_start3A_25 = tpu.memref_slice %arg13[%dma_start3A_24] : memref<3136xi32, #tpu.memory_space<vmem>> -> memref<2784xi32, #tpu.memory_space<vmem>>
        %dma_start3A_26 = tpu.memref_slice %arg3[%mul3A_2] : memref<100000xi32, #tpu.memory_space<hbm>> -> memref<2784xi32, #tpu.memory_space<hbm>>
        tpu.enqueue_dma source(%dma_start3A_26 : memref<2784xi32, #tpu.memory_space<hbm>>) target(%dma_start3A_25 : memref<2784xi32, #tpu.memory_space<vmem>>) target_semaphore(%run_scoped3A : memref<!tpu.dma_semaphore, #tpu.memory_space<semaphore_mem>>)
        %dma_wait3A = arith.constant 0 : i32
        %dma_wait3A_27 = tpu.memref_slice %arg13[%dma_wait3A] : memref<3136xi32, #tpu.memory_space<vmem>> -> memref<2784xi32, #tpu.memory_space<vmem>>
        %dma_wait3A_28 = tpu.memref_slice %arg3[%mul3A_2] : memref<100000xi32, #tpu.memory_space<hbm>> -> memref<2784xi32, #tpu.memory_space<hbm>>
        %dma_wait3A_29 = arith.constant 0 : i32
        %dma_wait3A_30 = tpu.memref_slice %arg13[%dma_wait3A_29] : memref<3136xi32, #tpu.memory_space<vmem>> -> memref<2784xi32, #tpu.memory_space<vmem>>
        %dma_wait3A_31 = tpu.memref_slice %arg3[%mul3A_2] : memref<100000xi32, #tpu.memory_space<hbm>> -> memref<2784xi32, #tpu.memory_space<hbm>>
        tpu.wait_dma2 semaphore(%run_scoped3A : memref<!tpu.dma_semaphore, #tpu.memory_space<semaphore_mem>>) src(%dma_wait3A_31 : memref<2784xi32, #tpu.memory_space<hbm>>) dst(%dma_wait3A_30 : memref<2784xi32, #tpu.memory_space<vmem>>)
        tpu.yield
      }) : () -> ()
      "tpu.region"() ({
        %run_scoped3A = tpu.sem_alloc : memref<!tpu.dma_semaphore, #tpu.memory_space<semaphore_mem>>
        %dma_start3A = arith.constant 0 : i32
        %dma_start3A_22 = tpu.memref_slice %arg14[%dma_start3A] : memref<3136xf32, #tpu.memory_space<vmem>> -> memref<2784xf32, #tpu.memory_space<vmem>>
        %dma_start3A_23 = tpu.memref_slice %arg4[%mul3A_2] : memref<100000xf32, #tpu.memory_space<hbm>> -> memref<2784xf32, #tpu.memory_space<hbm>>
        %dma_start3A_24 = arith.constant 0 : i32
        %dma_start3A_25 = tpu.memref_slice %arg14[%dma_start3A_24] : memref<3136xf32, #tpu.memory_space<vmem>> -> memref<2784xf32, #tpu.memory_space<vmem>>
        %dma_start3A_26 = tpu.memref_slice %arg4[%mul3A_2] : memref<100000xf32, #tpu.memory_space<hbm>> -> memref<2784xf32, #tpu.memory_space<hbm>>
        tpu.enqueue_dma source(%dma_start3A_26 : memref<2784xf32, #tpu.memory_space<hbm>>) target(%dma_start3A_25 : memref<2784xf32, #tpu.memory_space<vmem>>) target_semaphore(%run_scoped3A : memref<!tpu.dma_semaphore, #tpu.memory_space<semaphore_mem>>)
        %dma_wait3A = arith.constant 0 : i32
        %dma_wait3A_27 = tpu.memref_slice %arg14[%dma_wait3A] : memref<3136xf32, #tpu.memory_space<vmem>> -> memref<2784xf32, #tpu.memory_space<vmem>>
        %dma_wait3A_28 = tpu.memref_slice %arg4[%mul3A_2] : memref<100000xf32, #tpu.memory_space<hbm>> -> memref<2784xf32, #tpu.memory_space<hbm>>
        %dma_wait3A_29 = arith.constant 0 : i32
        %dma_wait3A_30 = tpu.memref_slice %arg14[%dma_wait3A_29] : memref<3136xf32, #tpu.memory_space<vmem>> -> memref<2784xf32, #tpu.memory_space<vmem>>
        %dma_wait3A_31 = tpu.memref_slice %arg4[%mul3A_2] : memref<100000xf32, #tpu.memory_space<hbm>> -> memref<2784xf32, #tpu.memory_space<hbm>>
        tpu.wait_dma2 semaphore(%run_scoped3A : memref<!tpu.dma_semaphore, #tpu.memory_space<semaphore_mem>>) src(%dma_wait3A_31 : memref<2784xf32, #tpu.memory_space<hbm>>) dst(%dma_wait3A_30 : memref<2784xf32, #tpu.memory_space<vmem>>)
        tpu.yield
      }) : () -> ()
    } else {
    }
    %parallel_loop3A = arith.constant 0 : i32
    %parallel_loop3A_9 = arith.constant 64 : i32
    %parallel_loop3A_10 = arith.constant 1 : i32
    scf.for %parallel_loop3A_22 = %parallel_loop3A to %parallel_loop3A_9 step %parallel_loop3A_10  : i32 {
      %parallel_loop3A_23 = arith.constant 16 : i32
      %parallel_loop3A_24 = arith.muli %parallel_loop3A_22, %parallel_loop3A_23 : i32
      %parallel_loop3A_25 = arith.index_cast %parallel_loop3A_24 : i32 to index
      %parallel_loop3A_26 = tpu.vector_load %arg8[%parallel_loop3A_25] {strides = array<i32>} : memref<1024xf32, #tpu.memory_space<vmem>>, vector<16xf32>,
      %parallel_loop3A_27 = arith.constant 0.000000e+00 : f32
      %parallel_loop3A_28 = vector.broadcast %parallel_loop3A_27 : f32 to vector<16xf32>
      %parallel_loop3A_29 = arith.maximumf %parallel_loop3A_26, %parallel_loop3A_28 : vector<16xf32>
      %parallel_loop3A_30 = arith.constant 16 : i32
      %parallel_loop3A_31 = arith.muli %parallel_loop3A_22, %parallel_loop3A_30 : i32
      %parallel_loop3A_32 = arith.index_cast %parallel_loop3A_31 : i32 to index
      %parallel_loop3A_33 = tpu.vector_load %arg9[%parallel_loop3A_32] {strides = array<i32>} : memref<1024xf32, #tpu.memory_space<vmem>>, vector<16xf32>,
      tpu.vector_store %arg9[%parallel_loop3A_32], %parallel_loop3A_29 {strides = array<i32>} : memref<1024xf32, #tpu.memory_space<vmem>>, vector<16xf32>,
      %parallel_loop3A_34 = arith.constant 0.000000e+00 : f32
      %parallel_loop3A_35 = vector.broadcast %parallel_loop3A_34 : f32 to vector<16xf32>
      %parallel_loop3A_36 = arith.subf %parallel_loop3A_35, %parallel_loop3A_26 : vector<16xf32>
      %parallel_loop3A_37 = arith.constant 0.000000e+00 : f32
      %parallel_loop3A_38 = vector.broadcast %parallel_loop3A_37 : f32 to vector<16xf32>
      %parallel_loop3A_39 = arith.maximumf %parallel_loop3A_36, %parallel_loop3A_38 : vector<16xf32>
      %parallel_loop3A_40 = arith.constant 16 : i32
      %parallel_loop3A_41 = arith.muli %parallel_loop3A_22, %parallel_loop3A_40 : i32
      %parallel_loop3A_42 = arith.index_cast %parallel_loop3A_41 : i32 to index
      %parallel_loop3A_43 = tpu.vector_load %arg10[%parallel_loop3A_42] {strides = array<i32>} : memref<1024xf32, #tpu.memory_space<vmem>>, vector<16xf32>,
      tpu.vector_store %arg10[%parallel_loop3A_42], %parallel_loop3A_39 {strides = array<i32>} : memref<1024xf32, #tpu.memory_space<vmem>>, vector<16xf32>,
      %parallel_loop3A_44 = arith.constant 16 : i32
      %parallel_loop3A_45 = arith.muli %parallel_loop3A_22, %parallel_loop3A_44 : i32
      %parallel_loop3A_46 = arith.constant 0 : i32
      %parallel_loop3A_47 = arith.index_cast %parallel_loop3A_46 : i32 to index
      %parallel_loop3A_48 = arith.index_cast %parallel_loop3A_45 : i32 to index
      %parallel_loop3A_49 = tpu.vector_load %arg11[%parallel_loop3A_47, %parallel_loop3A_48] {strides = array<i32>} : memref<32x1024xf32, #tpu.memory_space<vmem>>, vector<16xf32>,
      %parallel_loop3A_50 = arith.constant 16 : i32
      %parallel_loop3A_51 = arith.muli %parallel_loop3A_22, %parallel_loop3A_50 : i32
      %parallel_loop3A_52 = arith.constant 1 : i32
      %parallel_loop3A_53 = arith.index_cast %parallel_loop3A_52 : i32 to index
      %parallel_loop3A_54 = arith.index_cast %parallel_loop3A_51 : i32 to index
      %parallel_loop3A_55 = tpu.vector_load %arg11[%parallel_loop3A_53, %parallel_loop3A_54] {strides = array<i32>} : memref<32x1024xf32, #tpu.memory_space<vmem>>, vector<16xf32>,
      %parallel_loop3A_56 = arith.addf %parallel_loop3A_49, %parallel_loop3A_55 : vector<16xf32>
      %parallel_loop3A_57 = arith.constant 16 : i32
      %parallel_loop3A_58 = arith.muli %parallel_loop3A_22, %parallel_loop3A_57 : i32
      %parallel_loop3A_59 = arith.constant 2 : i32
      %parallel_loop3A_60 = arith.index_cast %parallel_loop3A_59 : i32 to index
      %parallel_loop3A_61 = arith.index_cast %parallel_loop3A_58 : i32 to index
      %parallel_loop3A_62 = tpu.vector_load %arg11[%parallel_loop3A_60, %parallel_loop3A_61] {strides = array<i32>} : memref<32x1024xf32, #tpu.memory_space<vmem>>, vector<16xf32>,
      %parallel_loop3A_63 = arith.addf %parallel_loop3A_56, %parallel_loop3A_62 : vector<16xf32>
      %parallel_loop3A_64 = arith.constant 16 : i32
      %parallel_loop3A_65 = arith.muli %parallel_loop3A_22, %parallel_loop3A_64 : i32
      %parallel_loop3A_66 = arith.constant 3 : i32
      %parallel_loop3A_67 = arith.index_cast %parallel_loop3A_66 : i32 to index
      %parallel_loop3A_68 = arith.index_cast %parallel_loop3A_65 : i32 to index
      %parallel_loop3A_69 = tpu.vector_load %arg11[%parallel_loop3A_67, %parallel_loop3A_68] {strides = array<i32>} : memref<32x1024xf32, #tpu.memory_space<vmem>>, vector<16xf32>,
      %parallel_loop3A_70 = arith.addf %parallel_loop3A_63, %parallel_loop3A_69 : vector<16xf32>
      %parallel_loop3A_71 = arith.constant 16 : i32
      %parallel_loop3A_72 = arith.muli %parallel_loop3A_22, %parallel_loop3A_71 : i32
      %parallel_loop3A_73 = arith.constant 4 : i32
      %parallel_loop3A_74 = arith.index_cast %parallel_loop3A_73 : i32 to index
      %parallel_loop3A_75 = arith.index_cast %parallel_loop3A_72 : i32 to index
      %parallel_loop3A_76 = tpu.vector_load %arg11[%parallel_loop3A_74, %parallel_loop3A_75] {strides = array<i32>} : memref<32x1024xf32, #tpu.memory_space<vmem>>, vector<16xf32>,
      %parallel_loop3A_77 = arith.addf %parallel_loop3A_70, %parallel_loop3A_76 : vector<16xf32>
      %parallel_loop3A_78 = arith.constant 16 : i32
      %parallel_loop3A_79 = arith.muli %parallel_loop3A_22, %parallel_loop3A_78 : i32
      %parallel_loop3A_80 = arith.constant 5 : i32
      %parallel_loop3A_81 = arith.index_cast %parallel_loop3A_80 : i32 to index
      %parallel_loop3A_82 = arith.index_cast %parallel_loop3A_79 : i32 to index
      %parallel_loop3A_83 = tpu.vector_load %arg11[%parallel_loop3A_81, %parallel_loop3A_82] {strides = array<i32>} : memref<32x1024xf32, #tpu.memory_space<vmem>>, vector<16xf32>,
      %parallel_loop3A_84 = arith.addf %parallel_loop3A_77, %parallel_loop3A_83 : vector<16xf32>
      %parallel_loop3A_85 = arith.constant 16 : i32
      %parallel_loop3A_86 = arith.muli %parallel_loop3A_22, %parallel_loop3A_85 : i32
      %parallel_loop3A_87 = arith.constant 6 : i32
      %parallel_loop3A_88 = arith.index_cast %parallel_loop3A_87 : i32 to index
      %parallel_loop3A_89 = arith.index_cast %parallel_loop3A_86 : i32 to index
      %parallel_loop3A_90 = tpu.vector_load %arg11[%parallel_loop3A_88, %parallel_loop3A_89] {strides = array<i32>} : memref<32x1024xf32, #tpu.memory_space<vmem>>, vector<16xf32>,
      %parallel_loop3A_91 = arith.addf %parallel_loop3A_84, %parallel_loop3A_90 : vector<16xf32>
      %parallel_loop3A_92 = arith.constant 16 : i32
      %parallel_loop3A_93 = arith.muli %parallel_loop3A_22, %parallel_loop3A_92 : i32
      %parallel_loop3A_94 = arith.constant 7 : i32
      %parallel_loop3A_95 = arith.index_cast %parallel_loop3A_94 : i32 to index
      %parallel_loop3A_96 = arith.index_cast %parallel_loop3A_93 : i32 to index
      %parallel_loop3A_97 = tpu.vector_load %arg11[%parallel_loop3A_95, %parallel_loop3A_96] {strides = array<i32>} : memref<32x1024xf32, #tpu.memory_space<vmem>>, vector<16xf32>,
      %parallel_loop3A_98 = arith.addf %parallel_loop3A_91, %parallel_loop3A_97 : vector<16xf32>
      %parallel_loop3A_99 = arith.constant 16 : i32
      %parallel_loop3A_100 = arith.muli %parallel_loop3A_22, %parallel_loop3A_99 : i32
      %parallel_loop3A_101 = arith.constant 8 : i32
      %parallel_loop3A_102 = arith.index_cast %parallel_loop3A_101 : i32 to index
      %parallel_loop3A_103 = arith.index_cast %parallel_loop3A_100 : i32 to index
      %parallel_loop3A_104 = tpu.vector_load %arg11[%parallel_loop3A_102, %parallel_loop3A_103] {strides = array<i32>} : memref<32x1024xf32, #tpu.memory_space<vmem>>, vector<16xf32>,
      %parallel_loop3A_105 = arith.addf %parallel_loop3A_98, %parallel_loop3A_104 : vector<16xf32>
      %parallel_loop3A_106 = arith.constant 16 : i32
      %parallel_loop3A_107 = arith.muli %parallel_loop3A_22, %parallel_loop3A_106 : i32
      %parallel_loop3A_108 = arith.constant 9 : i32
      %parallel_loop3A_109 = arith.index_cast %parallel_loop3A_108 : i32 to index
      %parallel_loop3A_110 = arith.index_cast %parallel_loop3A_107 : i32 to index
      %parallel_loop3A_111 = tpu.vector_load %arg11[%parallel_loop3A_109, %parallel_loop3A_110] {strides = array<i32>} : memref<32x1024xf32, #tpu.memory_space<vmem>>, vector<16xf32>,
      %parallel_loop3A_112 = arith.addf %parallel_loop3A_105, %parallel_loop3A_111 : vector<16xf32>
      %parallel_loop3A_113 = arith.constant 16 : i32
      %parallel_loop3A_114 = arith.muli %parallel_loop3A_22, %parallel_loop3A_113 : i32
      %parallel_loop3A_115 = arith.constant 10 : i32
      %parallel_loop3A_116 = arith.index_cast %parallel_loop3A_115 : i32 to index
      %parallel_loop3A_117 = arith.index_cast %parallel_loop3A_114 : i32 to index
      %parallel_loop3A_118 = tpu.vector_load %arg11[%parallel_loop3A_116, %parallel_loop3A_117] {strides = array<i32>} : memref<32x1024xf32, #tpu.memory_space<vmem>>, vector<16xf32>,
      %parallel_loop3A_119 = arith.addf %parallel_loop3A_112, %parallel_loop3A_118 : vector<16xf32>
      %parallel_loop3A_120 = arith.constant 16 : i32
      %parallel_loop3A_121 = arith.muli %parallel_loop3A_22, %parallel_loop3A_120 : i32
      %parallel_loop3A_122 = arith.constant 11 : i32
      %parallel_loop3A_123 = arith.index_cast %parallel_loop3A_122 : i32 to index
      %parallel_loop3A_124 = arith.index_cast %parallel_loop3A_121 : i32 to index
      %parallel_loop3A_125 = tpu.vector_load %arg11[%parallel_loop3A_123, %parallel_loop3A_124] {strides = array<i32>} : memref<32x1024xf32, #tpu.memory_space<vmem>>, vector<16xf32>,
      %parallel_loop3A_126 = arith.addf %parallel_loop3A_119, %parallel_loop3A_125 : vector<16xf32>
      %parallel_loop3A_127 = arith.constant 16 : i32
      %parallel_loop3A_128 = arith.muli %parallel_loop3A_22, %parallel_loop3A_127 : i32
      %parallel_loop3A_129 = arith.constant 12 : i32
      %parallel_loop3A_130 = arith.index_cast %parallel_loop3A_129 : i32 to index
      %parallel_loop3A_131 = arith.index_cast %parallel_loop3A_128 : i32 to index
      %parallel_loop3A_132 = tpu.vector_load %arg11[%parallel_loop3A_130, %parallel_loop3A_131] {strides = array<i32>} : memref<32x1024xf32, #tpu.memory_space<vmem>>, vector<16xf32>,
      %parallel_loop3A_133 = arith.addf %parallel_loop3A_126, %parallel_loop3A_132 : vector<16xf32>
      %parallel_loop3A_134 = arith.constant 16 : i32
      %parallel_loop3A_135 = arith.muli %parallel_loop3A_22, %parallel_loop3A_134 : i32
      %parallel_loop3A_136 = arith.constant 13 : i32
      %parallel_loop3A_137 = arith.index_cast %parallel_loop3A_136 : i32 to index
      %parallel_loop3A_138 = arith.index_cast %parallel_loop3A_135 : i32 to index
      %parallel_loop3A_139 = tpu.vector_load %arg11[%parallel_loop3A_137, %parallel_loop3A_138] {strides = array<i32>} : memref<32x1024xf32, #tpu.memory_space<vmem>>, vector<16xf32>,
      %parallel_loop3A_140 = arith.addf %parallel_loop3A_133, %parallel_loop3A_139 : vector<16xf32>
      %parallel_loop3A_141 = arith.constant 16 : i32
      %parallel_loop3A_142 = arith.muli %parallel_loop3A_22, %parallel_loop3A_141 : i32
      %parallel_loop3A_143 = arith.constant 14 : i32
      %parallel_loop3A_144 = arith.index_cast %parallel_loop3A_143 : i32 to index
      %parallel_loop3A_145 = arith.index_cast %parallel_loop3A_142 : i32 to index
      %parallel_loop3A_146 = tpu.vector_load %arg11[%parallel_loop3A_144, %parallel_loop3A_145] {strides = array<i32>} : memref<32x1024xf32, #tpu.memory_space<vmem>>, vector<16xf32>,
      %parallel_loop3A_147 = arith.addf %parallel_loop3A_140, %parallel_loop3A_146 : vector<16xf32>
      %parallel_loop3A_148 = arith.constant 16 : i32
      %parallel_loop3A_149 = arith.muli %parallel_loop3A_22, %parallel_loop3A_148 : i32
      %parallel_loop3A_150 = arith.constant 15 : i32
      %parallel_loop3A_151 = arith.index_cast %parallel_loop3A_150 : i32 to index
      %parallel_loop3A_152 = arith.index_cast %parallel_loop3A_149 : i32 to index
      %parallel_loop3A_153 = tpu.vector_load %arg11[%parallel_loop3A_151, %parallel_loop3A_152] {strides = array<i32>} : memref<32x1024xf32, #tpu.memory_space<vmem>>, vector<16xf32>,
      %parallel_loop3A_154 = arith.addf %parallel_loop3A_147, %parallel_loop3A_153 : vector<16xf32>
      %parallel_loop3A_155 = arith.constant 16 : i32
      %parallel_loop3A_156 = arith.muli %parallel_loop3A_22, %parallel_loop3A_155 : i32
      %parallel_loop3A_157 = arith.constant 16 : i32
      %parallel_loop3A_158 = arith.index_cast %parallel_loop3A_157 : i32 to index
      %parallel_loop3A_159 = arith.index_cast %parallel_loop3A_156 : i32 to index
      %parallel_loop3A_160 = tpu.vector_load %arg11[%parallel_loop3A_158, %parallel_loop3A_159] {strides = array<i32>} : memref<32x1024xf32, #tpu.memory_space<vmem>>, vector<16xf32>,
      %parallel_loop3A_161 = arith.addf %parallel_loop3A_154, %parallel_loop3A_160 : vector<16xf32>
      %parallel_loop3A_162 = arith.constant 16 : i32
      %parallel_loop3A_163 = arith.muli %parallel_loop3A_22, %parallel_loop3A_162 : i32
      %parallel_loop3A_164 = arith.constant 17 : i32
      %parallel_loop3A_165 = arith.index_cast %parallel_loop3A_164 : i32 to index
      %parallel_loop3A_166 = arith.index_cast %parallel_loop3A_163 : i32 to index
      %parallel_loop3A_167 = tpu.vector_load %arg11[%parallel_loop3A_165, %parallel_loop3A_166] {strides = array<i32>} : memref<32x1024xf32, #tpu.memory_space<vmem>>, vector<16xf32>,
      %parallel_loop3A_168 = arith.addf %parallel_loop3A_161, %parallel_loop3A_167 : vector<16xf32>
      %parallel_loop3A_169 = arith.constant 16 : i32
      %parallel_loop3A_170 = arith.muli %parallel_loop3A_22, %parallel_loop3A_169 : i32
      %parallel_loop3A_171 = arith.constant 18 : i32
      %parallel_loop3A_172 = arith.index_cast %parallel_loop3A_171 : i32 to index
      %parallel_loop3A_173 = arith.index_cast %parallel_loop3A_170 : i32 to index
      %parallel_loop3A_174 = tpu.vector_load %arg11[%parallel_loop3A_172, %parallel_loop3A_173] {strides = array<i32>} : memref<32x1024xf32, #tpu.memory_space<vmem>>, vector<16xf32>,
      %parallel_loop3A_175 = arith.addf %parallel_loop3A_168, %parallel_loop3A_174 : vector<16xf32>
      %parallel_loop3A_176 = arith.constant 16 : i32
      %parallel_loop3A_177 = arith.muli %parallel_loop3A_22, %parallel_loop3A_176 : i32
      %parallel_loop3A_178 = arith.constant 19 : i32
      %parallel_loop3A_179 = arith.index_cast %parallel_loop3A_178 : i32 to index
      %parallel_loop3A_180 = arith.index_cast %parallel_loop3A_177 : i32 to index
      %parallel_loop3A_181 = tpu.vector_load %arg11[%parallel_loop3A_179, %parallel_loop3A_180] {strides = array<i32>} : memref<32x1024xf32, #tpu.memory_space<vmem>>, vector<16xf32>,
      %parallel_loop3A_182 = arith.addf %parallel_loop3A_175, %parallel_loop3A_181 : vector<16xf32>
      %parallel_loop3A_183 = arith.constant 16 : i32
      %parallel_loop3A_184 = arith.muli %parallel_loop3A_22, %parallel_loop3A_183 : i32
      %parallel_loop3A_185 = arith.constant 20 : i32
      %parallel_loop3A_186 = arith.index_cast %parallel_loop3A_185 : i32 to index
      %parallel_loop3A_187 = arith.index_cast %parallel_loop3A_184 : i32 to index
      %parallel_loop3A_188 = tpu.vector_load %arg11[%parallel_loop3A_186, %parallel_loop3A_187] {strides = array<i32>} : memref<32x1024xf32, #tpu.memory_space<vmem>>, vector<16xf32>,
      %parallel_loop3A_189 = arith.addf %parallel_loop3A_182, %parallel_loop3A_188 : vector<16xf32>
      %parallel_loop3A_190 = arith.constant 16 : i32
      %parallel_loop3A_191 = arith.muli %parallel_loop3A_22, %parallel_loop3A_190 : i32
      %parallel_loop3A_192 = arith.constant 21 : i32
      %parallel_loop3A_193 = arith.index_cast %parallel_loop3A_192 : i32 to index
      %parallel_loop3A_194 = arith.index_cast %parallel_loop3A_191 : i32 to index
      %parallel_loop3A_195 = tpu.vector_load %arg11[%parallel_loop3A_193, %parallel_loop3A_194] {strides = array<i32>} : memref<32x1024xf32, #tpu.memory_space<vmem>>, vector<16xf32>,
      %parallel_loop3A_196 = arith.addf %parallel_loop3A_189, %parallel_loop3A_195 : vector<16xf32>
      %parallel_loop3A_197 = arith.constant 16 : i32
      %parallel_loop3A_198 = arith.muli %parallel_loop3A_22, %parallel_loop3A_197 : i32
      %parallel_loop3A_199 = arith.constant 22 : i32
      %parallel_loop3A_200 = arith.index_cast %parallel_loop3A_199 : i32 to index
      %parallel_loop3A_201 = arith.index_cast %parallel_loop3A_198 : i32 to index
      %parallel_loop3A_202 = tpu.vector_load %arg11[%parallel_loop3A_200, %parallel_loop3A_201] {strides = array<i32>} : memref<32x1024xf32, #tpu.memory_space<vmem>>, vector<16xf32>,
      %parallel_loop3A_203 = arith.addf %parallel_loop3A_196, %parallel_loop3A_202 : vector<16xf32>
      %parallel_loop3A_204 = arith.constant 16 : i32
      %parallel_loop3A_205 = arith.muli %parallel_loop3A_22, %parallel_loop3A_204 : i32
      %parallel_loop3A_206 = arith.constant 23 : i32
      %parallel_loop3A_207 = arith.index_cast %parallel_loop3A_206 : i32 to index
      %parallel_loop3A_208 = arith.index_cast %parallel_loop3A_205 : i32 to index
      %parallel_loop3A_209 = tpu.vector_load %arg11[%parallel_loop3A_207, %parallel_loop3A_208] {strides = array<i32>} : memref<32x1024xf32, #tpu.memory_space<vmem>>, vector<16xf32>,
      %parallel_loop3A_210 = arith.addf %parallel_loop3A_203, %parallel_loop3A_209 : vector<16xf32>
      %parallel_loop3A_211 = arith.constant 16 : i32
      %parallel_loop3A_212 = arith.muli %parallel_loop3A_22, %parallel_loop3A_211 : i32
      %parallel_loop3A_213 = arith.constant 24 : i32
      %parallel_loop3A_214 = arith.index_cast %parallel_loop3A_213 : i32 to index
      %parallel_loop3A_215 = arith.index_cast %parallel_loop3A_212 : i32 to index
      %parallel_loop3A_216 = tpu.vector_load %arg11[%parallel_loop3A_214, %parallel_loop3A_215] {strides = array<i32>} : memref<32x1024xf32, #tpu.memory_space<vmem>>, vector<16xf32>,
      %parallel_loop3A_217 = arith.addf %parallel_loop3A_210, %parallel_loop3A_216 : vector<16xf32>
      %parallel_loop3A_218 = arith.constant 16 : i32
      %parallel_loop3A_219 = arith.muli %parallel_loop3A_22, %parallel_loop3A_218 : i32
      %parallel_loop3A_220 = arith.constant 25 : i32
      %parallel_loop3A_221 = arith.index_cast %parallel_loop3A_220 : i32 to index
      %parallel_loop3A_222 = arith.index_cast %parallel_loop3A_219 : i32 to index
      %parallel_loop3A_223 = tpu.vector_load %arg11[%parallel_loop3A_221, %parallel_loop3A_222] {strides = array<i32>} : memref<32x1024xf32, #tpu.memory_space<vmem>>, vector<16xf32>,
      %parallel_loop3A_224 = arith.addf %parallel_loop3A_217, %parallel_loop3A_223 : vector<16xf32>
      %parallel_loop3A_225 = arith.constant 16 : i32
      %parallel_loop3A_226 = arith.muli %parallel_loop3A_22, %parallel_loop3A_225 : i32
      %parallel_loop3A_227 = arith.constant 26 : i32
      %parallel_loop3A_228 = arith.index_cast %parallel_loop3A_227 : i32 to index
      %parallel_loop3A_229 = arith.index_cast %parallel_loop3A_226 : i32 to index
      %parallel_loop3A_230 = tpu.vector_load %arg11[%parallel_loop3A_228, %parallel_loop3A_229] {strides = array<i32>} : memref<32x1024xf32, #tpu.memory_space<vmem>>, vector<16xf32>,
      %parallel_loop3A_231 = arith.addf %parallel_loop3A_224, %parallel_loop3A_230 : vector<16xf32>
      %parallel_loop3A_232 = arith.constant 16 : i32
      %parallel_loop3A_233 = arith.muli %parallel_loop3A_22, %parallel_loop3A_232 : i32
      %parallel_loop3A_234 = arith.constant 27 : i32
      %parallel_loop3A_235 = arith.index_cast %parallel_loop3A_234 : i32 to index
      %parallel_loop3A_236 = arith.index_cast %parallel_loop3A_233 : i32 to index
      %parallel_loop3A_237 = tpu.vector_load %arg11[%parallel_loop3A_235, %parallel_loop3A_236] {strides = array<i32>} : memref<32x1024xf32, #tpu.memory_space<vmem>>, vector<16xf32>,
      %parallel_loop3A_238 = arith.addf %parallel_loop3A_231, %parallel_loop3A_237 : vector<16xf32>
      %parallel_loop3A_239 = arith.constant 16 : i32
      %parallel_loop3A_240 = arith.muli %parallel_loop3A_22, %parallel_loop3A_239 : i32
      %parallel_loop3A_241 = arith.constant 28 : i32
      %parallel_loop3A_242 = arith.index_cast %parallel_loop3A_241 : i32 to index
      %parallel_loop3A_243 = arith.index_cast %parallel_loop3A_240 : i32 to index
      %parallel_loop3A_244 = tpu.vector_load %arg11[%parallel_loop3A_242, %parallel_loop3A_243] {strides = array<i32>} : memref<32x1024xf32, #tpu.memory_space<vmem>>, vector<16xf32>,
      %parallel_loop3A_245 = arith.addf %parallel_loop3A_238, %parallel_loop3A_244 : vector<16xf32>
      %parallel_loop3A_246 = arith.constant 16 : i32
      %parallel_loop3A_247 = arith.muli %parallel_loop3A_22, %parallel_loop3A_246 : i32
      %parallel_loop3A_248 = arith.constant 29 : i32
      %parallel_loop3A_249 = arith.index_cast %parallel_loop3A_248 : i32 to index
      %parallel_loop3A_250 = arith.index_cast %parallel_loop3A_247 : i32 to index
      %parallel_loop3A_251 = tpu.vector_load %arg11[%parallel_loop3A_249, %parallel_loop3A_250] {strides = array<i32>} : memref<32x1024xf32, #tpu.memory_space<vmem>>, vector<16xf32>,
      %parallel_loop3A_252 = arith.addf %parallel_loop3A_245, %parallel_loop3A_251 : vector<16xf32>
      %parallel_loop3A_253 = arith.constant 16 : i32
      %parallel_loop3A_254 = arith.muli %parallel_loop3A_22, %parallel_loop3A_253 : i32
      %parallel_loop3A_255 = arith.constant 30 : i32
      %parallel_loop3A_256 = arith.index_cast %parallel_loop3A_255 : i32 to index
      %parallel_loop3A_257 = arith.index_cast %parallel_loop3A_254 : i32 to index
      %parallel_loop3A_258 = tpu.vector_load %arg11[%parallel_loop3A_256, %parallel_loop3A_257] {strides = array<i32>} : memref<32x1024xf32, #tpu.memory_space<vmem>>, vector<16xf32>,
      %parallel_loop3A_259 = arith.addf %parallel_loop3A_252, %parallel_loop3A_258 : vector<16xf32>
      %parallel_loop3A_260 = arith.constant 16 : i32
      %parallel_loop3A_261 = arith.muli %parallel_loop3A_22, %parallel_loop3A_260 : i32
      %parallel_loop3A_262 = arith.constant 31 : i32
      %parallel_loop3A_263 = arith.index_cast %parallel_loop3A_262 : i32 to index
      %parallel_loop3A_264 = arith.index_cast %parallel_loop3A_261 : i32 to index
      %parallel_loop3A_265 = tpu.vector_load %arg11[%parallel_loop3A_263, %parallel_loop3A_264] {strides = array<i32>} : memref<32x1024xf32, #tpu.memory_space<vmem>>, vector<16xf32>,
      %parallel_loop3A_266 = arith.addf %parallel_loop3A_259, %parallel_loop3A_265 : vector<16xf32>
      %parallel_loop3A_267 = arith.constant 9.99999993E-9 : f32
      %parallel_loop3A_268 = vector.broadcast %parallel_loop3A_267 : f32 to vector<16xf32>
      %parallel_loop3A_269 = arith.addf %parallel_loop3A_266, %parallel_loop3A_268 : vector<16xf32>
      %parallel_loop3A_270 = arith.constant 16 : i32
      %parallel_loop3A_271 = arith.muli %parallel_loop3A_22, %parallel_loop3A_270 : i32
      %parallel_loop3A_272 = arith.index_cast %parallel_loop3A_271 : i32 to index
      %parallel_loop3A_273 = tpu.vector_load %arg12[%parallel_loop3A_272] {strides = array<i32>} : memref<1024xf32, #tpu.memory_space<vmem>>, vector<16xf32>,
      tpu.vector_store %arg12[%parallel_loop3A_272], %parallel_loop3A_269 {strides = array<i32>} : memref<1024xf32, #tpu.memory_space<vmem>>, vector<16xf32>,
    } {sc.loop_unroll_factor = 2 : i64, sc.parallel_access}
    %jit3A = arith.constant 174 : i32
    %jit3A_11 = arith.constant 196 : i32
    %select_n3A = arith.select %eq3A_3, %jit3A, %jit3A_11 : i32
    %parallel_loop3A_12 = arith.constant 0 : i32
    %parallel_loop3A_13 = arith.constant 1 : i32
    scf.for %parallel_loop3A_22 = %parallel_loop3A_12 to %select_n3A step %parallel_loop3A_13  : i32 {
      %parallel_loop3A_23 = arith.constant 16 : i32
      %parallel_loop3A_24 = arith.muli %parallel_loop3A_22, %parallel_loop3A_23 : i32
      %parallel_loop3A_25 = arith.index_cast %parallel_loop3A_24 : i32 to index
      %parallel_loop3A_26 = tpu.vector_load %arg13[%parallel_loop3A_25] {strides = array<i32>} : memref<3136xi32, #tpu.memory_space<vmem>>, vector<16xi32>,
      %parallel_loop3A_27 = arith.index_cast %parallel_loop3A_24 : i32 to index
      %parallel_loop3A_28 = tpu.vector_load %arg14[%parallel_loop3A_27] {strides = array<i32>} : memref<3136xf32, #tpu.memory_space<vmem>>, vector<16xf32>,
      %parallel_loop3A_29 = tpu.vector_load_idx %arg12[%parallel_loop3A_26] : memref<1024xf32, #tpu.memory_space<vmem>>[vector<16xi32>], vector<16xf32>,
      %parallel_loop3A_30 = arith.divf %parallel_loop3A_28, %parallel_loop3A_29 : vector<16xf32>
      %parallel_loop3A_31 = tpu.vector_load_idx %arg9[%parallel_loop3A_26] : memref<1024xf32, #tpu.memory_space<vmem>>[vector<16xi32>], vector<16xf32>,
      %parallel_loop3A_32 = arith.mulf %parallel_loop3A_30, %parallel_loop3A_31 : vector<16xf32>
      %parallel_loop3A_33 = arith.index_cast %parallel_loop3A_24 : i32 to index
      %parallel_loop3A_34 = tpu.vector_load %arg15[%parallel_loop3A_33] {strides = array<i32>} : memref<3136xf32, #tpu.memory_space<vmem>>, vector<16xf32>,
      tpu.vector_store %arg15[%parallel_loop3A_33], %parallel_loop3A_32 {strides = array<i32>} : memref<3136xf32, #tpu.memory_space<vmem>>, vector<16xf32>,
      %parallel_loop3A_35 = tpu.vector_load_idx %arg10[%parallel_loop3A_26] : memref<1024xf32, #tpu.memory_space<vmem>>[vector<16xi32>], vector<16xf32>,
      %parallel_loop3A_36 = arith.mulf %parallel_loop3A_30, %parallel_loop3A_35 : vector<16xf32>
      %parallel_loop3A_37 = arith.index_cast %parallel_loop3A_24 : i32 to index
      %parallel_loop3A_38 = tpu.vector_load %arg16[%parallel_loop3A_37] {strides = array<i32>} : memref<3136xf32, #tpu.memory_space<vmem>>, vector<16xf32>,
      tpu.vector_store %arg16[%parallel_loop3A_37], %parallel_loop3A_36 {strides = array<i32>} : memref<3136xf32, #tpu.memory_space<vmem>>, vector<16xf32>,
    } {sc.loop_unroll_factor = 4 : i64, sc.parallel_access}
    %not3A_14 = arith.constant true
    %not3A_15 = arith.xori %eq3A_3, %not3A_14 : i1
    %convert_element_type3A_16 = arith.extui %not3A_15 : i1 to i32
    %cond3A_17 = arith.constant 0 : i32
    %cond3A_18 = arith.cmpi ne, %convert_element_type3A_16, %cond3A_17 : i32
    scf.if %cond3A_18 {
      "tpu.region"() ({
        %run_scoped3A = tpu.sem_alloc : memref<!tpu.dma_semaphore, #tpu.memory_space<semaphore_mem>>
        %dma_start3A = tpu.memref_slice %arg6[%mul3A_2] : memref<100000xf32, #tpu.memory_space<hbm>> -> memref<3136xf32, #tpu.memory_space<hbm>>
        %dma_start3A_22 = tpu.memref_slice %arg6[%mul3A_2] : memref<100000xf32, #tpu.memory_space<hbm>> -> memref<3136xf32, #tpu.memory_space<hbm>>
        tpu.enqueue_dma source(%arg15 : memref<3136xf32, #tpu.memory_space<vmem>>) target(%dma_start3A_22 : memref<3136xf32, #tpu.memory_space<hbm>>) target_semaphore(%run_scoped3A : memref<!tpu.dma_semaphore, #tpu.memory_space<semaphore_mem>>)
        %dma_wait3A = tpu.memref_slice %arg6[%mul3A_2] : memref<100000xf32, #tpu.memory_space<hbm>> -> memref<3136xf32, #tpu.memory_space<hbm>>
        %dma_wait3A_23 = tpu.memref_slice %arg6[%mul3A_2] : memref<100000xf32, #tpu.memory_space<hbm>> -> memref<3136xf32, #tpu.memory_space<hbm>>
        tpu.wait_dma2 semaphore(%run_scoped3A : memref<!tpu.dma_semaphore, #tpu.memory_space<semaphore_mem>>) src(%arg15 : memref<3136xf32, #tpu.memory_space<vmem>>) dst(%dma_wait3A_23 : memref<3136xf32, #tpu.memory_space<hbm>>)
        tpu.yield
      }) : () -> ()
      "tpu.region"() ({
        %run_scoped3A = tpu.sem_alloc : memref<!tpu.dma_semaphore, #tpu.memory_space<semaphore_mem>>
        %dma_start3A = tpu.memref_slice %arg7[%mul3A_2] : memref<100000xf32, #tpu.memory_space<hbm>> -> memref<3136xf32, #tpu.memory_space<hbm>>
        %dma_start3A_22 = tpu.memref_slice %arg7[%mul3A_2] : memref<100000xf32, #tpu.memory_space<hbm>> -> memref<3136xf32, #tpu.memory_space<hbm>>
        tpu.enqueue_dma source(%arg16 : memref<3136xf32, #tpu.memory_space<vmem>>) target(%dma_start3A_22 : memref<3136xf32, #tpu.memory_space<hbm>>) target_semaphore(%run_scoped3A : memref<!tpu.dma_semaphore, #tpu.memory_space<semaphore_mem>>)
        %dma_wait3A = tpu.memref_slice %arg7[%mul3A_2] : memref<100000xf32, #tpu.memory_space<hbm>> -> memref<3136xf32, #tpu.memory_space<hbm>>
        %dma_wait3A_23 = tpu.memref_slice %arg7[%mul3A_2] : memref<100000xf32, #tpu.memory_space<hbm>> -> memref<3136xf32, #tpu.memory_space<hbm>>
        tpu.wait_dma2 semaphore(%run_scoped3A : memref<!tpu.dma_semaphore, #tpu.memory_space<semaphore_mem>>) src(%arg16 : memref<3136xf32, #tpu.memory_space<vmem>>) dst(%dma_wait3A_23 : memref<3136xf32, #tpu.memory_space<hbm>>)
        tpu.yield
      }) : () -> ()
    } else {
    }
    %convert_element_type3A_19 = arith.extui %eq3A_3 : i1 to i32
    %cond3A_20 = arith.constant 0 : i32
    %cond3A_21 = arith.cmpi ne, %convert_element_type3A_19, %cond3A_20 : i32
    scf.if %cond3A_21 {
      "tpu.region"() ({
        %run_scoped3A = tpu.sem_alloc : memref<!tpu.dma_semaphore, #tpu.memory_space<semaphore_mem>>
        %dma_start3A = arith.constant 0 : i32
        %dma_start3A_22 = tpu.memref_slice %arg15[%dma_start3A] : memref<3136xf32, #tpu.memory_space<vmem>> -> memref<2784xf32, #tpu.memory_space<vmem>>
        %dma_start3A_23 = tpu.memref_slice %arg6[%mul3A_2] : memref<100000xf32, #tpu.memory_space<hbm>> -> memref<2784xf32, #tpu.memory_space<hbm>>
        %dma_start3A_24 = tpu.memref_slice %arg6[%mul3A_2] : memref<100000xf32, #tpu.memory_space<hbm>> -> memref<2784xf32, #tpu.memory_space<hbm>>
        %dma_start3A_25 = arith.constant 0 : i32
        %dma_start3A_26 = tpu.memref_slice %arg15[%dma_start3A_25] : memref<3136xf32, #tpu.memory_space<vmem>> -> memref<2784xf32, #tpu.memory_space<vmem>>
        tpu.enqueue_dma source(%dma_start3A_26 : memref<2784xf32, #tpu.memory_space<vmem>>) target(%dma_start3A_24 : memref<2784xf32, #tpu.memory_space<hbm>>) target_semaphore(%run_scoped3A : memref<!tpu.dma_semaphore, #tpu.memory_space<semaphore_mem>>)
        %dma_wait3A = arith.constant 0 : i32
        %dma_wait3A_27 = tpu.memref_slice %arg15[%dma_wait3A] : memref<3136xf32, #tpu.memory_space<vmem>> -> memref<2784xf32, #tpu.memory_space<vmem>>
        %dma_wait3A_28 = tpu.memref_slice %arg6[%mul3A_2] : memref<100000xf32, #tpu.memory_space<hbm>> -> memref<2784xf32, #tpu.memory_space<hbm>>
        %dma_wait3A_29 = tpu.memref_slice %arg6[%mul3A_2] : memref<100000xf32, #tpu.memory_space<hbm>> -> memref<2784xf32, #tpu.memory_space<hbm>>
        %dma_wait3A_30 = arith.constant 0 : i32
        %dma_wait3A_31 = tpu.memref_slice %arg15[%dma_wait3A_30] : memref<3136xf32, #tpu.memory_space<vmem>> -> memref<2784xf32, #tpu.memory_space<vmem>>
        tpu.wait_dma2 semaphore(%run_scoped3A : memref<!tpu.dma_semaphore, #tpu.memory_space<semaphore_mem>>) src(%dma_wait3A_31 : memref<2784xf32, #tpu.memory_space<vmem>>) dst(%dma_wait3A_29 : memref<2784xf32, #tpu.memory_space<hbm>>)
        tpu.yield
      }) : () -> ()
      "tpu.region"() ({
        %run_scoped3A = tpu.sem_alloc : memref<!tpu.dma_semaphore, #tpu.memory_space<semaphore_mem>>
        %dma_start3A = arith.constant 0 : i32
        %dma_start3A_22 = tpu.memref_slice %arg16[%dma_start3A] : memref<3136xf32, #tpu.memory_space<vmem>> -> memref<2784xf32, #tpu.memory_space<vmem>>
        %dma_start3A_23 = tpu.memref_slice %arg7[%mul3A_2] : memref<100000xf32, #tpu.memory_space<hbm>> -> memref<2784xf32, #tpu.memory_space<hbm>>
        %dma_start3A_24 = tpu.memref_slice %arg7[%mul3A_2] : memref<100000xf32, #tpu.memory_space<hbm>> -> memref<2784xf32, #tpu.memory_space<hbm>>
        %dma_start3A_25 = arith.constant 0 : i32
        %dma_start3A_26 = tpu.memref_slice %arg16[%dma_start3A_25] : memref<3136xf32, #tpu.memory_space<vmem>> -> memref<2784xf32, #tpu.memory_space<vmem>>
        tpu.enqueue_dma source(%dma_start3A_26 : memref<2784xf32, #tpu.memory_space<vmem>>) target(%dma_start3A_24 : memref<2784xf32, #tpu.memory_space<hbm>>) target_semaphore(%run_scoped3A : memref<!tpu.dma_semaphore, #tpu.memory_space<semaphore_mem>>)
        %dma_wait3A = arith.constant 0 : i32
        %dma_wait3A_27 = tpu.memref_slice %arg16[%dma_wait3A] : memref<3136xf32, #tpu.memory_space<vmem>> -> memref<2784xf32, #tpu.memory_space<vmem>>
        %dma_wait3A_28 = tpu.memref_slice %arg7[%mul3A_2] : memref<100000xf32, #tpu.memory_space<hbm>> -> memref<2784xf32, #tpu.memory_space<hbm>>
        %dma_wait3A_29 = tpu.memref_slice %arg7[%mul3A_2] : memref<100000xf32, #tpu.memory_space<hbm>> -> memref<2784xf32, #tpu.memory_space<hbm>>
        %dma_wait3A_30 = arith.constant 0 : i32
        %dma_wait3A_31 = tpu.memref_slice %arg16[%dma_wait3A_30] : memref<3136xf32, #tpu.memory_space<vmem>> -> memref<2784xf32, #tpu.memory_space<vmem>>
        tpu.wait_dma2 semaphore(%run_scoped3A : memref<!tpu.dma_semaphore, #tpu.memory_space<semaphore_mem>>) src(%dma_wait3A_31 : memref<2784xf32, #tpu.memory_space<vmem>>) dst(%dma_wait3A_29 : memref<2784xf32, #tpu.memory_space<hbm>>)
        tpu.yield
      }) : () -> ()
    } else {
    }
    return
  }
}

#map = affine_map<(d0, d1) -> (0)>
#map1 = affine_map<(d0, d1) -> (0, 0)>
module attributes {stable_mosaic.version = 14 : i64} {
  func.func @sc1(%arg0: i32, %arg1: i32, %arg2: memref<1024xf32, #tpu.memory_space<hbm>>, %arg3: memref<100000xi32, #tpu.memory_space<hbm>>, %arg4: memref<100000xf32, #tpu.memory_space<hbm>>, %arg5: memref<100000xf32, #tpu.memory_space<hbm>>, %arg6: memref<100000xf32, #tpu.memory_space<hbm>>, %arg7: memref<32x1024xf32, #tpu.memory_space<hbm>>, %arg8: memref<1024xf32, #tpu.memory_space<vmem>>, %arg9: memref<1024xf32, #tpu.memory_space<vmem>>, %arg10: memref<1024xf32, #tpu.memory_space<vmem>>, %arg11: memref<3136xi32, #tpu.memory_space<vmem>>, %arg12: memref<3136xf32, #tpu.memory_space<vmem>>, %arg13: memref<3136xf32, #tpu.memory_space<vmem>>, %arg14: memref<3136xf32, #tpu.memory_space<vmem>>, %arg15: memref<16x1024xf32, #tpu.memory_space<vmem>>, %arg16: memref<1024xf32, #tpu.memory_space<vmem>>) attributes {dimension_semantics = [#tpu.dimension_semantics<core_parallel>, #tpu.dimension_semantics<subcore_parallel>], iteration_bounds = array<i64: 2, 16>, scalar_prefetch = 0 : i64, scratch_operands = 9 : i64, tpu.core_type = #tpu.core_type<sc_vector_subcore>, window_params = [{transform_indices = #map}, {transform_indices = #map}, {transform_indices = #map}, {transform_indices = #map}, {transform_indices = #map}, {transform_indices = #map1}]} {
    %mul3A = arith.constant 2 : i32
    %mul3A_0 = arith.muli %arg1, %mul3A : i32
    %add3A = arith.addi %mul3A_0, %arg0 : i32
    %mul3A_1 = arith.constant 3136 : i32
    %mul3A_2 = arith.muli %add3A, %mul3A_1 : i32
    %eq3A = arith.constant 31 : i32
    %eq3A_3 = arith.cmpi eq, %add3A, %eq3A : i32
    "tpu.region"() ({
      %run_scoped3A = tpu.sem_alloc : memref<!tpu.dma_semaphore, #tpu.memory_space<semaphore_mem>>
      tpu.enqueue_dma source(%arg2 : memref<1024xf32, #tpu.memory_space<hbm>>) target(%arg8 : memref<1024xf32, #tpu.memory_space<vmem>>) target_semaphore(%run_scoped3A : memref<!tpu.dma_semaphore, #tpu.memory_space<semaphore_mem>>)
      tpu.wait_dma2 semaphore(%run_scoped3A : memref<!tpu.dma_semaphore, #tpu.memory_space<semaphore_mem>>) src(%arg2 : memref<1024xf32, #tpu.memory_space<hbm>>) dst(%arg8 : memref<1024xf32, #tpu.memory_space<vmem>>)
      tpu.yield
    }) : () -> ()
    %not3A = arith.constant true
    %not3A_4 = arith.xori %eq3A_3, %not3A : i1
    %convert_element_type3A = arith.extui %not3A_4 : i1 to i32
    %cond3A = arith.constant 0 : i32
    %cond3A_5 = arith.cmpi ne, %convert_element_type3A, %cond3A : i32
    scf.if %cond3A_5 {
      "tpu.region"() ({
        %run_scoped3A = tpu.sem_alloc : memref<!tpu.dma_semaphore, #tpu.memory_space<semaphore_mem>>
        %dma_start3A = tpu.memref_slice %arg3[%mul3A_2] : memref<100000xi32, #tpu.memory_space<hbm>> -> memref<3136xi32, #tpu.memory_space<hbm>>
        %dma_start3A_26 = tpu.memref_slice %arg3[%mul3A_2] : memref<100000xi32, #tpu.memory_space<hbm>> -> memref<3136xi32, #tpu.memory_space<hbm>>
        tpu.enqueue_dma source(%dma_start3A_26 : memref<3136xi32, #tpu.memory_space<hbm>>) target(%arg11 : memref<3136xi32, #tpu.memory_space<vmem>>) target_semaphore(%run_scoped3A : memref<!tpu.dma_semaphore, #tpu.memory_space<semaphore_mem>>)
        %dma_wait3A = tpu.memref_slice %arg3[%mul3A_2] : memref<100000xi32, #tpu.memory_space<hbm>> -> memref<3136xi32, #tpu.memory_space<hbm>>
        %dma_wait3A_27 = tpu.memref_slice %arg3[%mul3A_2] : memref<100000xi32, #tpu.memory_space<hbm>> -> memref<3136xi32, #tpu.memory_space<hbm>>
        tpu.wait_dma2 semaphore(%run_scoped3A : memref<!tpu.dma_semaphore, #tpu.memory_space<semaphore_mem>>) src(%dma_wait3A_27 : memref<3136xi32, #tpu.memory_space<hbm>>) dst(%arg11 : memref<3136xi32, #tpu.memory_space<vmem>>)
        tpu.yield
      }) : () -> ()
      "tpu.region"() ({
        %run_scoped3A = tpu.sem_alloc : memref<!tpu.dma_semaphore, #tpu.memory_space<semaphore_mem>>
        %dma_start3A = tpu.memref_slice %arg4[%mul3A_2] : memref<100000xf32, #tpu.memory_space<hbm>> -> memref<3136xf32, #tpu.memory_space<hbm>>
        %dma_start3A_26 = tpu.memref_slice %arg4[%mul3A_2] : memref<100000xf32, #tpu.memory_space<hbm>> -> memref<3136xf32, #tpu.memory_space<hbm>>
        tpu.enqueue_dma source(%dma_start3A_26 : memref<3136xf32, #tpu.memory_space<hbm>>) target(%arg12 : memref<3136xf32, #tpu.memory_space<vmem>>) target_semaphore(%run_scoped3A : memref<!tpu.dma_semaphore, #tpu.memory_space<semaphore_mem>>)
        %dma_wait3A = tpu.memref_slice %arg4[%mul3A_2] : memref<100000xf32, #tpu.memory_space<hbm>> -> memref<3136xf32, #tpu.memory_space<hbm>>
        %dma_wait3A_27 = tpu.memref_slice %arg4[%mul3A_2] : memref<100000xf32, #tpu.memory_space<hbm>> -> memref<3136xf32, #tpu.memory_space<hbm>>
        tpu.wait_dma2 semaphore(%run_scoped3A : memref<!tpu.dma_semaphore, #tpu.memory_space<semaphore_mem>>) src(%dma_wait3A_27 : memref<3136xf32, #tpu.memory_space<hbm>>) dst(%arg12 : memref<3136xf32, #tpu.memory_space<vmem>>)
        tpu.yield
      }) : () -> ()
      "tpu.region"() ({
        %run_scoped3A = tpu.sem_alloc : memref<!tpu.dma_semaphore, #tpu.memory_space<semaphore_mem>>
        %dma_start3A = tpu.memref_slice %arg5[%mul3A_2] : memref<100000xf32, #tpu.memory_space<hbm>> -> memref<3136xf32, #tpu.memory_space<hbm>>
        %dma_start3A_26 = tpu.memref_slice %arg5[%mul3A_2] : memref<100000xf32, #tpu.memory_space<hbm>> -> memref<3136xf32, #tpu.memory_space<hbm>>
        tpu.enqueue_dma source(%dma_start3A_26 : memref<3136xf32, #tpu.memory_space<hbm>>) target(%arg13 : memref<3136xf32, #tpu.memory_space<vmem>>) target_semaphore(%run_scoped3A : memref<!tpu.dma_semaphore, #tpu.memory_space<semaphore_mem>>)
        %dma_wait3A = tpu.memref_slice %arg5[%mul3A_2] : memref<100000xf32, #tpu.memory_space<hbm>> -> memref<3136xf32, #tpu.memory_space<hbm>>
        %dma_wait3A_27 = tpu.memref_slice %arg5[%mul3A_2] : memref<100000xf32, #tpu.memory_space<hbm>> -> memref<3136xf32, #tpu.memory_space<hbm>>
        tpu.wait_dma2 semaphore(%run_scoped3A : memref<!tpu.dma_semaphore, #tpu.memory_space<semaphore_mem>>) src(%dma_wait3A_27 : memref<3136xf32, #tpu.memory_space<hbm>>) dst(%arg13 : memref<3136xf32, #tpu.memory_space<vmem>>)
        tpu.yield
      }) : () -> ()
    } else {
    }
    %convert_element_type3A_6 = arith.extui %eq3A_3 : i1 to i32
    %cond3A_7 = arith.constant 0 : i32
    %cond3A_8 = arith.cmpi ne, %convert_element_type3A_6, %cond3A_7 : i32
    scf.if %cond3A_8 {
      "tpu.region"() ({
        %run_scoped3A = tpu.sem_alloc : memref<!tpu.dma_semaphore, #tpu.memory_space<semaphore_mem>>
        %dma_start3A = arith.constant 0 : i32
        %dma_start3A_26 = tpu.memref_slice %arg11[%dma_start3A] : memref<3136xi32, #tpu.memory_space<vmem>> -> memref<2784xi32, #tpu.memory_space<vmem>>
        %dma_start3A_27 = tpu.memref_slice %arg3[%mul3A_2] : memref<100000xi32, #tpu.memory_space<hbm>> -> memref<2784xi32, #tpu.memory_space<hbm>>
        %dma_start3A_28 = arith.constant 0 : i32
        %dma_start3A_29 = tpu.memref_slice %arg11[%dma_start3A_28] : memref<3136xi32, #tpu.memory_space<vmem>> -> memref<2784xi32, #tpu.memory_space<vmem>>
        %dma_start3A_30 = tpu.memref_slice %arg3[%mul3A_2] : memref<100000xi32, #tpu.memory_space<hbm>> -> memref<2784xi32, #tpu.memory_space<hbm>>
        tpu.enqueue_dma source(%dma_start3A_30 : memref<2784xi32, #tpu.memory_space<hbm>>) target(%dma_start3A_29 : memref<2784xi32, #tpu.memory_space<vmem>>) target_semaphore(%run_scoped3A : memref<!tpu.dma_semaphore, #tpu.memory_space<semaphore_mem>>)
        %dma_wait3A = arith.constant 0 : i32
        %dma_wait3A_31 = tpu.memref_slice %arg11[%dma_wait3A] : memref<3136xi32, #tpu.memory_space<vmem>> -> memref<2784xi32, #tpu.memory_space<vmem>>
        %dma_wait3A_32 = tpu.memref_slice %arg3[%mul3A_2] : memref<100000xi32, #tpu.memory_space<hbm>> -> memref<2784xi32, #tpu.memory_space<hbm>>
        %dma_wait3A_33 = arith.constant 0 : i32
        %dma_wait3A_34 = tpu.memref_slice %arg11[%dma_wait3A_33] : memref<3136xi32, #tpu.memory_space<vmem>> -> memref<2784xi32, #tpu.memory_space<vmem>>
        %dma_wait3A_35 = tpu.memref_slice %arg3[%mul3A_2] : memref<100000xi32, #tpu.memory_space<hbm>> -> memref<2784xi32, #tpu.memory_space<hbm>>
        tpu.wait_dma2 semaphore(%run_scoped3A : memref<!tpu.dma_semaphore, #tpu.memory_space<semaphore_mem>>) src(%dma_wait3A_35 : memref<2784xi32, #tpu.memory_space<hbm>>) dst(%dma_wait3A_34 : memref<2784xi32, #tpu.memory_space<vmem>>)
        tpu.yield
      }) : () -> ()
      "tpu.region"() ({
        %run_scoped3A = tpu.sem_alloc : memref<!tpu.dma_semaphore, #tpu.memory_space<semaphore_mem>>
        %dma_start3A = arith.constant 0 : i32
        %dma_start3A_26 = tpu.memref_slice %arg12[%dma_start3A] : memref<3136xf32, #tpu.memory_space<vmem>> -> memref<2784xf32, #tpu.memory_space<vmem>>
        %dma_start3A_27 = tpu.memref_slice %arg4[%mul3A_2] : memref<100000xf32, #tpu.memory_space<hbm>> -> memref<2784xf32, #tpu.memory_space<hbm>>
        %dma_start3A_28 = arith.constant 0 : i32
        %dma_start3A_29 = tpu.memref_slice %arg12[%dma_start3A_28] : memref<3136xf32, #tpu.memory_space<vmem>> -> memref<2784xf32, #tpu.memory_space<vmem>>
        %dma_start3A_30 = tpu.memref_slice %arg4[%mul3A_2] : memref<100000xf32, #tpu.memory_space<hbm>> -> memref<2784xf32, #tpu.memory_space<hbm>>
        tpu.enqueue_dma source(%dma_start3A_30 : memref<2784xf32, #tpu.memory_space<hbm>>) target(%dma_start3A_29 : memref<2784xf32, #tpu.memory_space<vmem>>) target_semaphore(%run_scoped3A : memref<!tpu.dma_semaphore, #tpu.memory_space<semaphore_mem>>)
        %dma_wait3A = arith.constant 0 : i32
        %dma_wait3A_31 = tpu.memref_slice %arg12[%dma_wait3A] : memref<3136xf32, #tpu.memory_space<vmem>> -> memref<2784xf32, #tpu.memory_space<vmem>>
        %dma_wait3A_32 = tpu.memref_slice %arg4[%mul3A_2] : memref<100000xf32, #tpu.memory_space<hbm>> -> memref<2784xf32, #tpu.memory_space<hbm>>
        %dma_wait3A_33 = arith.constant 0 : i32
        %dma_wait3A_34 = tpu.memref_slice %arg12[%dma_wait3A_33] : memref<3136xf32, #tpu.memory_space<vmem>> -> memref<2784xf32, #tpu.memory_space<vmem>>
        %dma_wait3A_35 = tpu.memref_slice %arg4[%mul3A_2] : memref<100000xf32, #tpu.memory_space<hbm>> -> memref<2784xf32, #tpu.memory_space<hbm>>
        tpu.wait_dma2 semaphore(%run_scoped3A : memref<!tpu.dma_semaphore, #tpu.memory_space<semaphore_mem>>) src(%dma_wait3A_35 : memref<2784xf32, #tpu.memory_space<hbm>>) dst(%dma_wait3A_34 : memref<2784xf32, #tpu.memory_space<vmem>>)
        tpu.yield
      }) : () -> ()
      "tpu.region"() ({
        %run_scoped3A = tpu.sem_alloc : memref<!tpu.dma_semaphore, #tpu.memory_space<semaphore_mem>>
        %dma_start3A = arith.constant 0 : i32
        %dma_start3A_26 = tpu.memref_slice %arg13[%dma_start3A] : memref<3136xf32, #tpu.memory_space<vmem>> -> memref<2784xf32, #tpu.memory_space<vmem>>
        %dma_start3A_27 = tpu.memref_slice %arg5[%mul3A_2] : memref<100000xf32, #tpu.memory_space<hbm>> -> memref<2784xf32, #tpu.memory_space<hbm>>
        %dma_start3A_28 = arith.constant 0 : i32
        %dma_start3A_29 = tpu.memref_slice %arg13[%dma_start3A_28] : memref<3136xf32, #tpu.memory_space<vmem>> -> memref<2784xf32, #tpu.memory_space<vmem>>
        %dma_start3A_30 = tpu.memref_slice %arg5[%mul3A_2] : memref<100000xf32, #tpu.memory_space<hbm>> -> memref<2784xf32, #tpu.memory_space<hbm>>
        tpu.enqueue_dma source(%dma_start3A_30 : memref<2784xf32, #tpu.memory_space<hbm>>) target(%dma_start3A_29 : memref<2784xf32, #tpu.memory_space<vmem>>) target_semaphore(%run_scoped3A : memref<!tpu.dma_semaphore, #tpu.memory_space<semaphore_mem>>)
        %dma_wait3A = arith.constant 0 : i32
        %dma_wait3A_31 = tpu.memref_slice %arg13[%dma_wait3A] : memref<3136xf32, #tpu.memory_space<vmem>> -> memref<2784xf32, #tpu.memory_space<vmem>>
        %dma_wait3A_32 = tpu.memref_slice %arg5[%mul3A_2] : memref<100000xf32, #tpu.memory_space<hbm>> -> memref<2784xf32, #tpu.memory_space<hbm>>
        %dma_wait3A_33 = arith.constant 0 : i32
        %dma_wait3A_34 = tpu.memref_slice %arg13[%dma_wait3A_33] : memref<3136xf32, #tpu.memory_space<vmem>> -> memref<2784xf32, #tpu.memory_space<vmem>>
        %dma_wait3A_35 = tpu.memref_slice %arg5[%mul3A_2] : memref<100000xf32, #tpu.memory_space<hbm>> -> memref<2784xf32, #tpu.memory_space<hbm>>
        tpu.wait_dma2 semaphore(%run_scoped3A : memref<!tpu.dma_semaphore, #tpu.memory_space<semaphore_mem>>) src(%dma_wait3A_35 : memref<2784xf32, #tpu.memory_space<hbm>>) dst(%dma_wait3A_34 : memref<2784xf32, #tpu.memory_space<vmem>>)
        tpu.yield
      }) : () -> ()
    } else {
    }
    %iota3A = tpu.iota {dimensions = array<i32: 0>} : vector<16xi32>
    %broadcast_in_dim3A = arith.constant 0.000000e+00 : f32
    %broadcast_in_dim3A_9 = vector.broadcast %broadcast_in_dim3A : f32 to vector<16xf32>
    %parallel_loop3A = arith.constant 0 : i32
    %parallel_loop3A_10 = arith.constant 64 : i32
    %parallel_loop3A_11 = arith.constant 1 : i32
    scf.for %parallel_loop3A_26 = %parallel_loop3A to %parallel_loop3A_10 step %parallel_loop3A_11  : i32 {
      %parallel_loop3A_27 = arith.constant 16 : i32
      %parallel_loop3A_28 = arith.muli %parallel_loop3A_26, %parallel_loop3A_27 : i32
      %parallel_loop3A_29 = arith.index_cast %parallel_loop3A_28 : i32 to index
      %parallel_loop3A_30 = tpu.vector_load %arg8[%parallel_loop3A_29] {strides = array<i32>} : memref<1024xf32, #tpu.memory_space<vmem>>, vector<16xf32>,
      %parallel_loop3A_31 = arith.constant 0.000000e+00 : f32
      %parallel_loop3A_32 = vector.broadcast %parallel_loop3A_31 : f32 to vector<16xf32>
      %parallel_loop3A_33 = arith.maximumf %parallel_loop3A_30, %parallel_loop3A_32 : vector<16xf32>
      %parallel_loop3A_34 = arith.constant 0.000000e+00 : f32
      %parallel_loop3A_35 = vector.broadcast %parallel_loop3A_34 : f32 to vector<16xf32>
      %parallel_loop3A_36 = arith.subf %parallel_loop3A_35, %parallel_loop3A_30 : vector<16xf32>
      %parallel_loop3A_37 = arith.constant 0.000000e+00 : f32
      %parallel_loop3A_38 = vector.broadcast %parallel_loop3A_37 : f32 to vector<16xf32>
      %parallel_loop3A_39 = arith.maximumf %parallel_loop3A_36, %parallel_loop3A_38 : vector<16xf32>
      %parallel_loop3A_40 = arith.constant 1.000000e+00 : f32
      %parallel_loop3A_41 = vector.broadcast %parallel_loop3A_40 : f32 to vector<16xf32>
      %parallel_loop3A_42 = arith.maximumf %parallel_loop3A_33, %parallel_loop3A_41 : vector<16xf32>
      %parallel_loop3A_43 = arith.divf %parallel_loop3A_33, %parallel_loop3A_42 : vector<16xf32>
      %parallel_loop3A_44 = arith.constant 16 : i32
      %parallel_loop3A_45 = arith.muli %parallel_loop3A_26, %parallel_loop3A_44 : i32
      %parallel_loop3A_46 = arith.index_cast %parallel_loop3A_45 : i32 to index
      %parallel_loop3A_47 = tpu.vector_load %arg9[%parallel_loop3A_46] {strides = array<i32>} : memref<1024xf32, #tpu.memory_space<vmem>>, vector<16xf32>,
      tpu.vector_store %arg9[%parallel_loop3A_46], %parallel_loop3A_43 {strides = array<i32>} : memref<1024xf32, #tpu.memory_space<vmem>>, vector<16xf32>,
      %parallel_loop3A_48 = arith.constant 1.000000e+00 : f32
      %parallel_loop3A_49 = vector.broadcast %parallel_loop3A_48 : f32 to vector<16xf32>
      %parallel_loop3A_50 = arith.maximumf %parallel_loop3A_39, %parallel_loop3A_49 : vector<16xf32>
      %parallel_loop3A_51 = arith.divf %parallel_loop3A_39, %parallel_loop3A_50 : vector<16xf32>
      %parallel_loop3A_52 = arith.constant 16 : i32
      %parallel_loop3A_53 = arith.muli %parallel_loop3A_26, %parallel_loop3A_52 : i32
      %parallel_loop3A_54 = arith.index_cast %parallel_loop3A_53 : i32 to index
      %parallel_loop3A_55 = tpu.vector_load %arg10[%parallel_loop3A_54] {strides = array<i32>} : memref<1024xf32, #tpu.memory_space<vmem>>, vector<16xf32>,
      tpu.vector_store %arg10[%parallel_loop3A_54], %parallel_loop3A_51 {strides = array<i32>} : memref<1024xf32, #tpu.memory_space<vmem>>, vector<16xf32>,
      %parallel_loop3A_56 = arith.constant 16 : i32
      %parallel_loop3A_57 = arith.muli %parallel_loop3A_26, %parallel_loop3A_56 : i32
      %parallel_loop3A_58 = arith.constant 0 : i32
      %parallel_loop3A_59 = arith.index_cast %parallel_loop3A_58 : i32 to index
      %parallel_loop3A_60 = arith.index_cast %parallel_loop3A_57 : i32 to index
      %parallel_loop3A_61 = tpu.vector_load %arg15[%parallel_loop3A_59, %parallel_loop3A_60] {strides = array<i32>} : memref<16x1024xf32, #tpu.memory_space<vmem>>, vector<16xf32>,
      tpu.vector_store %arg15[%parallel_loop3A_59, %parallel_loop3A_60], %broadcast_in_dim3A_9 {strides = array<i32>} : memref<16x1024xf32, #tpu.memory_space<vmem>>, vector<16xf32>,
      %parallel_loop3A_62 = arith.constant 16 : i32
      %parallel_loop3A_63 = arith.muli %parallel_loop3A_26, %parallel_loop3A_62 : i32
      %parallel_loop3A_64 = arith.constant 1 : i32
      %parallel_loop3A_65 = arith.index_cast %parallel_loop3A_64 : i32 to index
      %parallel_loop3A_66 = arith.index_cast %parallel_loop3A_63 : i32 to index
      %parallel_loop3A_67 = tpu.vector_load %arg15[%parallel_loop3A_65, %parallel_loop3A_66] {strides = array<i32>} : memref<16x1024xf32, #tpu.memory_space<vmem>>, vector<16xf32>,
      tpu.vector_store %arg15[%parallel_loop3A_65, %parallel_loop3A_66], %broadcast_in_dim3A_9 {strides = array<i32>} : memref<16x1024xf32, #tpu.memory_space<vmem>>, vector<16xf32>,
      %parallel_loop3A_68 = arith.constant 16 : i32
      %parallel_loop3A_69 = arith.muli %parallel_loop3A_26, %parallel_loop3A_68 : i32
      %parallel_loop3A_70 = arith.constant 2 : i32
      %parallel_loop3A_71 = arith.index_cast %parallel_loop3A_70 : i32 to index
      %parallel_loop3A_72 = arith.index_cast %parallel_loop3A_69 : i32 to index
      %parallel_loop3A_73 = tpu.vector_load %arg15[%parallel_loop3A_71, %parallel_loop3A_72] {strides = array<i32>} : memref<16x1024xf32, #tpu.memory_space<vmem>>, vector<16xf32>,
      tpu.vector_store %arg15[%parallel_loop3A_71, %parallel_loop3A_72], %broadcast_in_dim3A_9 {strides = array<i32>} : memref<16x1024xf32, #tpu.memory_space<vmem>>, vector<16xf32>,
      %parallel_loop3A_74 = arith.constant 16 : i32
      %parallel_loop3A_75 = arith.muli %parallel_loop3A_26, %parallel_loop3A_74 : i32
      %parallel_loop3A_76 = arith.constant 3 : i32
      %parallel_loop3A_77 = arith.index_cast %parallel_loop3A_76 : i32 to index
      %parallel_loop3A_78 = arith.index_cast %parallel_loop3A_75 : i32 to index
      %parallel_loop3A_79 = tpu.vector_load %arg15[%parallel_loop3A_77, %parallel_loop3A_78] {strides = array<i32>} : memref<16x1024xf32, #tpu.memory_space<vmem>>, vector<16xf32>,
      tpu.vector_store %arg15[%parallel_loop3A_77, %parallel_loop3A_78], %broadcast_in_dim3A_9 {strides = array<i32>} : memref<16x1024xf32, #tpu.memory_space<vmem>>, vector<16xf32>,
      %parallel_loop3A_80 = arith.constant 16 : i32
      %parallel_loop3A_81 = arith.muli %parallel_loop3A_26, %parallel_loop3A_80 : i32
      %parallel_loop3A_82 = arith.constant 4 : i32
      %parallel_loop3A_83 = arith.index_cast %parallel_loop3A_82 : i32 to index
      %parallel_loop3A_84 = arith.index_cast %parallel_loop3A_81 : i32 to index
      %parallel_loop3A_85 = tpu.vector_load %arg15[%parallel_loop3A_83, %parallel_loop3A_84] {strides = array<i32>} : memref<16x1024xf32, #tpu.memory_space<vmem>>, vector<16xf32>,
      tpu.vector_store %arg15[%parallel_loop3A_83, %parallel_loop3A_84], %broadcast_in_dim3A_9 {strides = array<i32>} : memref<16x1024xf32, #tpu.memory_space<vmem>>, vector<16xf32>,
      %parallel_loop3A_86 = arith.constant 16 : i32
      %parallel_loop3A_87 = arith.muli %parallel_loop3A_26, %parallel_loop3A_86 : i32
      %parallel_loop3A_88 = arith.constant 5 : i32
      %parallel_loop3A_89 = arith.index_cast %parallel_loop3A_88 : i32 to index
      %parallel_loop3A_90 = arith.index_cast %parallel_loop3A_87 : i32 to index
      %parallel_loop3A_91 = tpu.vector_load %arg15[%parallel_loop3A_89, %parallel_loop3A_90] {strides = array<i32>} : memref<16x1024xf32, #tpu.memory_space<vmem>>, vector<16xf32>,
      tpu.vector_store %arg15[%parallel_loop3A_89, %parallel_loop3A_90], %broadcast_in_dim3A_9 {strides = array<i32>} : memref<16x1024xf32, #tpu.memory_space<vmem>>, vector<16xf32>,
      %parallel_loop3A_92 = arith.constant 16 : i32
      %parallel_loop3A_93 = arith.muli %parallel_loop3A_26, %parallel_loop3A_92 : i32
      %parallel_loop3A_94 = arith.constant 6 : i32
      %parallel_loop3A_95 = arith.index_cast %parallel_loop3A_94 : i32 to index
      %parallel_loop3A_96 = arith.index_cast %parallel_loop3A_93 : i32 to index
      %parallel_loop3A_97 = tpu.vector_load %arg15[%parallel_loop3A_95, %parallel_loop3A_96] {strides = array<i32>} : memref<16x1024xf32, #tpu.memory_space<vmem>>, vector<16xf32>,
      tpu.vector_store %arg15[%parallel_loop3A_95, %parallel_loop3A_96], %broadcast_in_dim3A_9 {strides = array<i32>} : memref<16x1024xf32, #tpu.memory_space<vmem>>, vector<16xf32>,
      %parallel_loop3A_98 = arith.constant 16 : i32
      %parallel_loop3A_99 = arith.muli %parallel_loop3A_26, %parallel_loop3A_98 : i32
      %parallel_loop3A_100 = arith.constant 7 : i32
      %parallel_loop3A_101 = arith.index_cast %parallel_loop3A_100 : i32 to index
      %parallel_loop3A_102 = arith.index_cast %parallel_loop3A_99 : i32 to index
      %parallel_loop3A_103 = tpu.vector_load %arg15[%parallel_loop3A_101, %parallel_loop3A_102] {strides = array<i32>} : memref<16x1024xf32, #tpu.memory_space<vmem>>, vector<16xf32>,
      tpu.vector_store %arg15[%parallel_loop3A_101, %parallel_loop3A_102], %broadcast_in_dim3A_9 {strides = array<i32>} : memref<16x1024xf32, #tpu.memory_space<vmem>>, vector<16xf32>,
      %parallel_loop3A_104 = arith.constant 16 : i32
      %parallel_loop3A_105 = arith.muli %parallel_loop3A_26, %parallel_loop3A_104 : i32
      %parallel_loop3A_106 = arith.constant 8 : i32
      %parallel_loop3A_107 = arith.index_cast %parallel_loop3A_106 : i32 to index
      %parallel_loop3A_108 = arith.index_cast %parallel_loop3A_105 : i32 to index
      %parallel_loop3A_109 = tpu.vector_load %arg15[%parallel_loop3A_107, %parallel_loop3A_108] {strides = array<i32>} : memref<16x1024xf32, #tpu.memory_space<vmem>>, vector<16xf32>,
      tpu.vector_store %arg15[%parallel_loop3A_107, %parallel_loop3A_108], %broadcast_in_dim3A_9 {strides = array<i32>} : memref<16x1024xf32, #tpu.memory_space<vmem>>, vector<16xf32>,
      %parallel_loop3A_110 = arith.constant 16 : i32
      %parallel_loop3A_111 = arith.muli %parallel_loop3A_26, %parallel_loop3A_110 : i32
      %parallel_loop3A_112 = arith.constant 9 : i32
      %parallel_loop3A_113 = arith.index_cast %parallel_loop3A_112 : i32 to index
      %parallel_loop3A_114 = arith.index_cast %parallel_loop3A_111 : i32 to index
      %parallel_loop3A_115 = tpu.vector_load %arg15[%parallel_loop3A_113, %parallel_loop3A_114] {strides = array<i32>} : memref<16x1024xf32, #tpu.memory_space<vmem>>, vector<16xf32>,
      tpu.vector_store %arg15[%parallel_loop3A_113, %parallel_loop3A_114], %broadcast_in_dim3A_9 {strides = array<i32>} : memref<16x1024xf32, #tpu.memory_space<vmem>>, vector<16xf32>,
      %parallel_loop3A_116 = arith.constant 16 : i32
      %parallel_loop3A_117 = arith.muli %parallel_loop3A_26, %parallel_loop3A_116 : i32
      %parallel_loop3A_118 = arith.constant 10 : i32
      %parallel_loop3A_119 = arith.index_cast %parallel_loop3A_118 : i32 to index
      %parallel_loop3A_120 = arith.index_cast %parallel_loop3A_117 : i32 to index
      %parallel_loop3A_121 = tpu.vector_load %arg15[%parallel_loop3A_119, %parallel_loop3A_120] {strides = array<i32>} : memref<16x1024xf32, #tpu.memory_space<vmem>>, vector<16xf32>,
      tpu.vector_store %arg15[%parallel_loop3A_119, %parallel_loop3A_120], %broadcast_in_dim3A_9 {strides = array<i32>} : memref<16x1024xf32, #tpu.memory_space<vmem>>, vector<16xf32>,
      %parallel_loop3A_122 = arith.constant 16 : i32
      %parallel_loop3A_123 = arith.muli %parallel_loop3A_26, %parallel_loop3A_122 : i32
      %parallel_loop3A_124 = arith.constant 11 : i32
      %parallel_loop3A_125 = arith.index_cast %parallel_loop3A_124 : i32 to index
      %parallel_loop3A_126 = arith.index_cast %parallel_loop3A_123 : i32 to index
      %parallel_loop3A_127 = tpu.vector_load %arg15[%parallel_loop3A_125, %parallel_loop3A_126] {strides = array<i32>} : memref<16x1024xf32, #tpu.memory_space<vmem>>, vector<16xf32>,
      tpu.vector_store %arg15[%parallel_loop3A_125, %parallel_loop3A_126], %broadcast_in_dim3A_9 {strides = array<i32>} : memref<16x1024xf32, #tpu.memory_space<vmem>>, vector<16xf32>,
      %parallel_loop3A_128 = arith.constant 16 : i32
      %parallel_loop3A_129 = arith.muli %parallel_loop3A_26, %parallel_loop3A_128 : i32
      %parallel_loop3A_130 = arith.constant 12 : i32
      %parallel_loop3A_131 = arith.index_cast %parallel_loop3A_130 : i32 to index
      %parallel_loop3A_132 = arith.index_cast %parallel_loop3A_129 : i32 to index
      %parallel_loop3A_133 = tpu.vector_load %arg15[%parallel_loop3A_131, %parallel_loop3A_132] {strides = array<i32>} : memref<16x1024xf32, #tpu.memory_space<vmem>>, vector<16xf32>,
      tpu.vector_store %arg15[%parallel_loop3A_131, %parallel_loop3A_132], %broadcast_in_dim3A_9 {strides = array<i32>} : memref<16x1024xf32, #tpu.memory_space<vmem>>, vector<16xf32>,
      %parallel_loop3A_134 = arith.constant 16 : i32
      %parallel_loop3A_135 = arith.muli %parallel_loop3A_26, %parallel_loop3A_134 : i32
      %parallel_loop3A_136 = arith.constant 13 : i32
      %parallel_loop3A_137 = arith.index_cast %parallel_loop3A_136 : i32 to index
      %parallel_loop3A_138 = arith.index_cast %parallel_loop3A_135 : i32 to index
      %parallel_loop3A_139 = tpu.vector_load %arg15[%parallel_loop3A_137, %parallel_loop3A_138] {strides = array<i32>} : memref<16x1024xf32, #tpu.memory_space<vmem>>, vector<16xf32>,
      tpu.vector_store %arg15[%parallel_loop3A_137, %parallel_loop3A_138], %broadcast_in_dim3A_9 {strides = array<i32>} : memref<16x1024xf32, #tpu.memory_space<vmem>>, vector<16xf32>,
      %parallel_loop3A_140 = arith.constant 16 : i32
      %parallel_loop3A_141 = arith.muli %parallel_loop3A_26, %parallel_loop3A_140 : i32
      %parallel_loop3A_142 = arith.constant 14 : i32
      %parallel_loop3A_143 = arith.index_cast %parallel_loop3A_142 : i32 to index
      %parallel_loop3A_144 = arith.index_cast %parallel_loop3A_141 : i32 to index
      %parallel_loop3A_145 = tpu.vector_load %arg15[%parallel_loop3A_143, %parallel_loop3A_144] {strides = array<i32>} : memref<16x1024xf32, #tpu.memory_space<vmem>>, vector<16xf32>,
      tpu.vector_store %arg15[%parallel_loop3A_143, %parallel_loop3A_144], %broadcast_in_dim3A_9 {strides = array<i32>} : memref<16x1024xf32, #tpu.memory_space<vmem>>, vector<16xf32>,
      %parallel_loop3A_146 = arith.constant 16 : i32
      %parallel_loop3A_147 = arith.muli %parallel_loop3A_26, %parallel_loop3A_146 : i32
      %parallel_loop3A_148 = arith.constant 15 : i32
      %parallel_loop3A_149 = arith.index_cast %parallel_loop3A_148 : i32 to index
      %parallel_loop3A_150 = arith.index_cast %parallel_loop3A_147 : i32 to index
      %parallel_loop3A_151 = tpu.vector_load %arg15[%parallel_loop3A_149, %parallel_loop3A_150] {strides = array<i32>} : memref<16x1024xf32, #tpu.memory_space<vmem>>, vector<16xf32>,
      tpu.vector_store %arg15[%parallel_loop3A_149, %parallel_loop3A_150], %broadcast_in_dim3A_9 {strides = array<i32>} : memref<16x1024xf32, #tpu.memory_space<vmem>>, vector<16xf32>,
    } {sc.loop_unroll_factor = 2 : i64, sc.parallel_access}
    %jit3A = arith.constant 174 : i32
    %jit3A_12 = arith.constant 196 : i32
    %select_n3A = arith.select %eq3A_3, %jit3A, %jit3A_12 : i32
    %parallel_loop3A_13 = arith.constant 0 : i32
    %parallel_loop3A_14 = arith.constant 1 : i32
    scf.for %parallel_loop3A_26 = %parallel_loop3A_13 to %select_n3A step %parallel_loop3A_14  : i32 {
      %parallel_loop3A_27 = arith.constant 16 : i32
      %parallel_loop3A_28 = arith.muli %parallel_loop3A_26, %parallel_loop3A_27 : i32
      %parallel_loop3A_29 = arith.index_cast %parallel_loop3A_28 : i32 to index
      %parallel_loop3A_30 = tpu.vector_load %arg11[%parallel_loop3A_29] {strides = array<i32>} : memref<3136xi32, #tpu.memory_space<vmem>>, vector<16xi32>,
      %parallel_loop3A_31 = arith.index_cast %parallel_loop3A_28 : i32 to index
      %parallel_loop3A_32 = tpu.vector_load %arg12[%parallel_loop3A_31] {strides = array<i32>} : memref<3136xf32, #tpu.memory_space<vmem>>, vector<16xf32>,
      %parallel_loop3A_33 = arith.index_cast %parallel_loop3A_28 : i32 to index
      %parallel_loop3A_34 = tpu.vector_load %arg13[%parallel_loop3A_33] {strides = array<i32>} : memref<3136xf32, #tpu.memory_space<vmem>>, vector<16xf32>,
      %parallel_loop3A_35 = tpu.vector_load_idx %arg9[%parallel_loop3A_30] : memref<1024xf32, #tpu.memory_space<vmem>>[vector<16xi32>], vector<16xf32>,
      %parallel_loop3A_36 = tpu.vector_load_idx %arg10[%parallel_loop3A_30] : memref<1024xf32, #tpu.memory_space<vmem>>[vector<16xi32>], vector<16xf32>,
      %parallel_loop3A_37 = arith.mulf %parallel_loop3A_35, %parallel_loop3A_32 : vector<16xf32>
      %parallel_loop3A_38 = arith.mulf %parallel_loop3A_36, %parallel_loop3A_34 : vector<16xf32>
      %parallel_loop3A_39 = arith.addf %parallel_loop3A_37, %parallel_loop3A_38 : vector<16xf32>
      %parallel_loop3A_40 = arith.constant 0.0883883461 : f32
      %parallel_loop3A_41 = vector.broadcast %parallel_loop3A_40 : f32 to vector<16xf32>
      %parallel_loop3A_42 = arith.mulf %parallel_loop3A_39, %parallel_loop3A_41 : vector<16xf32>
      %parallel_loop3A_43 = math.absf %parallel_loop3A_42 : vector<16xf32>
      %parallel_loop3A_44 = arith.constant 0.000000e+00 : f32
      %parallel_loop3A_45 = vector.broadcast %parallel_loop3A_44 : f32 to vector<16xf32>
      %parallel_loop3A_46 = arith.subf %parallel_loop3A_45, %parallel_loop3A_43 : vector<16xf32>
      %parallel_loop3A_47 = math.exp %parallel_loop3A_46 : vector<16xf32>
      %parallel_loop3A_48 = arith.constant 0.00201096712 : f32
      %parallel_loop3A_49 = vector.broadcast %parallel_loop3A_48 : f32 to vector<16xf32>
      %parallel_loop3A_50 = arith.mulf %parallel_loop3A_49, %parallel_loop3A_47 : vector<16xf32>
      %parallel_loop3A_51 = arith.constant -0.0132689485 : f32
      %parallel_loop3A_52 = vector.broadcast %parallel_loop3A_51 : f32 to vector<16xf32>
      %parallel_loop3A_53 = arith.addf %parallel_loop3A_50, %parallel_loop3A_52 : vector<16xf32>
      %parallel_loop3A_54 = arith.mulf %parallel_loop3A_53, %parallel_loop3A_47 : vector<16xf32>
      %parallel_loop3A_55 = arith.constant 0.041082181 : f32
      %parallel_loop3A_56 = vector.broadcast %parallel_loop3A_55 : f32 to vector<16xf32>
      %parallel_loop3A_57 = arith.addf %parallel_loop3A_54, %parallel_loop3A_56 : vector<16xf32>
      %parallel_loop3A_58 = arith.mulf %parallel_loop3A_57, %parallel_loop3A_47 : vector<16xf32>
      %parallel_loop3A_59 = arith.constant -0.0818373412 : f32
      %parallel_loop3A_60 = vector.broadcast %parallel_loop3A_59 : f32 to vector<16xf32>
      %parallel_loop3A_61 = arith.addf %parallel_loop3A_58, %parallel_loop3A_60 : vector<16xf32>
      %parallel_loop3A_62 = arith.mulf %parallel_loop3A_61, %parallel_loop3A_47 : vector<16xf32>
      %parallel_loop3A_63 = arith.constant 0.123637065 : f32
      %parallel_loop3A_64 = vector.broadcast %parallel_loop3A_63 : f32 to vector<16xf32>
      %parallel_loop3A_65 = arith.addf %parallel_loop3A_62, %parallel_loop3A_64 : vector<16xf32>
      %parallel_loop3A_66 = arith.mulf %parallel_loop3A_65, %parallel_loop3A_47 : vector<16xf32>
      %parallel_loop3A_67 = arith.constant -0.160751745 : f32
      %parallel_loop3A_68 = vector.broadcast %parallel_loop3A_67 : f32 to vector<16xf32>
      %parallel_loop3A_69 = arith.addf %parallel_loop3A_66, %parallel_loop3A_68 : vector<16xf32>
      %parallel_loop3A_70 = arith.mulf %parallel_loop3A_69, %parallel_loop3A_47 : vector<16xf32>
      %parallel_loop3A_71 = arith.constant 0.198803067 : f32
      %parallel_loop3A_72 = vector.broadcast %parallel_loop3A_71 : f32 to vector<16xf32>
      %parallel_loop3A_73 = arith.addf %parallel_loop3A_70, %parallel_loop3A_72 : vector<16xf32>
      %parallel_loop3A_74 = arith.mulf %parallel_loop3A_73, %parallel_loop3A_47 : vector<16xf32>
      %parallel_loop3A_75 = arith.constant -0.249851674 : f32
      %parallel_loop3A_76 = vector.broadcast %parallel_loop3A_75 : f32 to vector<16xf32>
      %parallel_loop3A_77 = arith.addf %parallel_loop3A_74, %parallel_loop3A_76 : vector<16xf32>
      %parallel_loop3A_78 = arith.mulf %parallel_loop3A_77, %parallel_loop3A_47 : vector<16xf32>
      %parallel_loop3A_79 = arith.constant 0.33332333 : f32
      %parallel_loop3A_80 = vector.broadcast %parallel_loop3A_79 : f32 to vector<16xf32>
      %parallel_loop3A_81 = arith.addf %parallel_loop3A_78, %parallel_loop3A_80 : vector<16xf32>
      %parallel_loop3A_82 = arith.mulf %parallel_loop3A_81, %parallel_loop3A_47 : vector<16xf32>
      %parallel_loop3A_83 = arith.constant -0.499999702 : f32
      %parallel_loop3A_84 = vector.broadcast %parallel_loop3A_83 : f32 to vector<16xf32>
      %parallel_loop3A_85 = arith.addf %parallel_loop3A_82, %parallel_loop3A_84 : vector<16xf32>
      %parallel_loop3A_86 = arith.mulf %parallel_loop3A_85, %parallel_loop3A_47 : vector<16xf32>
      %parallel_loop3A_87 = arith.constant 1.000000e+00 : f32
      %parallel_loop3A_88 = vector.broadcast %parallel_loop3A_87 : f32 to vector<16xf32>
      %parallel_loop3A_89 = arith.addf %parallel_loop3A_86, %parallel_loop3A_88 : vector<16xf32>
      %parallel_loop3A_90 = arith.constant 0.000000e+00 : f32
      %parallel_loop3A_91 = vector.broadcast %parallel_loop3A_90 : f32 to vector<16xf32>
      %parallel_loop3A_92 = arith.maximumf %parallel_loop3A_42, %parallel_loop3A_91 : vector<16xf32>
      %parallel_loop3A_93 = arith.mulf %parallel_loop3A_89, %parallel_loop3A_47 : vector<16xf32>
      %parallel_loop3A_94 = arith.addf %parallel_loop3A_92, %parallel_loop3A_93 : vector<16xf32>
      %parallel_loop3A_95 = arith.index_cast %parallel_loop3A_28 : i32 to index
      %parallel_loop3A_96 = tpu.vector_load %arg14[%parallel_loop3A_95] {strides = array<i32>} : memref<3136xf32, #tpu.memory_space<vmem>>, vector<16xf32>,
      tpu.vector_store %arg14[%parallel_loop3A_95], %parallel_loop3A_94 {strides = array<i32>} : memref<3136xf32, #tpu.memory_space<vmem>>, vector<16xf32>,
      tpu.vector_store_idx %arg15[%iota3A, %parallel_loop3A_30], %parallel_loop3A_94 {add = true} : memref<16x1024xf32, #tpu.memory_space<vmem>>[vector<16xi32>, vector<16xi32>], vector<16xf32>,
    } {sc.loop_unroll_factor = 4 : i64, sc.parallel_access}
    %parallel_loop3A_15 = arith.constant 0 : i32
    %parallel_loop3A_16 = arith.constant 64 : i32
    %parallel_loop3A_17 = arith.constant 1 : i32
    scf.for %parallel_loop3A_26 = %parallel_loop3A_15 to %parallel_loop3A_16 step %parallel_loop3A_17  : i32 {
      %parallel_loop3A_27 = arith.constant 16 : i32
      %parallel_loop3A_28 = arith.muli %parallel_loop3A_26, %parallel_loop3A_27 : i32
      %parallel_loop3A_29 = arith.constant 0 : i32
      %parallel_loop3A_30 = arith.index_cast %parallel_loop3A_29 : i32 to index
      %parallel_loop3A_31 = arith.index_cast %parallel_loop3A_28 : i32 to index
      %parallel_loop3A_32 = tpu.vector_load %arg15[%parallel_loop3A_30, %parallel_loop3A_31] {strides = array<i32>} : memref<16x1024xf32, #tpu.memory_space<vmem>>, vector<16xf32>,
      %parallel_loop3A_33 = arith.constant 16 : i32
      %parallel_loop3A_34 = arith.muli %parallel_loop3A_26, %parallel_loop3A_33 : i32
      %parallel_loop3A_35 = arith.constant 1 : i32
      %parallel_loop3A_36 = arith.index_cast %parallel_loop3A_35 : i32 to index
      %parallel_loop3A_37 = arith.index_cast %parallel_loop3A_34 : i32 to index
      %parallel_loop3A_38 = tpu.vector_load %arg15[%parallel_loop3A_36, %parallel_loop3A_37] {strides = array<i32>} : memref<16x1024xf32, #tpu.memory_space<vmem>>, vector<16xf32>,
      %parallel_loop3A_39 = arith.addf %parallel_loop3A_32, %parallel_loop3A_38 : vector<16xf32>
      %parallel_loop3A_40 = arith.constant 16 : i32
      %parallel_loop3A_41 = arith.muli %parallel_loop3A_26, %parallel_loop3A_40 : i32
      %parallel_loop3A_42 = arith.constant 2 : i32
      %parallel_loop3A_43 = arith.index_cast %parallel_loop3A_42 : i32 to index
      %parallel_loop3A_44 = arith.index_cast %parallel_loop3A_41 : i32 to index
      %parallel_loop3A_45 = tpu.vector_load %arg15[%parallel_loop3A_43, %parallel_loop3A_44] {strides = array<i32>} : memref<16x1024xf32, #tpu.memory_space<vmem>>, vector<16xf32>,
      %parallel_loop3A_46 = arith.addf %parallel_loop3A_39, %parallel_loop3A_45 : vector<16xf32>
      %parallel_loop3A_47 = arith.constant 16 : i32
      %parallel_loop3A_48 = arith.muli %parallel_loop3A_26, %parallel_loop3A_47 : i32
      %parallel_loop3A_49 = arith.constant 3 : i32
      %parallel_loop3A_50 = arith.index_cast %parallel_loop3A_49 : i32 to index
      %parallel_loop3A_51 = arith.index_cast %parallel_loop3A_48 : i32 to index
      %parallel_loop3A_52 = tpu.vector_load %arg15[%parallel_loop3A_50, %parallel_loop3A_51] {strides = array<i32>} : memref<16x1024xf32, #tpu.memory_space<vmem>>, vector<16xf32>,
      %parallel_loop3A_53 = arith.addf %parallel_loop3A_46, %parallel_loop3A_52 : vector<16xf32>
      %parallel_loop3A_54 = arith.constant 16 : i32
      %parallel_loop3A_55 = arith.muli %parallel_loop3A_26, %parallel_loop3A_54 : i32
      %parallel_loop3A_56 = arith.constant 4 : i32
      %parallel_loop3A_57 = arith.index_cast %parallel_loop3A_56 : i32 to index
      %parallel_loop3A_58 = arith.index_cast %parallel_loop3A_55 : i32 to index
      %parallel_loop3A_59 = tpu.vector_load %arg15[%parallel_loop3A_57, %parallel_loop3A_58] {strides = array<i32>} : memref<16x1024xf32, #tpu.memory_space<vmem>>, vector<16xf32>,
      %parallel_loop3A_60 = arith.addf %parallel_loop3A_53, %parallel_loop3A_59 : vector<16xf32>
      %parallel_loop3A_61 = arith.constant 16 : i32
      %parallel_loop3A_62 = arith.muli %parallel_loop3A_26, %parallel_loop3A_61 : i32
      %parallel_loop3A_63 = arith.constant 5 : i32
      %parallel_loop3A_64 = arith.index_cast %parallel_loop3A_63 : i32 to index
      %parallel_loop3A_65 = arith.index_cast %parallel_loop3A_62 : i32 to index
      %parallel_loop3A_66 = tpu.vector_load %arg15[%parallel_loop3A_64, %parallel_loop3A_65] {strides = array<i32>} : memref<16x1024xf32, #tpu.memory_space<vmem>>, vector<16xf32>,
      %parallel_loop3A_67 = arith.addf %parallel_loop3A_60, %parallel_loop3A_66 : vector<16xf32>
      %parallel_loop3A_68 = arith.constant 16 : i32
      %parallel_loop3A_69 = arith.muli %parallel_loop3A_26, %parallel_loop3A_68 : i32
      %parallel_loop3A_70 = arith.constant 6 : i32
      %parallel_loop3A_71 = arith.index_cast %parallel_loop3A_70 : i32 to index
      %parallel_loop3A_72 = arith.index_cast %parallel_loop3A_69 : i32 to index
      %parallel_loop3A_73 = tpu.vector_load %arg15[%parallel_loop3A_71, %parallel_loop3A_72] {strides = array<i32>} : memref<16x1024xf32, #tpu.memory_space<vmem>>, vector<16xf32>,
      %parallel_loop3A_74 = arith.addf %parallel_loop3A_67, %parallel_loop3A_73 : vector<16xf32>
      %parallel_loop3A_75 = arith.constant 16 : i32
      %parallel_loop3A_76 = arith.muli %parallel_loop3A_26, %parallel_loop3A_75 : i32
      %parallel_loop3A_77 = arith.constant 7 : i32
      %parallel_loop3A_78 = arith.index_cast %parallel_loop3A_77 : i32 to index
      %parallel_loop3A_79 = arith.index_cast %parallel_loop3A_76 : i32 to index
      %parallel_loop3A_80 = tpu.vector_load %arg15[%parallel_loop3A_78, %parallel_loop3A_79] {strides = array<i32>} : memref<16x1024xf32, #tpu.memory_space<vmem>>, vector<16xf32>,
      %parallel_loop3A_81 = arith.addf %parallel_loop3A_74, %parallel_loop3A_80 : vector<16xf32>
      %parallel_loop3A_82 = arith.constant 16 : i32
      %parallel_loop3A_83 = arith.muli %parallel_loop3A_26, %parallel_loop3A_82 : i32
      %parallel_loop3A_84 = arith.constant 8 : i32
      %parallel_loop3A_85 = arith.index_cast %parallel_loop3A_84 : i32 to index
      %parallel_loop3A_86 = arith.index_cast %parallel_loop3A_83 : i32 to index
      %parallel_loop3A_87 = tpu.vector_load %arg15[%parallel_loop3A_85, %parallel_loop3A_86] {strides = array<i32>} : memref<16x1024xf32, #tpu.memory_space<vmem>>, vector<16xf32>,
      %parallel_loop3A_88 = arith.addf %parallel_loop3A_81, %parallel_loop3A_87 : vector<16xf32>
      %parallel_loop3A_89 = arith.constant 16 : i32
      %parallel_loop3A_90 = arith.muli %parallel_loop3A_26, %parallel_loop3A_89 : i32
      %parallel_loop3A_91 = arith.constant 9 : i32
      %parallel_loop3A_92 = arith.index_cast %parallel_loop3A_91 : i32 to index
      %parallel_loop3A_93 = arith.index_cast %parallel_loop3A_90 : i32 to index
      %parallel_loop3A_94 = tpu.vector_load %arg15[%parallel_loop3A_92, %parallel_loop3A_93] {strides = array<i32>} : memref<16x1024xf32, #tpu.memory_space<vmem>>, vector<16xf32>,
      %parallel_loop3A_95 = arith.addf %parallel_loop3A_88, %parallel_loop3A_94 : vector<16xf32>
      %parallel_loop3A_96 = arith.constant 16 : i32
      %parallel_loop3A_97 = arith.muli %parallel_loop3A_26, %parallel_loop3A_96 : i32
      %parallel_loop3A_98 = arith.constant 10 : i32
      %parallel_loop3A_99 = arith.index_cast %parallel_loop3A_98 : i32 to index
      %parallel_loop3A_100 = arith.index_cast %parallel_loop3A_97 : i32 to index
      %parallel_loop3A_101 = tpu.vector_load %arg15[%parallel_loop3A_99, %parallel_loop3A_100] {strides = array<i32>} : memref<16x1024xf32, #tpu.memory_space<vmem>>, vector<16xf32>,
      %parallel_loop3A_102 = arith.addf %parallel_loop3A_95, %parallel_loop3A_101 : vector<16xf32>
      %parallel_loop3A_103 = arith.constant 16 : i32
      %parallel_loop3A_104 = arith.muli %parallel_loop3A_26, %parallel_loop3A_103 : i32
      %parallel_loop3A_105 = arith.constant 11 : i32
      %parallel_loop3A_106 = arith.index_cast %parallel_loop3A_105 : i32 to index
      %parallel_loop3A_107 = arith.index_cast %parallel_loop3A_104 : i32 to index
      %parallel_loop3A_108 = tpu.vector_load %arg15[%parallel_loop3A_106, %parallel_loop3A_107] {strides = array<i32>} : memref<16x1024xf32, #tpu.memory_space<vmem>>, vector<16xf32>,
      %parallel_loop3A_109 = arith.addf %parallel_loop3A_102, %parallel_loop3A_108 : vector<16xf32>
      %parallel_loop3A_110 = arith.constant 16 : i32
      %parallel_loop3A_111 = arith.muli %parallel_loop3A_26, %parallel_loop3A_110 : i32
      %parallel_loop3A_112 = arith.constant 12 : i32
      %parallel_loop3A_113 = arith.index_cast %parallel_loop3A_112 : i32 to index
      %parallel_loop3A_114 = arith.index_cast %parallel_loop3A_111 : i32 to index
      %parallel_loop3A_115 = tpu.vector_load %arg15[%parallel_loop3A_113, %parallel_loop3A_114] {strides = array<i32>} : memref<16x1024xf32, #tpu.memory_space<vmem>>, vector<16xf32>,
      %parallel_loop3A_116 = arith.addf %parallel_loop3A_109, %parallel_loop3A_115 : vector<16xf32>
      %parallel_loop3A_117 = arith.constant 16 : i32
      %parallel_loop3A_118 = arith.muli %parallel_loop3A_26, %parallel_loop3A_117 : i32
      %parallel_loop3A_119 = arith.constant 13 : i32
      %parallel_loop3A_120 = arith.index_cast %parallel_loop3A_119 : i32 to index
      %parallel_loop3A_121 = arith.index_cast %parallel_loop3A_118 : i32 to index
      %parallel_loop3A_122 = tpu.vector_load %arg15[%parallel_loop3A_120, %parallel_loop3A_121] {strides = array<i32>} : memref<16x1024xf32, #tpu.memory_space<vmem>>, vector<16xf32>,
      %parallel_loop3A_123 = arith.addf %parallel_loop3A_116, %parallel_loop3A_122 : vector<16xf32>
      %parallel_loop3A_124 = arith.constant 16 : i32
      %parallel_loop3A_125 = arith.muli %parallel_loop3A_26, %parallel_loop3A_124 : i32
      %parallel_loop3A_126 = arith.constant 14 : i32
      %parallel_loop3A_127 = arith.index_cast %parallel_loop3A_126 : i32 to index
      %parallel_loop3A_128 = arith.index_cast %parallel_loop3A_125 : i32 to index
      %parallel_loop3A_129 = tpu.vector_load %arg15[%parallel_loop3A_127, %parallel_loop3A_128] {strides = array<i32>} : memref<16x1024xf32, #tpu.memory_space<vmem>>, vector<16xf32>,
      %parallel_loop3A_130 = arith.addf %parallel_loop3A_123, %parallel_loop3A_129 : vector<16xf32>
      %parallel_loop3A_131 = arith.constant 16 : i32
      %parallel_loop3A_132 = arith.muli %parallel_loop3A_26, %parallel_loop3A_131 : i32
      %parallel_loop3A_133 = arith.constant 15 : i32
      %parallel_loop3A_134 = arith.index_cast %parallel_loop3A_133 : i32 to index
      %parallel_loop3A_135 = arith.index_cast %parallel_loop3A_132 : i32 to index
      %parallel_loop3A_136 = tpu.vector_load %arg15[%parallel_loop3A_134, %parallel_loop3A_135] {strides = array<i32>} : memref<16x1024xf32, #tpu.memory_space<vmem>>, vector<16xf32>,
      %parallel_loop3A_137 = arith.addf %parallel_loop3A_130, %parallel_loop3A_136 : vector<16xf32>
      %parallel_loop3A_138 = arith.constant 16 : i32
      %parallel_loop3A_139 = arith.muli %parallel_loop3A_26, %parallel_loop3A_138 : i32
      %parallel_loop3A_140 = arith.index_cast %parallel_loop3A_139 : i32 to index
      %parallel_loop3A_141 = tpu.vector_load %arg16[%parallel_loop3A_140] {strides = array<i32>} : memref<1024xf32, #tpu.memory_space<vmem>>, vector<16xf32>,
      tpu.vector_store %arg16[%parallel_loop3A_140], %parallel_loop3A_137 {strides = array<i32>} : memref<1024xf32, #tpu.memory_space<vmem>>, vector<16xf32>,
    } {sc.loop_unroll_factor = 2 : i64, sc.parallel_access}
    %not3A_18 = arith.constant true
    %not3A_19 = arith.xori %eq3A_3, %not3A_18 : i1
    %convert_element_type3A_20 = arith.extui %not3A_19 : i1 to i32
    %cond3A_21 = arith.constant 0 : i32
    %cond3A_22 = arith.cmpi ne, %convert_element_type3A_20, %cond3A_21 : i32
    scf.if %cond3A_22 {
      "tpu.region"() ({
        %run_scoped3A = tpu.sem_alloc : memref<!tpu.dma_semaphore, #tpu.memory_space<semaphore_mem>>
        %dma_start3A = tpu.memref_slice %arg6[%mul3A_2] : memref<100000xf32, #tpu.memory_space<hbm>> -> memref<3136xf32, #tpu.memory_space<hbm>>
        %dma_start3A_26 = tpu.memref_slice %arg6[%mul3A_2] : memref<100000xf32, #tpu.memory_space<hbm>> -> memref<3136xf32, #tpu.memory_space<hbm>>
        tpu.enqueue_dma source(%arg14 : memref<3136xf32, #tpu.memory_space<vmem>>) target(%dma_start3A_26 : memref<3136xf32, #tpu.memory_space<hbm>>) target_semaphore(%run_scoped3A : memref<!tpu.dma_semaphore, #tpu.memory_space<semaphore_mem>>)
        %dma_wait3A = tpu.memref_slice %arg6[%mul3A_2] : memref<100000xf32, #tpu.memory_space<hbm>> -> memref<3136xf32, #tpu.memory_space<hbm>>
        %dma_wait3A_27 = tpu.memref_slice %arg6[%mul3A_2] : memref<100000xf32, #tpu.memory_space<hbm>> -> memref<3136xf32, #tpu.memory_space<hbm>>
        tpu.wait_dma2 semaphore(%run_scoped3A : memref<!tpu.dma_semaphore, #tpu.memory_space<semaphore_mem>>) src(%arg14 : memref<3136xf32, #tpu.memory_space<vmem>>) dst(%dma_wait3A_27 : memref<3136xf32, #tpu.memory_space<hbm>>)
        tpu.yield
      }) : () -> ()
    } else {
    }
    %convert_element_type3A_23 = arith.extui %eq3A_3 : i1 to i32
    %cond3A_24 = arith.constant 0 : i32
    %cond3A_25 = arith.cmpi ne, %convert_element_type3A_23, %cond3A_24 : i32
    scf.if %cond3A_25 {
      "tpu.region"() ({
        %run_scoped3A = tpu.sem_alloc : memref<!tpu.dma_semaphore, #tpu.memory_space<semaphore_mem>>
        %dma_start3A = arith.constant 0 : i32
        %dma_start3A_26 = tpu.memref_slice %arg14[%dma_start3A] : memref<3136xf32, #tpu.memory_space<vmem>> -> memref<2784xf32, #tpu.memory_space<vmem>>
        %dma_start3A_27 = tpu.memref_slice %arg6[%mul3A_2] : memref<100000xf32, #tpu.memory_space<hbm>> -> memref<2784xf32, #tpu.memory_space<hbm>>
        %dma_start3A_28 = tpu.memref_slice %arg6[%mul3A_2] : memref<100000xf32, #tpu.memory_space<hbm>> -> memref<2784xf32, #tpu.memory_space<hbm>>
        %dma_start3A_29 = arith.constant 0 : i32
        %dma_start3A_30 = tpu.memref_slice %arg14[%dma_start3A_29] : memref<3136xf32, #tpu.memory_space<vmem>> -> memref<2784xf32, #tpu.memory_space<vmem>>
        tpu.enqueue_dma source(%dma_start3A_30 : memref<2784xf32, #tpu.memory_space<vmem>>) target(%dma_start3A_28 : memref<2784xf32, #tpu.memory_space<hbm>>) target_semaphore(%run_scoped3A : memref<!tpu.dma_semaphore, #tpu.memory_space<semaphore_mem>>)
        %dma_wait3A = arith.constant 0 : i32
        %dma_wait3A_31 = tpu.memref_slice %arg14[%dma_wait3A] : memref<3136xf32, #tpu.memory_space<vmem>> -> memref<2784xf32, #tpu.memory_space<vmem>>
        %dma_wait3A_32 = tpu.memref_slice %arg6[%mul3A_2] : memref<100000xf32, #tpu.memory_space<hbm>> -> memref<2784xf32, #tpu.memory_space<hbm>>
        %dma_wait3A_33 = tpu.memref_slice %arg6[%mul3A_2] : memref<100000xf32, #tpu.memory_space<hbm>> -> memref<2784xf32, #tpu.memory_space<hbm>>
        %dma_wait3A_34 = arith.constant 0 : i32
        %dma_wait3A_35 = tpu.memref_slice %arg14[%dma_wait3A_34] : memref<3136xf32, #tpu.memory_space<vmem>> -> memref<2784xf32, #tpu.memory_space<vmem>>
        tpu.wait_dma2 semaphore(%run_scoped3A : memref<!tpu.dma_semaphore, #tpu.memory_space<semaphore_mem>>) src(%dma_wait3A_35 : memref<2784xf32, #tpu.memory_space<vmem>>) dst(%dma_wait3A_33 : memref<2784xf32, #tpu.memory_space<hbm>>)
        tpu.yield
      }) : () -> ()
    } else {
    }
    "tpu.region"() ({
      %run_scoped3A = tpu.sem_alloc : memref<!tpu.dma_semaphore, #tpu.memory_space<semaphore_mem>>
      %dma_start3A = arith.constant 0 : i32
      %dma_start3A_26 = tpu.memref_slice %arg7[%add3A, %dma_start3A] : memref<32x1024xf32, #tpu.memory_space<hbm>> -> memref<1x1024xf32, #tpu.memory_space<hbm>>
      %dma_start3A_27 = tpu.memref_squeeze %dma_start3A_26 : memref<1x1024xf32, #tpu.memory_space<hbm>> -> memref<1024xf32, #tpu.memory_space<hbm>>
      %dma_start3A_28 = arith.constant 0 : i32
      %dma_start3A_29 = tpu.memref_slice %arg7[%add3A, %dma_start3A_28] : memref<32x1024xf32, #tpu.memory_space<hbm>> -> memref<1x1024xf32, #tpu.memory_space<hbm>>
      %dma_start3A_30 = tpu.memref_squeeze %dma_start3A_29 : memref<1x1024xf32, #tpu.memory_space<hbm>> -> memref<1024xf32, #tpu.memory_space<hbm>>
      tpu.enqueue_dma source(%arg16 : memref<1024xf32, #tpu.memory_space<vmem>>) target(%dma_start3A_30 : memref<1024xf32, #tpu.memory_space<hbm>>) target_semaphore(%run_scoped3A : memref<!tpu.dma_semaphore, #tpu.memory_space<semaphore_mem>>)
      %dma_wait3A = arith.constant 0 : i32
      %dma_wait3A_31 = tpu.memref_slice %arg7[%add3A, %dma_wait3A] : memref<32x1024xf32, #tpu.memory_space<hbm>> -> memref<1x1024xf32, #tpu.memory_space<hbm>>
      %dma_wait3A_32 = tpu.memref_squeeze %dma_wait3A_31 : memref<1x1024xf32, #tpu.memory_space<hbm>> -> memref<1024xf32, #tpu.memory_space<hbm>>
      %dma_wait3A_33 = arith.constant 0 : i32
      %dma_wait3A_34 = tpu.memref_slice %arg7[%add3A, %dma_wait3A_33] : memref<32x1024xf32, #tpu.memory_space<hbm>> -> memref<1x1024xf32, #tpu.memory_space<hbm>>
      %dma_wait3A_35 = tpu.memref_squeeze %dma_wait3A_34 : memref<1x1024xf32, #tpu.memory_space<hbm>> -> memref<1024xf32, #tpu.memory_space<hbm>>
      tpu.wait_dma2 semaphore(%run_scoped3A : memref<!tpu.dma_semaphore, #tpu.memory_space<semaphore_mem>>) src(%arg16 : memref<1024xf32, #tpu.memory_space<vmem>>) dst(%dma_wait3A_35 : memref<1024xf32, #tpu.memory_space<hbm>>)
      tpu.yield
    }) : () -> ()
    return
  }
}

module attributes {stable_mosaic.version = 14 : i64} {
  func.func @_tc1_body(%arg0: i32, %arg1: memref<8192x128xf32, #tpu.memory_space<vmem>>, %arg2: memref<128x128xf32, #tpu.memory_space<vmem>>, %arg3: memref<2x128xf32, #tpu.memory_space<vmem>>, %arg4: memref<1x128xf32, #tpu.memory_space<vmem>>, %arg5: memref<8192xf32, #tpu.memory_space<vmem>>, %arg6: memref<8192xf32, #tpu.memory_space<vmem>>) attributes {dimension_semantics = [#tpu.dimension_semantics<arbitrary>], iteration_bounds = array<i64: 13>, scalar_prefetch = 0 : i64, scratch_operands = 0 : i64, tpu.core_type = #tpu.core_type<tc>, window_params = [{transform_indices = @transform_0, window_bounds = array<i64: 8192, 128>}, {pipeline_mode = #tpu.pipeline_mode<synchronous>, transform_indices = @transform_1, window_bounds = array<i64: 128, 128>}, {pipeline_mode = #tpu.pipeline_mode<synchronous>, transform_indices = @transform_2, window_bounds = array<i64: 2, 128>}, {pipeline_mode = #tpu.pipeline_mode<synchronous>, transform_indices = @transform_3, window_bounds = array<i64: 1, 128>}, {transform_indices = @transform_4, window_bounds = array<i64: 8192>}, {transform_indices = @transform_5, window_bounds = array<i64: 8192>}]} {
    %get3A = arith.constant 0 : index
    %get3A_0 = arith.constant 0 : index
    %get3A_1 = vector.load %arg3[%get3A, %get3A_0] : memref<2x128xf32, #tpu.memory_space<vmem>>, vector<2x128xf32>
    %get3A_2 = arith.constant 0 : index
    %get3A_3 = arith.constant 0 : index
    %get3A_4 = vector.load %arg2[%get3A_2, %get3A_3] : memref<128x128xf32, #tpu.memory_space<vmem>>, vector<128x128xf32>
    %dot_general3A = arith.constant dense<0.000000e+00> : vector<2x128xf32>
    %dot_general3A_5 = tpu.matmul %get3A_1, %get3A_4, %dot_general3A {dimension_numbers = #tpu.dot_dimension_numbers<[1], [1], [0], [0], [0, 0, 1, 0], [], []>, transpose_lhs_hint = false} : vector<2x128xf32>, vector<128x128xf32>, vector<2x128xf32> -> vector<2x128xf32>
    %get3A_6 = arith.constant 0 : index
    %get3A_7 = arith.constant 0 : index
    %get3A_8 = vector.load %arg3[%get3A_6, %get3A_7] : memref<2x128xf32, #tpu.memory_space<vmem>>, vector<2x128xf32>
    %get3A_9 = arith.constant 0 : index
    %get3A_10 = arith.constant 0 : index
    %get3A_11 = vector.load %arg4[%get3A_9, %get3A_10] : memref<1x128xf32, #tpu.memory_space<vmem>>, vector<1x128xf32>
    %dot_general3A_12 = arith.constant dense<0.000000e+00> : vector<2x1xf32>
    %dot_general3A_13 = tpu.matmul %get3A_8, %get3A_11, %dot_general3A_12 {dimension_numbers = #tpu.dot_dimension_numbers<[1], [1], [0], [0], [0, 0, 1, 0], [], []>, transpose_lhs_hint = false} : vector<2x128xf32>, vector<1x128xf32>, vector<2x1xf32> -> vector<2x1xf32>
    %get3A_14 = arith.constant 0 : index
    %get3A_15 = arith.constant 0 : index
    %get3A_16 = vector.load %arg1[%get3A_14, %get3A_15] : memref<8192x128xf32, #tpu.memory_space<vmem>>, vector<8192x128xf32>
    %dot_general3A_17 = arith.constant dense<0.000000e+00> : vector<2x8192xf32>
    %dot_general3A_18 = tpu.matmul %dot_general3A_5, %get3A_16, %dot_general3A_17 {dimension_numbers = #tpu.dot_dimension_numbers<[1], [1], [0], [0], [0, 0, 1, 0], [], []>, transpose_lhs_hint = false} : vector<2x128xf32>, vector<8192x128xf32>, vector<2x8192xf32> -> vector<2x8192xf32>
    %add3A = vector.broadcast %dot_general3A_13 : vector<2x1xf32> to vector<2x8192xf32>
    %add3A_19 = arith.addf %dot_general3A_18, %add3A : vector<2x8192xf32>
    %slice3A = vector.extract_strided_slice %add3A_19 {offsets = [0, 0], sizes = [1, 8192], strides = [1, 1]} : vector<2x8192xf32> to vector<1x8192xf32>
    %reshape3A = vector.shape_cast %slice3A : vector<1x8192xf32> to vector<8192xf32>
    %swap3A = arith.constant 0 : index
    %swap3A_20 = vector.load %arg5[%swap3A] : memref<8192xf32, #tpu.memory_space<vmem>>, vector<8192xf32>
    tpu.vector_store %arg5[%swap3A], %reshape3A {strides = array<i32>} : memref<8192xf32, #tpu.memory_space<vmem>>, vector<8192xf32>,
    %slice3A_21 = vector.extract_strided_slice %add3A_19 {offsets = [1, 0], sizes = [1, 8192], strides = [1, 1]} : vector<2x8192xf32> to vector<1x8192xf32>
    %reshape3A_22 = vector.shape_cast %slice3A_21 : vector<1x8192xf32> to vector<8192xf32>
    %swap3A_23 = arith.constant 0 : index
    %swap3A_24 = vector.load %arg6[%swap3A_23] : memref<8192xf32, #tpu.memory_space<vmem>>, vector<8192xf32>
    tpu.vector_store %arg6[%swap3A_23], %reshape3A_22 {strides = array<i32>} : memref<8192xf32, #tpu.memory_space<vmem>>, vector<8192xf32>,
    return
  }
  func.func @transform_0(%arg0: i32) -> (i32, i32) {
    %c0_i32 = arith.constant 0 : i32
    %c0_i32_0 = arith.constant 0 : i32
    return %arg0, %c0_i32 : i32, i32
  }
  func.func @transform_1(%arg0: i32) -> (i32, i32) {
    %c0_i32 = arith.constant 0 : i32
    %c0_i32_0 = arith.constant 0 : i32
    %c0_i32_1 = arith.constant 0 : i32
    return %c0_i32, %c0_i32_0 : i32, i32
  }
  func.func @transform_2(%arg0: i32) -> (i32, i32) {
    %c0_i32 = arith.constant 0 : i32
    %c0_i32_0 = arith.constant 0 : i32
    %c0_i32_1 = arith.constant 0 : i32
    return %c0_i32, %c0_i32_0 : i32, i32
  }
  func.func @transform_3(%arg0: i32) -> (i32, i32) {
    %c0_i32 = arith.constant 0 : i32
    %c0_i32_0 = arith.constant 0 : i32
    %c0_i32_1 = arith.constant 0 : i32
    return %c0_i32, %c0_i32_0 : i32, i32
  }
  func.func @transform_4(%arg0: i32) -> i32 {
    %c0_i32 = arith.constant 0 : i32
    return %arg0 : i32
  }
  func.func @transform_5(%arg0: i32) -> i32 {
    %c0_i32 = arith.constant 0 : i32
    return %arg0 : i32
  }
}

module attributes {stable_mosaic.version = 14 : i64} {
  func.func @_tc2_body(%arg0: i32, %arg1: memref<8192xf32, #tpu.memory_space<vmem>>, %arg2: memref<8192xf32, #tpu.memory_space<vmem>>, %arg3: memref<2x128xf32, #tpu.memory_space<vmem>>, %arg4: memref<128x128xf32, #tpu.memory_space<vmem>>, %arg5: memref<128x128xf32, #tpu.memory_space<vmem>>, %arg6: memref<128x128xf32, #tpu.memory_space<vmem>>, %arg7: memref<8192x128xf32, #tpu.memory_space<vmem>>) attributes {dimension_semantics = [#tpu.dimension_semantics<arbitrary>], iteration_bounds = array<i64: 13>, scalar_prefetch = 0 : i64, scratch_operands = 0 : i64, tpu.core_type = #tpu.core_type<tc>, window_params = [{transform_indices = @transform_0, window_bounds = array<i64: 8192>}, {transform_indices = @transform_1, window_bounds = array<i64: 8192>}, {pipeline_mode = #tpu.pipeline_mode<synchronous>, transform_indices = @transform_2, window_bounds = array<i64: 2, 128>}, {pipeline_mode = #tpu.pipeline_mode<synchronous>, transform_indices = @transform_3, window_bounds = array<i64: 128, 128>}, {pipeline_mode = #tpu.pipeline_mode<synchronous>, transform_indices = @transform_4, window_bounds = array<i64: 128, 128>}, {pipeline_mode = #tpu.pipeline_mode<synchronous>, transform_indices = @transform_5, window_bounds = array<i64: 128, 128>}, {transform_indices = @transform_6, window_bounds = array<i64: 8192, 128>}]} {
    %get3A = arith.constant 0 : index
    %get3A_0 = vector.load %arg1[%get3A] : memref<8192xf32, #tpu.memory_space<vmem>>, vector<8192xf32>
    %reshape3A = vector.shape_cast %get3A_0 : vector<8192xf32> to vector<1x8192xf32>
    %get3A_1 = arith.constant 0 : index
    %get3A_2 = vector.load %arg2[%get3A_1] : memref<8192xf32, #tpu.memory_space<vmem>>, vector<8192xf32>
    %reshape3A_3 = vector.shape_cast %get3A_2 : vector<8192xf32> to vector<1x8192xf32>
    %concatenate3A = tpu.concatenate %reshape3A, %reshape3A_3 in 0 : vector<1x8192xf32>, vector<1x8192xf32> -> vector<2x8192xf32>
    %get3A_4 = arith.constant 0 : index
    %get3A_5 = arith.constant 0 : index
    %get3A_6 = vector.load %arg3[%get3A_4, %get3A_5] : memref<2x128xf32, #tpu.memory_space<vmem>>, vector<2x128xf32>
    %dot_general3A = arith.constant dense<0.000000e+00> : vector<8192x128xf32>
    %dot_general3A_7 = tpu.matmul %concatenate3A, %get3A_6, %dot_general3A {dimension_numbers = #tpu.dot_dimension_numbers<[0], [0], [1], [1], [0, 1, 1, 1], [], []>, transpose_lhs_hint = false} : vector<2x8192xf32>, vector<2x128xf32>, vector<8192x128xf32> -> vector<8192x128xf32>
    %convert_element_type3A = arith.truncf %dot_general3A_7 : vector<8192x128xf32> to vector<8192x128xbf16>
    %mul3A = arith.constant 5.000000e-01 : bf16
    %mul3A_8 = vector.broadcast %mul3A : bf16 to vector<8192x128xbf16>
    %mul3A_9 = arith.mulf %mul3A_8, %convert_element_type3A : vector<8192x128xbf16>
    %tanh3A = math.tanh %mul3A_9 : vector<8192x128xbf16>
    %mul3A_10 = arith.constant 5.000000e-01 : bf16
    %mul3A_11 = vector.broadcast %mul3A_10 : bf16 to vector<8192x128xbf16>
    %mul3A_12 = arith.mulf %mul3A_11, %tanh3A : vector<8192x128xbf16>
    %add3A = arith.constant 5.000000e-01 : bf16
    %add3A_13 = vector.broadcast %add3A : bf16 to vector<8192x128xbf16>
    %add3A_14 = arith.addf %mul3A_12, %add3A_13 : vector<8192x128xbf16>
    %mul3A_15 = arith.mulf %convert_element_type3A, %add3A_14 : vector<8192x128xbf16>
    %get3A_16 = arith.constant 0 : index
    %get3A_17 = arith.constant 0 : index
    %get3A_18 = vector.load %arg4[%get3A_16, %get3A_17] : memref<128x128xf32, #tpu.memory_space<vmem>>, vector<128x128xf32>
    %convert_element_type3A_19 = arith.truncf %get3A_18 : vector<128x128xf32> to vector<128x128xbf16>
    %dot_general3A_20 = arith.constant dense<0.000000e+00> : vector<8192x128xf32>
    %dot_general3A_21 = tpu.matmul %mul3A_15, %convert_element_type3A_19, %dot_general3A_20 {dimension_numbers = #tpu.dot_dimension_numbers<[1], [0], [0], [1], [0, 0, 1, 1], [], []>, transpose_lhs_hint = false} : vector<8192x128xbf16>, vector<128x128xbf16>, vector<8192x128xf32> -> vector<8192x128xf32>
    %convert_element_type3A_22 = arith.truncf %dot_general3A_21 : vector<8192x128xf32> to vector<8192x128xbf16>
    %mul3A_23 = arith.constant 5.000000e-01 : bf16
    %mul3A_24 = vector.broadcast %mul3A_23 : bf16 to vector<8192x128xbf16>
    %mul3A_25 = arith.mulf %mul3A_24, %convert_element_type3A_22 : vector<8192x128xbf16>
    %tanh3A_26 = math.tanh %mul3A_25 : vector<8192x128xbf16>
    %mul3A_27 = arith.constant 5.000000e-01 : bf16
    %mul3A_28 = vector.broadcast %mul3A_27 : bf16 to vector<8192x128xbf16>
    %mul3A_29 = arith.mulf %mul3A_28, %tanh3A_26 : vector<8192x128xbf16>
    %add3A_30 = arith.constant 5.000000e-01 : bf16
    %add3A_31 = vector.broadcast %add3A_30 : bf16 to vector<8192x128xbf16>
    %add3A_32 = arith.addf %mul3A_29, %add3A_31 : vector<8192x128xbf16>
    %mul3A_33 = arith.mulf %convert_element_type3A_22, %add3A_32 : vector<8192x128xbf16>
    %get3A_34 = arith.constant 0 : index
    %get3A_35 = arith.constant 0 : index
    %get3A_36 = vector.load %arg5[%get3A_34, %get3A_35] : memref<128x128xf32, #tpu.memory_space<vmem>>, vector<128x128xf32>
    %convert_element_type3A_37 = arith.truncf %get3A_36 : vector<128x128xf32> to vector<128x128xbf16>
    %dot_general3A_38 = arith.constant dense<0.000000e+00> : vector<8192x128xf32>
    %dot_general3A_39 = tpu.matmul %mul3A_33, %convert_element_type3A_37, %dot_general3A_38 {dimension_numbers = #tpu.dot_dimension_numbers<[1], [0], [0], [1], [0, 0, 1, 1], [], []>, transpose_lhs_hint = false} : vector<8192x128xbf16>, vector<128x128xbf16>, vector<8192x128xf32> -> vector<8192x128xf32>
    %add3A_40 = arith.addf %dot_general3A_7, %dot_general3A_39 : vector<8192x128xf32>
    %convert_element_type3A_41 = arith.truncf %add3A_40 : vector<8192x128xf32> to vector<8192x128xbf16>
    %mul3A_42 = arith.constant 5.000000e-01 : bf16
    %mul3A_43 = vector.broadcast %mul3A_42 : bf16 to vector<8192x128xbf16>
    %mul3A_44 = arith.mulf %mul3A_43, %convert_element_type3A_41 : vector<8192x128xbf16>
    %tanh3A_45 = math.tanh %mul3A_44 : vector<8192x128xbf16>
    %mul3A_46 = arith.constant 5.000000e-01 : bf16
    %mul3A_47 = vector.broadcast %mul3A_46 : bf16 to vector<8192x128xbf16>
    %mul3A_48 = arith.mulf %mul3A_47, %tanh3A_45 : vector<8192x128xbf16>
    %add3A_49 = arith.constant 5.000000e-01 : bf16
    %add3A_50 = vector.broadcast %add3A_49 : bf16 to vector<8192x128xbf16>
    %add3A_51 = arith.addf %mul3A_48, %add3A_50 : vector<8192x128xbf16>
    %mul3A_52 = arith.mulf %convert_element_type3A_41, %add3A_51 : vector<8192x128xbf16>
    %get3A_53 = arith.constant 0 : index
    %get3A_54 = arith.constant 0 : index
    %get3A_55 = vector.load %arg6[%get3A_53, %get3A_54] : memref<128x128xf32, #tpu.memory_space<vmem>>, vector<128x128xf32>
    %convert_element_type3A_56 = arith.truncf %get3A_55 : vector<128x128xf32> to vector<128x128xbf16>
    %dot_general3A_57 = arith.constant dense<0.000000e+00> : vector<8192x128xf32>
    %dot_general3A_58 = tpu.matmul %mul3A_52, %convert_element_type3A_56, %dot_general3A_57 {dimension_numbers = #tpu.dot_dimension_numbers<[1], [0], [0], [1], [0, 0, 1, 1], [], []>, transpose_lhs_hint = false} : vector<8192x128xbf16>, vector<128x128xbf16>, vector<8192x128xf32> -> vector<8192x128xf32>
    %swap3A = arith.constant 0 : index
    %swap3A_59 = arith.constant 0 : index
    %swap3A_60 = vector.load %arg7[%swap3A, %swap3A_59] : memref<8192x128xf32, #tpu.memory_space<vmem>>, vector<8192x128xf32>
    tpu.vector_store %arg7[%swap3A, %swap3A_59], %dot_general3A_58 {strides = array<i32>} : memref<8192x128xf32, #tpu.memory_space<vmem>>, vector<8192x128xf32>,
    return
  }
  func.func @transform_0(%arg0: i32) -> i32 {
    %c0_i32 = arith.constant 0 : i32
    return %arg0 : i32
  }
  func.func @transform_1(%arg0: i32) -> i32 {
    %c0_i32 = arith.constant 0 : i32
    return %arg0 : i32
  }
  func.func @transform_2(%arg0: i32) -> (i32, i32) {
    %c0_i32 = arith.constant 0 : i32
    %c0_i32_0 = arith.constant 0 : i32
    %c0_i32_1 = arith.constant 0 : i32
    return %c0_i32, %c0_i32_0 : i32, i32
  }
  func.func @transform_3(%arg0: i32) -> (i32, i32) {
    %c0_i32 = arith.constant 0 : i32
    %c0_i32_0 = arith.constant 0 : i32
    %c0_i32_1 = arith.constant 0 : i32
    return %c0_i32, %c0_i32_0 : i32, i32
  }
  func.func @transform_4(%arg0: i32) -> (i32, i32) {
    %c0_i32 = arith.constant 0 : i32
    %c0_i32_0 = arith.constant 0 : i32
    %c0_i32_1 = arith.constant 0 : i32
    return %c0_i32, %c0_i32_0 : i32, i32
  }
  func.func @transform_5(%arg0: i32) -> (i32, i32) {
    %c0_i32 = arith.constant 0 : i32
    %c0_i32_0 = arith.constant 0 : i32
    %c0_i32_1 = arith.constant 0 : i32
    return %c0_i32, %c0_i32_0 : i32, i32
  }
  func.func @transform_6(%arg0: i32) -> (i32, i32) {
    %c0_i32 = arith.constant 0 : i32
    %c0_i32_0 = arith.constant 0 : i32
    return %arg0, %c0_i32 : i32, i32
  }
}

</mosaic_0001>

<sc_bundles>
// kernel: kernel.6.cloned.1.call-start
scs
__scs_entry_jumppad:
0x0: {  	(pc) =	sbr.rel $0x88, $3  }
0x1: {  	(tag) =	ssettag $0x0;
	lr =	simm.s32 $0x1  }
0x2: {  	[smem:$0x3F97] =	sst lr;
	_ =	strace $0xD0000000  }
0x3: {  	_ = 	snop  }
0x4: {  	_ = 	snop  }
0x5: {  	_ = 	snop  }
0x6: {  	_ = 	snop  }
0x7: {  	_ = 	snop  }
__scs_overlays_trampoline_lowered:
0x8: {  	[smem:$0x3FA6] =	sst s0  }
0x9: {  	[smem:$0x3FA7] =	sst s1  }
0xa: {  	[smem:$0x3FA8] =	sst s2  }
0xb: {  	[smem:$0x3FA9] =	sst s3  }
0xc: {  	[smem:$0x3FAA] =	sst s4  }
0xd: {  	[smem:$0x3FAB] =	sst s5  }
0xe: {  	[smem:$0x3FAC] =	sst s6  }
0xf: {  	[smem:$0x3FAD] =	sst s7  }
0x10: {  	[smem:$0x3FAE] =	sst s8  }
0x11: {  	[smem:$0x3FAF] =	sst s9;
	s0 =	simm.s32 @!p0 $0x0  }
0x12: {  	s1 =	sld [smem:$0x3F95];
	s0 =	simm.s32 @p0 $0x1  }
0x13: {  	[smem:$0x3FB0] =	sst s0;
	s0 =	simm.s32 @!p1 $0x0  }
0x14: {  	s2 =	sld [smem:$0x3F94];
	s0 =	simm.s32 @p1 $0x1  }
0x15: {  	[smem:$0x3FB1] =	sst s0;
	s0 =	simm.s32 @!p2 $0x0  }
0x16: {  	s3 =	sld [smem:$0x3FDB];
	s0 =	simm.s32 @p2 $0x1  }
0x17: {  	s4 =	simm.s32 $0x1BF5;
	[smem:$0x3FB3] =	sst s0  }
0x18: {  	s0 =	sld [smem:$0x3F96];
	_ =	swait.ge [sflag:s4], $0x0  }
0x19: {  	s7 =	sld [smem:$0x3F97]  }
0x1a: {  	s8 =	sadd.s32 $0xFFFFE003, lr  }
0x1b: {  	s9 =	sadd.s32 $0xFFFFFEF7, lr;
	s5 =	simm.s32 $0xFFFFFFFF;
	p2 =	slt.u32 s8, $0xFFFFF086  }
0x1c: {  	p1 =	slt.u32 s9, $0xF7A;
	s5 =	simm.s32 @!p2 $0x0  }
0x1d: {  	s5 =	simm.s32 @p1 $0x1;
	p0 =	seq.s32 s7, s2  }
0x1e: {  	s7 =	smul.u32 @!p0 $0xF7A, s2;
	p2 =	seq.s32 @!p0 s5, $0x0  }
0x1f: {  	s9 =	smul.u32 $0xF7A, s1;
	s8 =	simm.s32 @!p0 $0x1BF5;
	p2 =	por !p2, p0  }
0x20: {  	[sflag:s8] =	ssyncset.s32 @!p0 $0xFFFFF086;
	s6 =	sadd.s32 @!p0 s3, s7;
	s7 =	simm.s32 @!p0 $0x108  }
0x21: {  	s3 =	sadd.s32 s3, s9;
	s6 =	sadd.s32 @!p0 $0x88, s6;
	s7 =	simm.s32 @p2 $0x1082  }
0x22: {  	[simem:s7], [sflag:s8] =	dma.local @!p0 [hbm:s6], $0xF7A  }
0x23: {  	s9 =	sor.u32 $0xD0000000, s2;
	s6 =	simm.s32 $0x108;
	_ =	swait.ge @!p0 [sflag:s8], $0x0  }
0x24: {  	s3 =	sadd.s32 $0x88, s3;
	s6 =	simm.s32 @!p1 $0x1082;
	[sflag:s4] =	ssyncset.s32 $0xFFFFF086  }
0x25: {  	[simem:s6], [sflag:s4] =	dma.local [hbm:s3], $0xF7A  }
0x26: {  	[smem:$0x3F97] =	sst s1;
	(tag) =	ssettag s2;
	_ =	strace s9  }
0x27: {  	s1 =	sld [smem:$0x3FA7]  }
0x28: {  	s2 =	sld [smem:$0x3FA8]  }
0x29: {  	s4 =	sld [smem:$0x3FAA]  }
0x2a: {  	p0 =	seq.s32 s5, $0x0;
	s5 =	sld [smem:$0x3FAB]  }
0x2b: {  	s6 =	sld [smem:$0x3FAC]  }
0x2c: {  	s7 =	sld [smem:$0x3FAD]  }
0x2d: {  	s3 =	simm.s32 $0x108;
	s8 =	sld [smem:$0x3FAE]  }
0x2e: {  	s3 =	simm.s32 @!p0 $0x1082;
	s9 =	sld [smem:$0x3FAF]  }
0x2f: {  	lr =	sadd.s32 s0, s3;
	s0 =	sld [smem:$0x3FA6]  }
0x30: {  	s3 =	sld [smem:$0x3FA9]  }
0x31: {  	[smem:$0x3FB2] =	sst s10  }
0x32: {  	s10 =	sld [smem:$0x3FB0];
	_ =	sdelay $0x3  }
0x33: {  	p0 =	seq.s32 s10, $0x1;
	s10 =	sld [smem:$0x3FB2];
	_ =	sdelay $0x3  }
0x34: {  	[smem:$0x3FB2] =	sst s10  }
0x35: {  	s10 =	sld [smem:$0x3FB1];
	_ =	sdelay $0x3  }
0x36: {  	p1 =	seq.s32 s10, $0x1;
	s10 =	sld [smem:$0x3FB2];
	_ =	sdelay $0x3  }
0x37: {  	[smem:$0x3FB2] =	sst s10  }
0x38: {  	s10 =	sld [smem:$0x3FB3]  }
0x39: {  	_ = 	snop;
	(pc) =	sbr.ind lr, $3  }
0x3a: {  	_ = 	snop  }
0x3b: {  	_ = 	snop  }
0x3c: {  	p2 =	seq.s32 s10, $0x1;
	s10 =	sld [smem:$0x3FB2]  }
0x3d: {  	_ =	shalt  }
0x3e: {  	_ =	shalt  }
0x3f: {  	_ =	shalt  }
0x40: {  	_ =	shalt  }
0x41: {  	_ =	shalt  }
0x42: {  	_ =	shalt  }
0x43: {  	_ =	shalt  }
0x44: {  	_ =	shalt  }
0x45: {  	_ =	shalt  }
0x46: {  	_ =	shalt  }
0x47: {  	_ =	shalt  }
0x48: {  	_ =	shalt  }
0x49: {  	_ =	shalt  }
0x4a: {  	_ =	shalt  }
0x4b: {  	_ =	shalt  }
0x4c: {  	_ =	shalt  }
0x4d: {  	_ =	shalt  }
0x4e: {  	_ =	shalt  }
0x4f: {  	_ =	shalt  }
0x50: {  	_ =	shalt  }
0x51: {  	_ =	shalt  }
0x52: {  	_ =	shalt  }
0x53: {  	_ =	shalt  }
0x54: {  	_ =	shalt  }
0x55: {  	_ =	shalt  }
0x56: {  	_ =	shalt  }
0x57: {  	_ =	shalt  }
0x58: {  	_ =	shalt  }
0x59: {  	_ =	shalt  }
0x5a: {  	_ =	shalt  }
0x5b: {  	_ =	shalt  }
0x5c: {  	_ =	shalt  }
0x5d: {  	_ =	shalt  }
0x5e: {  	_ =	shalt  }
0x5f: {  	_ =	shalt  }
0x60: {  	_ =	shalt  }
0x61: {  	_ =	shalt  }
0x62: {  	_ =	shalt  }
0x63: {  	_ =	shalt  }
0x64: {  	_ =	shalt  }
0x65: {  	_ =	shalt  }
0x66: {  	_ =	shalt  }
0x67: {  	_ =	shalt  }
0x68: {  	_ =	shalt  }
0x69: {  	_ =	shalt  }
0x6a: {  	_ =	shalt  }
0x6b: {  	_ =	shalt  }
0x6c: {  	_ =	shalt  }
0x6d: {  	_ =	shalt  }
0x6e: {  	_ =	shalt  }
0x6f: {  	_ =	shalt  }
0x70: {  	_ =	shalt  }
0x71: {  	_ =	shalt  }
0x72: {  	_ =	shalt  }
0x73: {  	_ =	shalt  }
0x74: {  	_ =	shalt  }
0x75: {  	_ =	shalt  }
0x76: {  	_ =	shalt  }
0x77: {  	_ =	shalt  }
0x78: {  	_ =	shalt  }
0x79: {  	_ =	shalt  }
0x7a: {  	_ =	shalt  }
0x7b: {  	_ =	shalt  }
0x7c: {  	_ =	shalt  }
0x7d: {  	_ =	shalt  }
0x7e: {  	_ =	shalt  }
0x7f: {  	_ =	shalt  }
0x80: {  	_ =	shalt  }
0x81: {  	_ =	shalt  }
0x82: {  	_ =	shalt  }
0x83: {  	_ =	shalt  }
0x84: {  	_ =	shalt  }
0x85: {  	_ =	shalt  }
0x86: {  	_ =	shalt  }
0x87: {  	_ =	shalt  }
.Lfunc_end0:
.L_simem_size_0:
called_computation_lowered:
.L_overlay_start_0:
0x88: {  	s2 =	sld [smem:$0x3FD9]  }
0x89: {  	s3 =	sld [smem:$0x3FFE];
	_ =	sdelay $0x1  }
0x8a: {  	s1 =	srdreg.scid  }
0x8b: {  	s0 =	sand.u32 $0x1, s1  }
0x8c: {  	s17 =	sshll.u32 s0, $0xA;
	s2 =	sadd.s32 s3, s2  }
0x8d: {  	s2 =	sadd.s32 s2, s17  }
0x8e: {  	[smem:$0x3FBE] =	sst s2  }
0x8f: {  	_ = 	snop  }
0x90: {  	s2 =	sld [smem:$0x3FC8]  }
0x91: {  	s18 =	sld [smem:$0x3FC7]  }
0x92: {  	s4 =	sld [smem:$0x3FD0];
	(tm) =	ssettm $0x1  }
0x93: {  	s5 =	sld [smem:$0x3FFB];
	_ =	sdelay $0x3  }
0x94: {  	_ =	strace s5  }
0x95: {  	s5 =	sld [smem:$0x3FFC];
	_ =	sdelay $0x3  }
0x96: {  	_ =	strace s5  }
0x97: {  	s5 =	sld [smem:$0x3FFD];
	_ =	sdelay $0x3  }
0x98: {  	_ =	strace s5  }
0x99: {  	_ =	strace $0x8FFFFFFF  }
0x9a: {  	s19 =	sld [smem:$0x3FDB];
	_ =	sdelay $0x1  }
0x9b: {  	s6 =	simm.s32 $_scs_section_size  }
0x9c: {  	s7 =	simm.s32 $_size__tile_overlayer_lowered;
	s8 =	simm.s32 $_tile_overlayer_lowered  }
0x9d: {  	s22 =	simm.s32 $0x1BFF;
	s21 =	sshll.u32 s8, $0x1;
	s5 =	sadd.s32 s6, s19  }
0x9e: {  	s9 =	simm.s32 $0x0;
	s20 =	sshll.u32 s7, $0x1;
	s7 =	sadd.s32 s21, s5  }
0x9f: {  	[timem:s9], [sflag:s22] =	dma.local [hbm:s7], s20  }
0xa0: {  	_ =	swait.ge [sflag:s22], s20  }
0xa1: {  	s6 =	ssub.s32 $0x0, s20;
	[sflag:s22] =	ssyncset.done $0x0  }
0xa2: {  	[sflag:s22] =	ssyncadd.s32 s6;
	_ =	sdelay $0x1  }
0xa3: {  	s23 =	simm.s32 $0x1B8B  }
0xa4: {  	_ =	swait.ge [sflag:s23], $0x1  }
0xa5: {  	[sflag:s23] =	ssyncset.done $0x0  }
0xa6: {  	s25 =	simm.s32 $0x1B8E;
	s24 =	sld [smem:$0x3FFE];
	[sflag:s23] =	ssyncadd.s32 $0xFFFFFFFF  }
0xa7: {  	s26 =	simm.s32 $execute0_lowered;
	[smem:$0x3FD2] =	sst s25  }
0xa8: {  	s7 =	sshll.u32 s26, $0x1;
	_ =	strace $0x80000046;
	[dreg:$0x1] =	wrdreg $0xFFFFFFFF  }
0xa9: {  	s28 =	simm.s32 $_size_execute0_lowered;
	s5 =	sadd.s32 s5, s7;
	[dreg:$0x0] =	wrdreg $0x0  }
0xaa: {  	s7 =	sshll.u32 s28, $0x1;
	[dreg:$0x2] =	wrdreg s5  }
0xab: {  	[dreg:$0x3] =	wrdreg s7  }
0xac: {  	[dreg:$0x4] =	wrdreg $0xC0  }
0xad: {  	_ =	task [dreg:s9], $0x5FFFF  }
0xae: {  	[dreg:$0x1] =	wrdreg $0xFFFFFFFF  }
0xaf: {  	[dreg:$0x0] =	wrdreg $0x60  }
0xb0: {  	[dreg:$0x2] =	wrdreg s2  }
0xb1: {  	[dreg:$0x3] =	wrdreg s18  }
0xb2: {  	[dreg:$0x4] =	wrdreg s4  }
0xb3: {  	[dreg:$0x5] =	wrdreg s24  }
0xb4: {  	[dreg:$0x6] =	wrdreg $0x9  }
0xb5: {  	_ =	task.clear_ibuf [dreg:s9], $0x7FFFF;
	_ =	strace $0x90000046  }
0xb6: {  	s29 =	simm.s32 $0x9;
	_ =	strace $0x80000048  }
0xb7: {  	_ =	swait.ge [sflag:s29], $0x1  }
0xb8: {  	[sflag:s29] =	ssyncadd.s32 $0xFFFFFFFF  }
0xb9: {  	_ =	strace $0x90000048  }
0xba: {  	_ =	sfence  }
0xbb: {  	s30 =	sld [smem:$0x0];
	_ =	sdelay $0x2  }
0xbc: {  	s31 =	sshll.u32 s1, $0xD;
	s1 =	sshrl.u32 s1, $0x2  }
0xbd: {  	s3 =	sand.u32 $0x4000, s31;
	s1 =	sadd.s32 s1, s30  }
0xbe: {  	s0 =	sor.u32 s3, s0;
	s1 =	sshll.u32 s1, $0x11  }
0xbf: {  	s0 =	sor.u32 s1, s0  }
0xc0: {  	s0 =	sadd.s32 $0x8F2B, s0  }
0xc1: {  	[sflag:s0] =	ssyncadd.remote.s32 $0x1  }
0xc2: {  	_ =	sfence.sel $0xFFFF  }
0xc3: {  	[dreg:$0x0] =	wrdreg $0xFFFFFFFF;
	(pc) =	sbr.abs _section_cstart, $3  }
0xc4: {  	[dreg:$0x1] =	wrdreg $0xFFFFFFFF  }
0xc5: {  	_ =	task.clear_ibuf [dreg:s9], $0x2FFFF;
	_ =	strace $0x9FFFFFFF  }
0xc6: {  	(tm) =	ssettm $0x7FFFFFFF  }
0xc7: {  	_ =	shalt  }
tec
execute0_lowered:
.L_overlay_start_1:
0x0: {  	(tag) =	ssettag $0x1  }
0x1: {  	s0 =	rddreg [dreg:$0x1]  }
0x2: {  	s1 =	rddreg [dreg:$0x2];
	s2 =	srdreg.scid  }
0x3: {  	s3 =	stileid.u32;
	s4 =	rddreg [dreg:$0x3]  }
0x4: {  	s6 =	simm.s32 $0x0;
	s10 =	simm.s32 $0x0;
	s2 =	sand.u32 $0x1, s2  }
0x5: {  	s5 =	sshll.u32 s3, $0x1;
	[smem:$0x7FF] =	sst s6;
	s7 =	sshll.u32 s3, $0x8  }
0x6: {  	s21 =	sadd.s32 $0x2F78, s1;
	s22 =	sadd.s32 $0x5778, s4;
	s25 =	sadd.s32 $0x8978, s4  }
0x7: {  	v0 =	vimm.s32 $0x2380;
	vm0 =	vcmask $0x300;
	s5 =	sor.u32 s2, s5;
	_ =	strace $0x80000047;
	[dreg:$0x9] =	wrdreg s21  }
0x8: {  	vm14 =	vcmask $0x704;
	v0 =	vsel vm0, $0x0, v0;
	s2 =	ssub.s32 $0x2, s2;
	s7 =	sand.u32 $0xC00, s7;
	[dreg:$0xa] =	wrdreg s22  }
0x9: {  	vm15 =	vcmask $0xB08;
	v0 =	vsel vm14, $0x80, v0;
	[dreg:$0xc] =	wrdreg s25;
	s17 =	smul.u32 $0x188, s5;
	s9 =	sshrl.u32 s2, $0x1  }
0xa: {  	vm4 =	vcmask $0xF0C;
	v0 =	vsel vm15, $0x100, v0;
	s7 =	sadd.s32 s7, s4;
	p0 =	seq.s32 s5, $0x1F;
	s23 =	sshll.u32 s5, $0x4  }
0xb: {  	vm5 =	vcmask $0x1310;
	v0 =	vsel vm4, $0x180, v0;
	s2 =	ssub.s32 s2, s9;
	s9 =	simm.s32 $0xAE;
	s18 =	sadd.s32 s0, s17  }
0xc: {  	vm6 =	vcmask $0x1714;
	s8 =	sadd.s32 s17, s4;
	v0 =	vsel vm5, $0x200, v0;
	s19 =	sadd.s32 s1, s17;
	[dreg:$0x5] =	wrdreg s18  }
0xd: {  	vm7 =	vcmask $0x1B18;
	s0 =	sadd.s32 $0x2F78, s0;
	s9 =	simm.s32 @!p0 $0xC4;
	[dreg:$0x6] =	wrdreg s19;
	v0 =	vsel vm6, $0x280, v0  }
0xe: {  	vm8 =	vcmask $0x1F1C;
	s28 =	smax.u32 s2, $0x1;
	s20 =	sadd.s32 $0x2800, s8;
	[dreg:$0x8] =	wrdreg s0;
	v0 =	vsel vm7, $0x300, v0  }
0xf: {  	vm9 =	vcmask $0x2320;
	s24 =	sadd.s32 $0x5A00, s8;
	s0 =	sand.u32 $0x70, s23;
	[dreg:$0xe] =	wrdreg s28;
	v0 =	vsel vm8, $0x380, v0  }
0x10: {  	vm10 =	vcmask $0x2724;
	s26 =	sshll.u32 s9, $0x4;
	[dreg:$0x7] =	wrdreg s20;
	s0 =	sadd.s32 s0, s7;
	v0 =	vsel vm9, $0x2000, v0  }
0x11: {  	vm11 =	vcmask $0x2B28;
	[dreg:$0xb] =	wrdreg s24;
	s29 =	sand.u32 $0xEC0, s26;
	s0 =	sadd.s32 $0x8C00, s0;
	v0 =	vsel vm10, $0x2080, v0  }
0x12: {  	vm12 =	vcmask $0x2F2C;
	s21 =	simm.s32 $0x400;
	s1 =	sadd.s32 $0xC00, s29;
	[dreg:$0xd] =	wrdreg s0;
	v0 =	vsel vm11, $0x2100, v0  }
0x13: {  	vm13 =	vcmask $0x3330;
	s22 =	simm.s32 $0x800;
	s30 =	sadd.s32 $0x1880, s29;
	[dreg:$0xf] =	wrdreg s1;
	v0 =	vsel vm12, $0x2180, v0  }
0x14: {  	vm14 =	vcmask $0x3734;
	s11 =	sand.u32 $0xEC, s9;
	s31 =	sadd.s32 $0x2500, s29;
	[dreg:$0x10] =	wrdreg s30;
	v0 =	vsel vm13, $0x2200, v0  }
0x15: {  	vm15 =	vcmask $0x3B38;
	s8 =	simm.s32 $0x1;
	[dreg:$0x11] =	wrdreg s31;
	s0 =	sadd.s32 $0x3180, s29;
	v1 =	vsel vm14, $0x2280, v0  }
0x16: {  	s23 =	simm.s32 $0x3E00;
	p1 =	sne.s32 s11, s9;
	[dreg:$0x12] =	wrdreg s0;
	v0 =	vimm.f32 $0.0e+00;
	v1 =	vsel vm15, $0x2300, v1  }
.LBB2_1:
0x17: {  	[dreg:$0x13] =	wrdreg s10  }
0x18: {  	s0 =	rddreg [dreg:$0x0];
	s3 =	simm.s32 $0x0  }
0x19: {  	[tilespmem:s3], [sflag:$0x1] =	stream.linear.gather [hbm4b:s0+s3], $0x400, $0x38;
	[tilespmem:$0x8200] =	vst v63  }
0x1a: {  	_ =	swait.ge [sflag:s8], $0x400  }
0x1b: {  	s1 =	simm.s32 @p0 $0xC00;
	[sflag:s8] =	ssyncset.done $0x0  }
0x1c: {  	s0 =	simm.s32 @p0 $0x0;
	s2 =	rddreg [dreg:$0x8];
	[sflag:s8] =	ssyncadd.s32 $0xFFFFFC00  }
0x1d: {  	[tilespmem:s1], [sflag:$0x1] =	stream.linear.gather @p0 [hbm4b:s2+s0], $0xAE0, $0x38;
	[tilespmem:$0x8200] =	vst v63  }
0x1e: {  	s1 =	simm.s32 @p0 $0x1  }
0x1f: {  	_ =	swait.ge @p0 [sflag:s1], $0xAE0  }
0x20: {  	[sflag:s1] =	ssyncset.done @p0 $0x0  }
0x21: {  	s2 =	simm.s32 @p0 $0x1880;
	s4 =	rddreg [dreg:$0x9];
	[sflag:s1] =	ssyncadd.s32 @p0 $0xFFFFF520  }
0x22: {  	[tilespmem:s2], [sflag:$0x1] =	stream.linear.gather @p0 [hbm4b:s4+s0], $0xAE0, $0x38;
	[tilespmem:$0x8200] =	vst v63  }
0x23: {  	_ =	swait.ge @p0 [sflag:s1], $0xAE0  }
0x24: {  	[sflag:s1] =	ssyncset.done @p0 $0x0  }
0x25: {  	s2 =	simm.s32 @p0 $0x2500;
	s4 =	rddreg [dreg:$0xa];
	[sflag:s1] =	ssyncadd.s32 @p0 $0xFFFFF520  }
0x26: {  	[tilespmem:s2], [sflag:$0x1] =	stream.linear.gather @p0 [hbm4b:s4+s0], $0xAE0, $0x38;
	[tilespmem:$0x8200] =	vst v63  }
0x27: {  	_ =	swait.ge @p0 [sflag:s1], $0xAE0  }
0x28: {  	s0 =	simm.s32 @!p0 $0x0;
	[sflag:s1] =	ssyncset.done @p0 $0x0  }
0x29: {  	s2 =	rddreg [dreg:$0x5];
	[sflag:s1] =	ssyncadd.s32 @p0 $0xFFFFF520;
	s1 =	simm.s32 @!p0 $0xC00  }
0x2a: {  	[tilespmem:s1], [sflag:$0x1] =	stream.linear.gather @!p0 [hbm4b:s2+s0], $0xC40, $0x38;
	[tilespmem:$0x8200] =	vst v63  }
0x2b: {  	s1 =	simm.s32 @!p0 $0x1  }
0x2c: {  	_ =	swait.ge @!p0 [sflag:s1], $0xC40  }
0x2d: {  	[sflag:s1] =	ssyncset.done @!p0 $0x0  }
0x2e: {  	s2 =	simm.s32 @!p0 $0x1880;
	s4 =	rddreg [dreg:$0x6];
	[sflag:s1] =	ssyncadd.s32 @!p0 $0xFFFFF3C0  }
0x2f: {  	[tilespmem:s2], [sflag:$0x1] =	stream.linear.gather @!p0 [hbm4b:s4+s0], $0xC40, $0x38;
	[tilespmem:$0x8200] =	vst v63  }
0x30: {  	_ =	swait.ge @!p0 [sflag:s1], $0xC40  }
0x31: {  	[sflag:s1] =	ssyncset.done @!p0 $0x0  }
0x32: {  	s2 =	simm.s32 @!p0 $0x2500;
	s4 =	rddreg [dreg:$0x7];
	[sflag:s1] =	ssyncadd.s32 @!p0 $0xFFFFF3C0  }
0x33: {  	[tilespmem:s2], [sflag:$0x1] =	stream.linear.gather @!p0 [hbm4b:s4+s0], $0xC40, $0x38;
	[tilespmem:$0x8200] =	vst v63  }
0x34: {  	_ =	swait.ge @!p0 [sflag:s1], $0xC40  }
0x35: {  	[sflag:s1] =	ssyncset.done @!p0 $0x0  }
0x36: {  	s29 =	sand.u32 $0x60, s3;
	[sflag:s1] =	ssyncadd.s32 @!p0 $0xFFFFF3C0  }
0x37: {  	s6 =	sand.u32 $0x380, s3;
	s30 =	sor.u32 $0x10, s29;
	v2 =	vld [tilespmem:s3+$0x0]  }
0x38: {  	s0 =	sor.u32 s6, s30  }
0x39: {  	v3 =	vld [tilespmem:s0+$0x0];
	_ =	sdelay $0x2  }
0x3a: {  	v4 =	vsub.f32 $0.0e+00, v2  }
0x3b: {  	v5 =	vmax.f32 v2, $1.000000000e+00  }
0x3c: {  	v7 =	vsub.f32 $0.0e+00, v3;
	(erf) = vrcp.f32 v5;
	v6 =	vmax.f32 v4, $1.000000000e+00  }
0x3d: {  	v58 =	vmax.f32 v3, $1.000000000e+00;
	(erf) = vrcp.f32 v6  }
0x3e: {  	v59 =	vmax.f32 v7, $1.000000000e+00;
	(erf) = vrcp.f32 v58  }
0x3f: {  	(erf) = vrcp.f32 v59;
	_ =	sdelay $0x5  }
0x40: {  	v2 =	vmax.f32 v2, $0.0e+00;
	v60 =	vpop (erf)  }
0x41: {  	v4 =	vmax.f32 v4, $0.0e+00;
	v2 =	vmul.f32 v60, v2;
	v61 =	vpop (erf)  }
0x42: {  	v3 =	vmax.f32 v3, $0.0e+00;
	v4 =	vmul.f32 v61, v4;
	v62 =	vpop (erf)  }
0x43: {  	[tilespmem:s21+$0x0] =	vst v2;
	v2 =	vmax.f32 v7, $0.0e+00;
	v3 =	vmul.f32 v62, v3;
	v63 =	vpop (erf)  }
0x44: {  	s13 =	sand.u32 $0x1C00, s3;
	[tilespmem:s22+$0x0] =	vst v4;
	v2 =	vmul.f32 v63, v2  }
0x45: {  	s7 =	sadd.s32 $0x3E00, s13;
	[tilespmem:s0+$0x400] =	vst v3  }
0x46: {  	s8 =	sor.u32 s30, s7;
	[tilespmem:s0+$0x800] =	vst v2  }
0x47: {  	[tilespmem:s8+$0x0] =	vst v0  }
0x48: {  	s31 =	simm.s32 $0xC20;
	s10 =	sor.u32 s3, s3;
	s6 =	sand.u32 $0x3, s3;
	[tilespmem:s8+$0x80] =	vst v0  }
0x49: {  	s24 =	simm.s32 $0x20;
	s25 =	sor.u32 $0x380, s10;
	s12 =	sshll.u32 s6, $0x5;
	[tilespmem:s8+$0x100] =	vst v0  }
0x4a: {  	s16 =	sadd.s32 $0x5E00, s13;
	s18 =	sadd.s32 $0x5E80, s13;
	s14 =	sadd.s32 $0x0, s12;
	[tilespmem:s8+$0x180] =	vst v0  }
0x4b: {  	s20 =	sadd.s32 $0x5F00, s13;
	s10 =	simm.s32 $0x0;
	s15 =	sadd.s32 $0x10, s14;
	[tilespmem:s8+$0x200] =	vst v0  }
0x4c: {  	s5 =	sor.u32 s29, s7;
	s19 =	sor.u32 s30, s16;
	s7 =	sor.u32 $0x300, s15;
	[tilespmem:s8+$0x280] =	vst v0  }
0x4d: {  	s26 =	sor.u32 s30, s18;
	s28 =	sor.u32 s30, s20;
	s17 =	sor.u32 $0x380, s15;
	[tilespmem:s7+$0x3E00] =	vst v0  }
0x4e: {  	s4 =	simm.s32 $0x20;
	s6 =	simm.s32 $0x400;
	s1 =	simm.s32 $0x0;
	[tilespmem:s17+$0x3E00] =	vst v0  }
0x4f: {  	s12 =	sor.u32 $0x300, s14;
	s14 =	sor.u32 s29, s16;
	s16 =	sor.u32 s29, s20;
	[tilespmem:s19+$0x0] =	vst v0  }
0x50: {  	s15 =	sor.u32 s29, s18;
	s18 =	sor.u32 $0x6000, s13;
	s19 =	sadd.s32 $0x5F80, s13;
	[tilespmem:s26+$0x0] =	vst v0  }
0x51: {  	s8 =	simm.s32 $0x800;
	s7 =	simm.s32 $0x0;
	s17 =	sor.u32 s30, s19;
	[tilespmem:s28+$0x0] =	vst v0  }
.LBB2_2:
0x52: {  	s20 =	sand.u32 $0x380, s4;
	s3 =	sor.u32 $0x6080, s13;
	[tilespmem:s17+$0x0] =	vst v0;
	s17 =	sor.u32 s30, s18  }
0x53: {  	s26 =	sand.u32 $0x60, s4;
	s28 =	sor.u32 $0x6100, s13;
	[tilespmem:s17+$0x0] =	vst v0;
	s17 =	sor.u32 s30, s3  }
0x54: {  	s13 =	sor.u32 $0x6180, s13;
	s0 =	sor.u32 $0x10, s26;
	s2 =	sor.u32 s30, s28;
	v2 =	vld [tilespmem:s24+$0x0];
	[tilespmem:s17+$0x0] =	vst v0  }
0x55: {  	s19 =	sor.u32 s29, s19;
	s17 =	sor.u32 s20, s0;
	[tilespmem:s2+$0x0] =	vst v0;
	s2 =	sor.u32 s30, s13  }
0x56: {  	s18 =	sor.u32 s29, s18;
	s3 =	sor.u32 s29, s3;
	s20 =	sor.u32 s29, s28;
	v3 =	vld [tilespmem:s17+$0x0];
	[tilespmem:s2+$0x0] =	vst v0  }
0x57: {  	s30 =	smov.u32 s0;
	s2 =	sor.u32 s29, s13;
	s29 =	smov.u32 s26;
	[tilespmem:s5+$0x0] =	vst v0  }
0x58: {  	[tilespmem:s5+$0x80] =	vst v0  }
0x59: {  	v4 =	vsub.f32 $0.0e+00, v2;
	[tilespmem:s5+$0x100] =	vst v0  }
0x5a: {  	v5 =	vmax.f32 v2, $1.000000000e+00;
	[tilespmem:s5+$0x180] =	vst v0  }
0x5b: {  	v6 =	vmax.f32 v4, $1.000000000e+00;
	v7 =	vsub.f32 $0.0e+00, v3;
	(erf) = vrcp.f32 v5;
	[tilespmem:s5+$0x200] =	vst v0  }
0x5c: {  	v5 =	vmax.f32 v3, $1.000000000e+00;
	(erf) = vrcp.f32 v6;
	[tilespmem:s5+$0x280] =	vst v0  }
0x5d: {  	v6 =	vmax.f32 v7, $1.000000000e+00;
	(erf) = vrcp.f32 v5;
	[tilespmem:s12+$0x3E00] =	vst v0  }
0x5e: {  	(erf) = vrcp.f32 v6;
	[tilespmem:s25+$0x3E00] =	vst v0  }
0x5f: {  	[tilespmem:s14+$0x0] =	vst v0  }
0x60: {  	[tilespmem:s15+$0x0] =	vst v0  }
0x61: {  	[tilespmem:s16+$0x0] =	vst v0  }
0x62: {  	[tilespmem:s19+$0x0] =	vst v0  }
0x63: {  	s1 =	sadd.s32 $0x2, s1;
	[tilespmem:s18+$0x0] =	vst v0  }
0x64: {  	p2 =	slt.u32 s1, $0x3E;
	v2 =	vmax.f32 v2, $0.0e+00;
	v5 =	vpop (erf);
	[tilespmem:s3+$0x0] =	vst v0  }
0x65: {  	v4 =	vmax.f32 v4, $0.0e+00;
	v2 =	vmul.f32 v5, v2;
	v5 =	vpop (erf);
	[tilespmem:s20+$0x0] =	vst v0  }
0x66: {  	s6 =	sadd.s32 $0x20, s6;
	v3 =	vmax.f32 v3, $0.0e+00;
	v4 =	vmul.f32 v5, v4;
	v5 =	vpop (erf);
	[tilespmem:s2+$0x0] =	vst v0  }
0x67: {  	s7 =	sadd.s32 $0x100, s7;
	s8 =	sadd.s32 $0x20, s8;
	[tilespmem:s6+$0x0] =	vst v2;
	v2 =	vmax.f32 v7, $0.0e+00;
	v3 =	vmul.f32 v5, v3;
	v5 =	vpop (erf)  }
0x68: {  	s0 =	sor.u32 s7, s4;
	s13 =	sand.u32 $0x1C00, s7;
	[tilespmem:s8+$0x0] =	vst v4;
	v2 =	vmul.f32 v5, v2  }
0x69: {  	s25 =	sor.u32 $0x380, s0;
	s2 =	sadd.s32 $0x3E00, s13;
	[tilespmem:s17+$0x400] =	vst v3  }
0x6a: {  	s5 =	sor.u32 s29, s2;
	s0 =	sor.u32 s30, s2;
	[tilespmem:s17+$0x800] =	vst v2  }
0x6b: {  	s10 =	sadd.s32 $0x1, s10;
	[tilespmem:s0+$0x0] =	vst v0  }
0x6c: {  	s2 =	sand.u32 $0x3, s10;
	[tilespmem:s0+$0x80] =	vst v0  }
0x6d: {  	s2 =	sshll.u32 s2, $0x5;
	[tilespmem:s0+$0x100] =	vst v0  }
0x6e: {  	s2 =	sadd.s32 s2, s7;
	[tilespmem:s0+$0x180] =	vst v0  }
0x6f: {  	s12 =	sor.u32 $0x300, s2;
	s2 =	sadd.s32 $0x10, s2;
	[tilespmem:s0+$0x200] =	vst v0  }
0x70: {  	s24 =	sadd.s32 $0x20, s24;
	[tilespmem:s0+$0x280] =	vst v0;
	s0 =	sor.u32 $0x300, s2  }
.Ltmp0:
0x71: {  	s3 =	sadd.s32 $0x5E00, s13;
	[tilespmem:s0+$0x3E00] =	vst v0;
	s0 =	sor.u32 $0x380, s2;
	(pc) =	sbr.rel @p2 .LBB2_2-.Ltmp0, $4  }
0x72: {  	s14 =	sor.u32 s29, s3;
	s2 =	sadd.s32 $0x5E80, s13;
	[tilespmem:s0+$0x3E00] =	vst v0;
	s0 =	sor.u32 s30, s3  }
0x73: {  	s15 =	sor.u32 s29, s2;
	s3 =	sadd.s32 $0x5F00, s13;
	[tilespmem:s0+$0x0] =	vst v0;
	s0 =	sor.u32 s30, s2  }
0x74: {  	s19 =	sadd.s32 $0x5F80, s13;
	s16 =	sor.u32 s29, s3;
	[tilespmem:s0+$0x0] =	vst v0;
	s0 =	sor.u32 s30, s3  }
0x75: {  	s4 =	sadd.s32 $0x20, s4;
	s18 =	sor.u32 $0x6000, s13;
	s17 =	sor.u32 s30, s19;
	[tilespmem:s0+$0x0] =	vst v0  }
0x76: {  	[tilespmem:s17+$0x0] =	vst v0  }
0x77: {  	[tilespmem:s5+$0x0] =	vst v0  }
0x78: {  	[tilespmem:s5+$0x80] =	vst v0  }
0x79: {  	[tilespmem:s5+$0x100] =	vst v0  }
0x7a: {  	[tilespmem:s5+$0x180] =	vst v0  }
0x7b: {  	[tilespmem:s5+$0x200] =	vst v0  }
0x7c: {  	s1 =	sor.u32 s30, s18;
	[tilespmem:s5+$0x280] =	vst v0  }
0x7d: {  	s0 =	sor.u32 $0x6080, s13;
	[tilespmem:s1+$0x0] =	vst v0  }
0x7e: {  	s17 =	sor.u32 s30, s0;
	[tilespmem:s12+$0x3E00] =	vst v0  }
0x7f: {  	s2 =	sor.u32 $0x6100, s13;
	[tilespmem:s17+$0x0] =	vst v0  }
0x80: {  	s20 =	sor.u32 s30, s2;
	[tilespmem:s25+$0x3E00] =	vst v0  }
0x81: {  	s3 =	sor.u32 $0x6180, s13;
	[tilespmem:s20+$0x0] =	vst v0  }
0x82: {  	s24 =	sor.u32 s30, s3;
	[tilespmem:s14+$0x0] =	vst v0  }
0x83: {  	[tilespmem:s24+$0x0] =	vst v0  }
0x84: {  	[tilespmem:s15+$0x0] =	vst v0  }
0x85: {  	s25 =	sor.u32 s29, s19;
	[tilespmem:s16+$0x0] =	vst v0  }
0x86: {  	s4 =	sor.u32 s29, s18;
	[tilespmem:s25+$0x0] =	vst v0  }
0x87: {  	s0 =	sor.u32 s29, s0;
	[tilespmem:s4+$0x0] =	vst v0  }
0x88: {  	s26 =	sor.u32 s29, s2;
	[tilespmem:s0+$0x0] =	vst v0  }
0x89: {  	s28 =	sor.u32 s29, s3;
	[tilespmem:s26+$0x0] =	vst v0  }
0x8a: {  	[tilespmem:s28+$0x0] =	vst v0  }
0x8b: {  	v15 =	vld [tilespmem:s31+$0x10];
	_ =	sdelay $0x4  }
0x8c: {  	s29 =	simm.s32 $0x18A0  }
0x8d: {  	s30 =	simm.s32 $0x2520;
	v4 =	vld [tilespmem:s29+$0x10]  }
0x8e: {  	v7 =	vld [tilespmem:s30+$0x10]  }
0x8f: {  	v5 =	vld.idx.msk [tilespmem:v15+s21+$0x0], $0xffff  }
0x90: {  	v6 =	vld.idx.msk [tilespmem:v15+s22+$0x0], $0xffff  }
0x91: {  	v3 =	vld [tilespmem:s31+$0xFFFFFFE0];
	_ =	sdelay $0x2  }
0x92: {  	v2 =	vld [tilespmem:s31+$0xFFFFFFF0]  }
0x93: {  	v9 =	vld [tilespmem:s31+$0x0];
	v4 =	vmul.f32 v5, v4;
	v5 =	vmul.f32 v6, v7  }
0x94: {  	v10 =	vld [tilespmem:s30+$0xFFFFFFE0]  }
0x95: {  	v16 =	vld [tilespmem:s29+$0xFFFFFFF0];
	v4 =	vadd.f32 v5, v4  }
0x96: {  	v17 =	vld [tilespmem:s30+$0xFFFFFFF0]  }
0x97: {  	v6 =	vld.idx.msk [tilespmem:v3+s21+$0x0], $0xffff;
	v14 =	vmul.f32 $8.838834610e-02, v4  }
0x98: {  	v7 =	vld.idx.msk [tilespmem:v3+s22+$0x0], $0xffff  }
0x99: {  	v4 =	vld [tilespmem:s29+$0xFFFFFFE0];
	v11 =	vand.u32 $0x7FFFFFFF, v14  }
0x9a: {  	v8 =	vld.idx.msk [tilespmem:v2+s22+$0x0], $0xffff;
	v11 =	vsub.f32 $0.0e+00, v11  }
0x9b: {  	v12 =	vld.idx.msk [tilespmem:v9+s21+$0x0], $0xffff  }
0x9c: {  	v13 =	vld.idx.msk [tilespmem:v9+s22+$0x0], $0xffff;
	v11 =	vmul.f32 $1.442695020e+00, v11  }
0x9d: {  	v5 =	vld.idx.msk [tilespmem:v2+s21+$0x0], $0xffff;
	v7 =	vmul.f32 v7, v10  }
0x9e: {  	v10 =	vld [tilespmem:s30+$0x0];
	v4 =	vmul.f32 v6, v4;
	(erf) = vpow2.f32 v11  }
0x9f: {  	v6 =	vld [tilespmem:s29+$0x0]  }
0xa0: {  	v4 =	vadd.f32 v7, v4;
	_ =	sdelay $0x1  }
0xa1: {  	v5 =	vmul.f32 v5, v16;
	v4 =	vmul.f32 $8.838834610e-02, v4  }
0xa2: {  	v7 =	vmul.f32 v8, v17;
	v8 =	vmul.f32 v13, v10  }
0xa3: {  	v6 =	vmul.f32 v12, v6;
	v10 =	vand.u32 $0x7FFFFFFF, v4  }
0xa4: {  	v5 =	vadd.f32 v7, v5;
	v7 =	vsub.f32 $0.0e+00, v10  }
0xa5: {  	v6 =	vadd.f32 v8, v6  }
0xa6: {  	v11 =	vshll.u32 v9, $0x3;
	v5 =	vmul.f32 $8.838834610e-02, v5;
	v7 =	vmul.f32 $1.442695020e+00, v7;
	v8 =	vpop (erf)  }
0xa7: {  	v13 =	vshll.u32 v3, $0x3;
	v6 =	vmul.f32 $8.838834610e-02, v6;
	v12 =	vmul.f32 $2.010967120e-03, v8  }
0xa8: {  	v3 =	vand.u32 $0x7F, v3;
	v16 =	vand.u32 $0x7FFFFFFF, v5;
	(erf) = vpow2.f32 v7  }
0xa9: {  	v7 =	vsub.f32 $0.0e+00, v16;
	v16 =	vand.u32 $0x7FFFFFFF, v6;
	v12 =	vadd.f32 $-1.326894850e-02, v12  }
0xaa: {  	v17 =	vand.u32 $0x7F, v2;
	v9 =	vand.u32 $0x7F, v9;
	v16 =	vsub.f32 $0.0e+00, v16  }
0xab: {  	v13 =	vand.u32 $0xFFFFFC00, v13;
	v7 =	vmul.f32 $1.442695020e+00, v7;
	v12 =	vmul.f32 v12, v8  }
0xac: {  	p3 =	sgt.u32 s11, $0x4;
	v11 =	vand.u32 $0xFFFFFC00, v11;
	v10 =	vshll.u32 v2, $0x3;
	v2 =	vmul.f32 $1.442695020e+00, v16  }
.Ltmp1:
0xad: {  	v9 =	vor.u32 v9, v11;
	(erf) = vpow2.f32 v7;
	v7 =	vadd.f32 $4.108218100e-02, v12;
	(pc) =	sbr.rel @!p3 .LBB2_4-.Ltmp1, $4  }
0xae: {  	v10 =	vand.u32 $0xFFFFFC00, v10;
	(erf) = vpow2.f32 v2;
	v2 =	vmax.f32 v6, $0.0e+00  }
0xaf: {  	v12 =	vor.u32 v3, v13;
	v3 =	vmax.f32 v4, $0.0e+00;
	v6 =	vmul.f32 v7, v8  }
0xb0: {  	v4 =	vmax.f32 v5, $0.0e+00;
	v5 =	vadd.s32 v1, v12;
	v7 =	vor.u32 v17, v10  }
0xb1: {  	p2 =	por $0x0, $0x0;
	s1 =	simm.s32 $0x31A0;
	s0 =	simm.s32 $0xC60;
	v10 =	vpop (erf);
	v7 =	vadd.s32 v1, v7;
	v30 =	vadd.f32 $-8.183734120e-02, v6;
	v6 =	vadd.s32 v1, v9  }
0xb2: {  	v12 =	vld [tilespmem:s0+$0x10];
	v13 =	vmul.f32 $2.010967120e-03, v10  }
0xb3: {  	v17 =	vld [tilespmem:s0+$0xFFFFFFF0];
	v16 =	vmul.f32 v30, v8  }
0xb4: {  	v20 =	vld [tilespmem:s0+$0x0];
	v13 =	vadd.f32 $-1.326894850e-02, v13  }
0xb5: {  	v21 =	vld [tilespmem:s0+$0xFFFFFFE0];
	v16 =	vadd.f32 $1.236370650e-01, v16  }
0xb6: {  	s29 =	simm.s32 $0x18E0;
	v11 =	vpop (erf);
	v13 =	vmul.f32 v13, v10  }
0xb7: {  	s30 =	simm.s32 $0x2560;
	v23 =	vld [tilespmem:s29+$0x10];
	v18 =	vmul.f32 $2.010967120e-03, v11;
	v16 =	vmul.f32 v16, v8  }
0xb8: {  	v28 =	vld [tilespmem:s30+$0x10];
	v9 =	vpop (erf);
	v22 =	vshll.u32 v17, $0x3;
	v13 =	vadd.f32 $4.108218100e-02, v13  }
0xb9: {  	v19 =	vmul.f32 $2.010967120e-03, v9;
	v18 =	vadd.f32 $-1.326894850e-02, v18;
	v16 =	vadd.f32 $-1.607517450e-01, v16  }
0xba: {  	v25 =	vshll.u32 v20, $0x3;
	v26 =	vshll.u32 v21, $0x3;
	v24 =	vld.idx.msk [tilespmem:v12+s21+$0x0], $0xffff;
	v13 =	vmul.f32 v13, v10  }
0xbb: {  	v19 =	vadd.f32 $-1.326894850e-02, v19;
	v27 =	vld.idx.msk [tilespmem:v12+s22+$0x0], $0xffff;
	v18 =	vmul.f32 v18, v11;
	v16 =	vmul.f32 v16, v8  }
0xbc: {  	v36 =	vld [tilespmem:s29+$0x0];
	v29 =	vand.u32 $0xFFFFFC00, v22;
	v22 =	vand.u32 $0xFFFFFC00, v26;
	v13 =	vadd.f32 $-8.183734120e-02, v13  }
0xbd: {  	v26 =	vld.idx.msk [tilespmem:v21+s21+$0x0], $0xffff;
	v19 =	vmul.f32 v19, v9;
	v18 =	vadd.f32 $4.108218100e-02, v18;
	v16 =	vadd.f32 $1.988030670e-01, v16  }
0xbe: {  	v30 =	vand.u32 $0xFFFFFC00, v25;
	v25 =	vld.idx.msk [tilespmem:v21+s22+$0x0], $0xffff;
	v13 =	vmul.f32 v13, v10  }
0xbf: {  	v31 =	vld.idx.msk [tilespmem:v17+s21+$0x0], $0xffff;
	v19 =	vadd.f32 $4.108218100e-02, v19;
	v18 =	vmul.f32 v18, v11;
	v16 =	vmul.f32 v16, v8  }
0xc0: {  	v32 =	vld.idx.msk [tilespmem:v17+s22+$0x0], $0xffff;
	v23 =	vmul.f32 v24, v23;
	v24 =	vmul.f32 v27, v28  }
0xc1: {  	v28 =	vand.u32 $0x7F, v17;
	v17 =	vld [tilespmem:s29+$0xFFFFFFE0];
	v19 =	vmul.f32 v19, v9;
	v13 =	vadd.f32 $1.236370650e-01, v13  }
0xc2: {  	v14 =	vmax.f32 v14, $0.0e+00;
	v21 =	vand.u32 $0x7F, v21;
	v27 =	vld.idx.msk [tilespmem:v20+s21+$0x0], $0xffff;
	v16 =	vadd.f32 $-2.498516740e-01, v16  }
0xc3: {  	v18 =	vadd.f32 $-8.183734120e-02, v18;
	v19 =	vadd.f32 $-8.183734120e-02, v19;
	v13 =	vmul.f32 v13, v10  }
0xc4: {  	v21 =	vor.u32 v21, v22;
	v23 =	vadd.f32 v24, v23;
	v24 =	vld [tilespmem:s30+$0xFFFFFFE0];
	v16 =	vmul.f32 v16, v8  }
0xc5: {  	v18 =	vmul.f32 v18, v11;
	v19 =	vmul.f32 v19, v9;
	v33 =	vadd.f32 $-1.607517450e-01, v13  }
0xc6: {  	v13 =	vmul.f32 $8.838834610e-02, v23;
	v23 =	vld [tilespmem:s29+$0xFFFFFFF0];
	v17 =	vmul.f32 v26, v17;
	v16 =	vadd.f32 $3.333233300e-01, v16  }
0xc7: {  	v34 =	vld.idx.msk [tilespmem:v20+s22+$0x0], $0xffff;
	v27 =	vmul.f32 v27, v36;
	v18 =	vadd.f32 $1.236370650e-01, v18;
	v19 =	vadd.f32 $1.236370650e-01, v19  }
0xc8: {  	v26 =	vld [tilespmem:s30+$0x0];
	v33 =	vmul.f32 v33, v10;
	v22 =	vand.u32 $0x7FFFFFFF, v13;
	v16 =	vmul.f32 v16, v8  }
0xc9: {  	v24 =	vmul.f32 v25, v24;
	v18 =	vmul.f32 v18, v11;
	v22 =	vsub.f32 $0.0e+00, v22  }
0xca: {  	v35 =	vld [tilespmem:s30+$0xFFFFFFF0];
	v19 =	vmul.f32 v19, v9;
	v25 =	vadd.f32 $1.988030670e-01, v33;
	v16 =	vadd.f32 $-4.999997020e-01, v16  }
0xcb: {  	v18 =	vadd.f32 $-1.607517450e-01, v18;
	v22 =	vmul.f32 $1.442695020e+00, v22;
	v23 =	vmul.f32 v31, v23  }
0xcc: {  	v31 =	vand.u32 $0x7F, v15;
	v15 =	vshll.u32 v15, $0x3;
	v16 =	vmul.f32 v16, v8  }
0xcd: {  	v26 =	vmul.f32 v34, v26;
	v19 =	vadd.f32 $-1.607517450e-01, v19;
	v18 =	vmul.f32 v18, v11  }
0xce: {  	v15 =	vand.u32 $0xFFFFFC00, v15;
	(erf) = vpow2.f32 v22;
	v16 =	vadd.f32 $1.000000000e+00, v16  }
0xcf: {  	v22 =	vmul.f32 v32, v35;
	v15 =	vor.u32 v31, v15;
	v18 =	vadd.f32 $1.988030670e-01, v18  }
0xd0: {  	v8 =	vmul.f32 v16, v8;
	v16 =	vadd.s32 v1, v15;
	v15 =	vadd.f32 v24, v17  }
0xd1: {  	v19 =	vmul.f32 v19, v9;
	v17 =	vadd.f32 v22, v23;
	v22 =	vadd.f32 v26, v27  }
0xd2: {  	v18 =	vmul.f32 v18, v11;
	v24 =	vadd.f32 v8, v14;
	v14 =	vmul.f32 $8.838834610e-02, v15  }
0xd3: {  	v15 =	vmul.f32 $8.838834610e-02, v17;
	v8 =	vadd.f32 $1.988030670e-01, v19;
	v17 =	vmul.f32 $8.838834610e-02, v22  }
0xd4: {  	v23 =	vmul.f32 v25, v10  }
0xd5: {  	v18 =	vadd.f32 $-2.498516740e-01, v18;
	v25 =	vmul.f32 v8, v9;
	v8 =	vand.u32 $0x7FFFFFFF, v17  }
0xd6: {  	v19 =	vadd.f32 $-2.498516740e-01, v23;
	v22 =	vand.u32 $0x7FFFFFFF, v14;
	v23 =	vand.u32 $0x7FFFFFFF, v15  }
0xd7: {  	v18 =	vmul.f32 v18, v11;
	v22 =	vsub.f32 $0.0e+00, v22;
	v23 =	vsub.f32 $0.0e+00, v23  }
0xd8: {  	v19 =	vmul.f32 v19, v10;
	v26 =	vsub.f32 $0.0e+00, v8;
	v25 =	vadd.f32 $-2.498516740e-01, v25;
	v8 =	vpop (erf)  }
0xd9: {  	v18 =	vadd.f32 $3.333233300e-01, v18;
	v22 =	vmul.f32 $1.442695020e+00, v22;
	v27 =	vmul.f32 $2.010967120e-03, v8  }
0xda: {  	v19 =	vadd.f32 $3.333233300e-01, v19;
	v23 =	vmul.f32 $1.442695020e+00, v23;
	v26 =	vmul.f32 $1.442695020e+00, v26  }
0xdb: {  	v18 =	vmul.f32 v18, v11;
	(erf) = vpow2.f32 v22;
	v27 =	vadd.f32 $-1.326894850e-02, v27  }
0xdc: {  	v22 =	vmax.f32 v14, $0.0e+00;
	v14 =	vmul.f32 v25, v9;
	(erf) = vpow2.f32 v23  }
0xdd: {  	(erf) = vpow2.f32 v26;
	v23 =	vmul.f32 v27, v8  }
0xde: {  	v25 =	vmax.f32 v15, $0.0e+00;
	v15 =	vmul.f32 v19, v10;
	v14 =	vadd.f32 $3.333233300e-01, v14  }
0xdf: {  	p3 =	sgt.u32 s11, $0x8;
	v20 =	vand.u32 $0x7F, v20;
	v17 =	vmax.f32 v17, $0.0e+00;
	v19 =	vadd.f32 $4.108218100e-02, v23  }
.Ltmp2:
0xe0: {  	v18 =	vadd.f32 $-4.999997020e-01, v18;
	v26 =	vadd.f32 $-4.999997020e-01, v15;
	v14 =	vmul.f32 v14, v9;
	(pc) =	sbr.rel @!p3 .LBB2_11-.Ltmp2, $4  }
0xe1: {  	v15 =	vadd.s32 v1, v21;
	v27 =	vor.u32 v20, v30;
	v19 =	vmul.f32 v19, v8  }
0xe2: {  	[tilespmem:s1+$0x10] =	vst v24;
	v21 =	vmul.f32 v26, v10;
	v23 =	vor.u32 v28, v29;
	v28 =	vadd.f32 $-4.999997020e-01, v14  }
0xe3: {  	s2 =	simm.s32 $0x8;
	[tilespmem:v16+s23+$0x0] =	vst.idx.add.f32.msk $0xffff, v24;
	v20 =	vmul.f32 v18, v11;
	v16 =	vadd.s32 v1, v27;
	v30 =	vadd.f32 $-8.183734120e-02, v19  }
0xe4: {  	s0 =	simm.s32 $0xCA0;
	p2 =	por $0x1, $0x1;
	s31 =	simm.s32 $0x31A0;
	v14 =	vadd.s32 v1, v23;
	v26 =	vadd.f32 $1.000000000e+00, v21;
	v23 =	vmul.f32 v28, v9;
	v18 =	vpop (erf)  }
.LBB2_12:
0xe5: {  	v21 =	vld [tilespmem:s0+$0x10];
	v19 =	vmul.f32 $2.010967120e-03, v18;
	v24 =	vmul.f32 v30, v8;
	v27 =	vpop (erf);
	v20 =	vadd.f32 $1.000000000e+00, v20  }
0xe6: {  	v28 =	vld [tilespmem:s0+$0xFFFFFFF0];
	v29 =	vmul.f32 $2.010967120e-03, v27;
	v30 =	vpop (erf);
	v26 =	vmul.f32 v26, v10;
	v23 =	vadd.f32 $1.000000000e+00, v23  }
0xe7: {  	s2 =	sadd.s32 $0x4, s2;
	v10 =	vmovc v18;
	v31 =	vld [tilespmem:s0+$0x0];
	v19 =	vadd.f32 $-1.326894850e-02, v19;
	v32 =	vmul.f32 $2.010967120e-03, v30;
	v24 =	vadd.f32 $1.236370650e-01, v24  }
0xe8: {  	p3 =	slt.u32 s2, s11;
	v20 =	vmul.f32 v20, v11;
	v11 =	vmovc v27;
	v33 =	vld [tilespmem:s0+$0xFFFFFFE0];
	v18 =	vadd.f32 $-1.326894850e-02, v29;
	v23 =	vmul.f32 v23, v9;
	v9 =	vmovc v30  }
0xe9: {  	v19 =	vmul.f32 v19, v10;
	v27 =	vadd.f32 $-1.326894850e-02, v32;
	v24 =	vmul.f32 v24, v8  }
0xea: {  	v26 =	vadd.f32 v26, v3;
	v3 =	vmovc v22;
	v29 =	vadd.f32 v20, v4;
	v18 =	vmul.f32 v18, v11  }
0xeb: {  	s29 =	sadd.s32 $0x40, s29;
	v4 =	vmovc v25;
	v19 =	vadd.f32 $4.108218100e-02, v19;
	v20 =	vmul.f32 v27, v9;
	v22 =	vadd.f32 $-1.607517450e-01, v24  }
0xec: {  	v24 =	vshll.u32 v28, $0x3;
	v25 =	vshll.u32 v31, $0x3;
	v27 =	vld [tilespmem:s29+$0x10];
	v30 =	vadd.f32 $4.108218100e-02, v18;
	[tilespmem:s31+$0xFFFFFFE0] =	vst v26  }
0xed: {  	v32 =	vld.idx.msk [tilespmem:v21+s21+$0x0], $0xffff;
	v19 =	vmul.f32 v19, v10;
	v20 =	vadd.f32 $4.108218100e-02, v20;
	v22 =	vmul.f32 v22, v8;
	[tilespmem:s31+$0xFFFFFFF0] =	vst v29  }
0xee: {  	s30 =	sadd.s32 $0x40, s30;
	v18 =	vand.u32 $0xFFFFFC00, v24;
	v34 =	vshll.u32 v33, $0x3;
	v24 =	vld.idx.msk [tilespmem:v21+s22+$0x0], $0xffff;
	v30 =	vmul.f32 v30, v11  }
0xef: {  	v35 =	vld [tilespmem:s30+$0x10];
	v36 =	vadd.f32 $-8.183734120e-02, v19;
	v20 =	vmul.f32 v20, v9;
	v22 =	vadd.f32 $1.988030670e-01, v22  }
0xf0: {  	v34 =	vand.u32 $0xFFFFFC00, v34;
	v19 =	vand.u32 $0xFFFFFC00, v25;
	v37 =	vld.idx.msk [tilespmem:v33+s21+$0x0], $0xffff;
	v25 =	vadd.f32 $-8.183734120e-02, v30  }
0xf1: {  	v30 =	vld.idx.msk [tilespmem:v33+s22+$0x0], $0xffff;
	v36 =	vmul.f32 v36, v10;
	v38 =	vadd.f32 $-8.183734120e-02, v20;
	v22 =	vmul.f32 v22, v8  }
0xf2: {  	v33 =	vand.u32 $0x7F, v33;
	v20 =	vand.u32 $0x7F, v28;
	v39 =	vld.idx.msk [tilespmem:v28+s21+$0x0], $0xffff;
	v25 =	vmul.f32 v25, v11  }
0xf3: {  	v28 =	vld.idx.msk [tilespmem:v28+s22+$0x0], $0xffff;
	v36 =	vadd.f32 $1.236370650e-01, v36;
	v38 =	vmul.f32 v38, v9;
	v22 =	vadd.f32 $-2.498516740e-01, v22  }
0xf4: {  	v27 =	vmul.f32 v32, v27;
	v40 =	vld.idx.msk [tilespmem:v31+s21+$0x0], $0xffff;
	v24 =	vmul.f32 v24, v35;
	v25 =	vadd.f32 $1.236370650e-01, v25  }
0xf5: {  	v32 =	vld.idx.msk [tilespmem:v31+s22+$0x0], $0xffff;
	v35 =	vmul.f32 v36, v10;
	v36 =	vadd.f32 $1.236370650e-01, v38;
	v22 =	vmul.f32 v22, v8  }
0xf6: {  	v31 =	vand.u32 $0x7F, v31;
	v38 =	vld [tilespmem:s29+$0xFFFFFFE0];
	v24 =	vadd.f32 v24, v27;
	v25 =	vmul.f32 v25, v11  }
0xf7: {  	v27 =	vld [tilespmem:s30+$0xFFFFFFE0];
	v35 =	vadd.f32 $-1.607517450e-01, v35;
	v36 =	vmul.f32 v36, v9;
	v22 =	vadd.f32 $3.333233300e-01, v22  }
0xf8: {  	v23 =	vadd.f32 v23, v2;
	v2 =	vmovc v17;
	v41 =	vld [tilespmem:s29+$0xFFFFFFF0];
	v24 =	vmul.f32 $8.838834610e-02, v24;
	v25 =	vadd.f32 $-1.607517450e-01, v25  }
0xf9: {  	v17 =	vld [tilespmem:s30+$0xFFFFFFF0];
	v35 =	vmul.f32 v35, v10;
	v36 =	vadd.f32 $-1.607517450e-01, v36;
	v22 =	vmul.f32 v22, v8  }
0xfa: {  	v33 =	vor.u32 v33, v34;
	v34 =	vld [tilespmem:s29+$0x0];
	v42 =	vand.u32 $0x7FFFFFFF, v24;
	v25 =	vmul.f32 v25, v11;
	[tilespmem:s31+$0x0] =	vst v23  }
0xfb: {  	v37 =	vmul.f32 v37, v38;
	v38 =	vld [tilespmem:s30+$0x0];
	v42 =	vsub.f32 $0.0e+00, v42;
	v22 =	vadd.f32 $-4.999997020e-01, v22  }
0xfc: {  	v27 =	vmul.f32 v30, v27;
	v30 =	vadd.f32 $1.988030670e-01, v35;
	v35 =	vmul.f32 v36, v9;
	[tilespmem:v5+s23+$0x0] =	vst.idx.add.f32.msk $0xffff, v26  }
0xfd: {  	v25 =	vadd.f32 $1.988030670e-01, v25;
	v5 =	vmovc v15;
	v26 =	vmul.f32 $1.442695020e+00, v42;
	v22 =	vmul.f32 v22, v8;
	[tilespmem:v7+s23+$0x0] =	vst.idx.add.f32.msk $0xffff, v29  }
0xfe: {  	v36 =	vshll.u32 v12, $0x3;
	v15 =	vmul.f32 v39, v41;
	v29 =	vand.u32 $0x7F, v12;
	v12 =	vmovc v21;
	[tilespmem:v6+s23+$0x0] =	vst.idx.add.f32.msk $0xffff, v23  }
0xff: {  	v7 =	vmovc v14;
	v6 =	vmovc v16;
	(erf) = vpow2.f32 v26;
	v21 =	vadd.f32 $1.000000000e+00, v22;
	v22 =	vand.u32 $0xFFFFFC00, v36  }
0x100: {  	v14 =	vmul.f32 v28, v17;
	v16 =	vmul.f32 v40, v34;
	v17 =	vor.u32 v29, v22  }
0x101: {  	v22 =	vmul.f32 v32, v38;
	v8 =	vmul.f32 v21, v8;
	v17 =	vadd.s32 v1, v17  }
0x102: {  	v14 =	vadd.f32 v14, v15;
	v15 =	vmax.f32 v13, $0.0e+00;
	v13 =	vmovc v24;
	v21 =	vadd.f32 v27, v37  }
0x103: {  	v16 =	vadd.f32 v22, v16;
	v22 =	vmul.f32 v30, v10;
	v8 =	vadd.f32 v8, v15  }
0x104: {  	s31 =	sadd.s32 $0x40, s31;
	v14 =	vmul.f32 $8.838834610e-02, v14;
	v15 =	vmul.f32 $8.838834610e-02, v21;
	v21 =	vadd.f32 $1.988030670e-01, v35  }
0x105: {  	v23 =	vmul.f32 v25, v11;
	v16 =	vmul.f32 $8.838834610e-02, v16;
	v22 =	vadd.f32 $-2.498516740e-01, v22;
	[tilespmem:s31+$0x10] =	vst v8  }
0x106: {  	v25 =	vand.u32 $0x7FFFFFFF, v14;
	v24 =	vand.u32 $0x7FFFFFFF, v15;
	v21 =	vmul.f32 v21, v9;
	[tilespmem:v17+s23+$0x0] =	vst.idx.add.f32.msk $0xffff, v8  }
0x107: {  	v17 =	vsub.f32 $0.0e+00, v24;
	v24 =	vsub.f32 $0.0e+00, v25;
	v26 =	vand.u32 $0x7FFFFFFF, v16  }
0x108: {  	v23 =	vadd.f32 $-2.498516740e-01, v23;
	v22 =	vmul.f32 v22, v10;
	v25 =	vsub.f32 $0.0e+00, v26;
	v8 =	vpop (erf)  }
0x109: {  	v21 =	vadd.f32 $-2.498516740e-01, v21;
	v17 =	vmul.f32 $1.442695020e+00, v17;
	v26 =	vmul.f32 $2.010967120e-03, v8  }
0x10a: {  	v24 =	vmul.f32 $1.442695020e+00, v24;
	v27 =	vadd.f32 $3.333233300e-01, v22;
	v25 =	vmul.f32 $1.442695020e+00, v25  }
0x10b: {  	v26 =	vadd.f32 $-1.326894850e-02, v26;
	(erf) = vpow2.f32 v17;
	v17 =	vmul.f32 v23, v11  }
0x10c: {  	v22 =	vmax.f32 v15, $0.0e+00;
	v15 =	vmul.f32 v21, v9;
	(erf) = vpow2.f32 v24  }
0x10d: {  	v21 =	vmul.f32 v26, v8;
	(erf) = vpow2.f32 v25;
	v23 =	vadd.f32 $3.333233300e-01, v17  }
0x10e: {  	v15 =	vadd.f32 $3.333233300e-01, v15;
	v25 =	vmax.f32 v14, $0.0e+00;
	v14 =	vmul.f32 v27, v10  }
0x10f: {  	v17 =	vmax.f32 v16, $0.0e+00;
	v16 =	vadd.f32 $4.108218100e-02, v21;
	v21 =	vmul.f32 v23, v11  }
.Ltmp3:
0x110: {  	v18 =	vor.u32 v20, v18;
	v20 =	vmul.f32 v15, v9;
	v14 =	vadd.f32 $-4.999997020e-01, v14;
	(pc) =	sbr.rel @p3 .LBB2_12-.Ltmp3, $4  }
0x111: {  	v19 =	vor.u32 v31, v19;
	v16 =	vmul.f32 v16, v8;
	v21 =	vadd.f32 $-4.999997020e-01, v21  }
0x112: {  	v15 =	vadd.s32 v1, v33;
	v24 =	vadd.f32 $-4.999997020e-01, v20;
	v23 =	vmul.f32 v14, v10  }
0x113: {  	v14 =	vadd.s32 v1, v18;
	v30 =	vadd.f32 $-8.183734120e-02, v16;
	v20 =	vmul.f32 v21, v11  }
0x114: {  	s0 =	sadd.s32 $0x40, s0;
	v16 =	vadd.s32 v1, v19;
	v26 =	vadd.f32 $1.000000000e+00, v23;
	v23 =	vmul.f32 v24, v9;
	v18 =	vpop (erf)  }
0x115: {  	v29 =	vmovc v3;
	v27 =	vmov v4;
	v28 =	vmov v2;
	v21 =	vmov v5  }
0x116: {  	v24 =	vmovc v7;
	v19 =	vmovc v6;
	v3 =	vmov v22;
	v4 =	vmov v25;
	v2 =	vmov v17  }
0x117: {  	v5 =	vmovc v15;
	v15 =	vmovc v12;
	v7 =	vmov v14;
	v6 =	vmov v16;
	v14 =	vmov v13;
	s8 =	simm.s32 $0x1;
	s10 =	rddreg [dreg:$0x13]  }
.LBB2_14:
0x118: {  	v12 =	vmul.f32 $2.010967120e-03, v18;
	v13 =	vpop (erf)  }
0x119: {  	v16 =	vmul.f32 $2.010967120e-03, v13  }
0x11a: {  	v17 =	vpop (erf);
	v12 =	vadd.f32 $-1.326894850e-02, v12  }
0x11b: {  	v22 =	vmul.f32 $2.010967120e-03, v17;
	v16 =	vadd.f32 $-1.326894850e-02, v16  }
0x11c: {  	v12 =	vmul.f32 v12, v18  }
0x11d: {  	v22 =	vadd.f32 $-1.326894850e-02, v22;
	v16 =	vmul.f32 v16, v13  }
0x11e: {  	v12 =	vadd.f32 $4.108218100e-02, v12  }
0x11f: {  	v22 =	vmul.f32 v22, v17;
	v16 =	vadd.f32 $4.108218100e-02, v16  }
0x120: {  	v12 =	vmul.f32 v12, v18  }
0x121: {  	v22 =	vadd.f32 $4.108218100e-02, v22;
	v16 =	vmul.f32 v16, v13  }
0x122: {  	v25 =	vmul.f32 v30, v8;
	v12 =	vadd.f32 $-8.183734120e-02, v12  }
0x123: {  	v22 =	vmul.f32 v22, v17;
	v16 =	vadd.f32 $-8.183734120e-02, v16  }
0x124: {  	v25 =	vadd.f32 $1.236370650e-01, v25;
	v12 =	vmul.f32 v12, v18  }
0x125: {  	v22 =	vadd.f32 $-8.183734120e-02, v22;
	v16 =	vmul.f32 v16, v13  }
0x126: {  	v25 =	vmul.f32 v25, v8;
	v12 =	vadd.f32 $1.236370650e-01, v12  }
0x127: {  	v22 =	vmul.f32 v22, v17;
	v16 =	vadd.f32 $1.236370650e-01, v16  }
0x128: {  	v25 =	vadd.f32 $-1.607517450e-01, v25;
	v12 =	vmul.f32 v12, v18  }
0x129: {  	v22 =	vadd.f32 $1.236370650e-01, v22;
	v16 =	vmul.f32 v16, v13  }
0x12a: {  	v25 =	vmul.f32 v25, v8;
	v12 =	vadd.f32 $-1.607517450e-01, v12  }
0x12b: {  	v22 =	vmul.f32 v22, v17;
	v16 =	vadd.f32 $-1.607517450e-01, v16  }
0x12c: {  	v25 =	vadd.f32 $1.988030670e-01, v25;
	v12 =	vmul.f32 v12, v18  }
0x12d: {  	v22 =	vadd.f32 $-1.607517450e-01, v22;
	v16 =	vmul.f32 v16, v13  }
0x12e: {  	v25 =	vmul.f32 v25, v8;
	v12 =	vadd.f32 $1.988030670e-01, v12  }
0x12f: {  	v22 =	vmul.f32 v22, v17;
	v16 =	vadd.f32 $1.988030670e-01, v16  }
0x130: {  	v25 =	vadd.f32 $-2.498516740e-01, v25;
	v12 =	vmul.f32 v12, v18  }
0x131: {  	v22 =	vadd.f32 $1.988030670e-01, v22;
	v16 =	vmul.f32 v16, v13  }
0x132: {  	v20 =	vadd.f32 @p2 $1.000000000e+00, v20;
	v25 =	vmul.f32 v25, v8;
	v12 =	vadd.f32 $-2.498516740e-01, v12  }
0x133: {  	v10 =	vmul.f32 @p2 v26, v10;
	v22 =	vmul.f32 v22, v17;
	v16 =	vadd.f32 $-2.498516740e-01, v16  }
0x134: {  	v56 =	vand.u32 $0x7F, v15;
	v25 =	vadd.f32 $3.333233300e-01, v25;
	v12 =	vmul.f32 v12, v18  }
0x135: {  	v57 =	vshll.u32 v15, $0x3;
	v53 =	vadd.f32 $-2.498516740e-01, v22;
	v16 =	vmul.f32 v16, v13  }
0x136: {  	v15 =	vand.u32 $0xFFFFFC00, v57;
	v54 =	vmul.f32 v25, v8;
	v12 =	vadd.f32 $3.333233300e-01, v12  }
0x137: {  	v11 =	vmul.f32 @p2 v20, v11;
	v20 =	vmul.f32 v53, v17;
	v16 =	vadd.f32 $3.333233300e-01, v16  }
0x138: {  	v55 =	vadd.f32 $-4.999997020e-01, v54;
	v22 =	vadd.f32 @p2 $1.000000000e+00, v23;
	v12 =	vmul.f32 v12, v18  }
0x139: {  	v10 =	vadd.f32 @p2 v10, v29;
	v20 =	vadd.f32 $3.333233300e-01, v20;
	v16 =	vmul.f32 v16, v13  }
0x13a: {  	v9 =	vmul.f32 @p2 v22, v9;
	v22 =	vmul.f32 v55, v8;
	v12 =	vadd.f32 $-4.999997020e-01, v12  }
0x13b: {  	v15 =	vor.u32 v56, v15;
	v20 =	vmul.f32 v20, v17;
	v16 =	vadd.f32 $-4.999997020e-01, v16  }
0x13c: {  	v11 =	vadd.f32 @p2 v11, v27;
	[tilespmem:s31+$0xFFFFFFE0] =	vst @p2 v10;
	v22 =	vadd.f32 $1.000000000e+00, v22;
	v12 =	vmul.f32 v12, v18  }
0x13d: {  	v15 =	vadd.s32 v1, v15;
	[tilespmem:v21+s23+$0x0] =	vst.idx.add.f32.msk @p2 $0xffff, v10;
	v20 =	vadd.f32 $-4.999997020e-01, v20;
	v16 =	vmul.f32 v16, v13  }
0x13e: {  	[tilespmem:s31+$0xFFFFFFF0] =	vst @p2 v11;
	v9 =	vadd.f32 @p2 v9, v28;
	v58 =	vmul.f32 v22, v8;
	v12 =	vadd.f32 $1.000000000e+00, v12  }
0x13f: {  	v59 =	vmax.f32 v14, $0.0e+00;
	[tilespmem:v24+s23+$0x0] =	vst.idx.add.f32.msk @p2 $0xffff, v11;
	v20 =	vmul.f32 v20, v17;
	v60 =	vadd.f32 $1.000000000e+00, v16  }
0x140: {  	s0 =	sadd.s32 @p2 $0x40, s31;
	[tilespmem:s31+$0x0] =	vst @p2 v9;
	v8 =	vadd.f32 v58, v59;
	v61 =	vmul.f32 v12, v18  }
0x141: {  	s1 =	smov.u32 @p2 s0;
	[tilespmem:v19+s23+$0x0] =	vst.idx.add.f32.msk @p2 $0xffff, v9;
	v62 =	vadd.f32 $1.000000000e+00, v20;
	v63 =	vmul.f32 v60, v13  }
0x142: {  	[tilespmem:s1+$0x10] =	vst v8;
	v3 =	vadd.f32 v61, v3  }
0x143: {  	[tilespmem:v15+s23+$0x0] =	vst.idx.add.f32.msk $0xffff, v8;
	v11 =	vmul.f32 v62, v17;
	v4 =	vadd.f32 v63, v4  }
0x144: {  	[tilespmem:s1+$0xFFFFFFE0] =	vst v3  }
0x145: {  	v2 =	vadd.f32 v11, v2;
	[tilespmem:s1+$0xFFFFFFF0] =	vst v4  }
0x146: {  	[tilespmem:v5+s23+$0x0] =	vst.idx.add.f32.msk $0xffff, v3  }
0x147: {  	[tilespmem:s1+$0x0] =	vst v2  }
0x148: {  	[tilespmem:v7+s23+$0x0] =	vst.idx.add.f32.msk $0xffff, v4  }
0x149: {  	[tilespmem:v6+s23+$0x0] =	vst.idx.add.f32.msk $0xffff, v2  }
.Ltmp4:
0x14a: {  	(pc) =	sbr.rel @!p1 .LBB2_6-.Ltmp4, $4  }
0x14b: {  	s0 =	rddreg [dreg:$0x12]  }
0x14c: {  	s1 =	rddreg [dreg:$0x11]  }
0x14d: {  	s2 =	rddreg [dreg:$0x10]  }
0x14e: {  	s4 =	rddreg [dreg:$0xf];
	s5 =	smov.u32 s11  }
.LBB2_15:
0x14f: {  	v2 =	vld [tilespmem:s4+$0x0];
	_ =	sdelay $0x5  }
0x150: {  	v3 =	vld [tilespmem:s2+$0x0]  }
0x151: {  	v4 =	vld [tilespmem:s1+$0x0]  }
0x152: {  	v5 =	vld.idx.msk [tilespmem:v2+s21+$0x0], $0xffff  }
0x153: {  	v6 =	vld.idx.msk [tilespmem:v2+s22+$0x0], $0xffff;
	_ =	sdelay $0x4  }
0x154: {  	v3 =	vmul.f32 v5, v3;
	v4 =	vmul.f32 v6, v4;
	_ =	sdelay $0x1  }
0x155: {  	v3 =	vadd.f32 v4, v3;
	_ =	sdelay $0x1  }
0x156: {  	v3 =	vmul.f32 $8.838834610e-02, v3;
	_ =	sdelay $0x1  }
0x157: {  	v61 =	vand.u32 $0x7FFFFFFF, v3  }
0x158: {  	v4 =	vsub.f32 $0.0e+00, v61;
	_ =	sdelay $0x1  }
0x159: {  	v4 =	vmul.f32 $1.442695020e+00, v4;
	_ =	sdelay $0x1  }
0x15a: {  	(erf) = vpow2.f32 v4;
	_ =	sdelay $0x8  }
0x15b: {  	v4 =	vpop (erf)  }
0x15c: {  	v62 =	vmul.f32 $2.010967120e-03, v4;
	_ =	sdelay $0x1  }
0x15d: {  	v5 =	vadd.f32 $-1.326894850e-02, v62;
	_ =	sdelay $0x1  }
0x15e: {  	v5 =	vmul.f32 v5, v4;
	_ =	sdelay $0x1  }
0x15f: {  	v5 =	vadd.f32 $4.108218100e-02, v5;
	_ =	sdelay $0x1  }
0x160: {  	v5 =	vmul.f32 v5, v4;
	_ =	sdelay $0x1  }
0x161: {  	v5 =	vadd.f32 $-8.183734120e-02, v5;
	_ =	sdelay $0x1  }
0x162: {  	v5 =	vmul.f32 v5, v4;
	_ =	sdelay $0x1  }
0x163: {  	v5 =	vadd.f32 $1.236370650e-01, v5;
	_ =	sdelay $0x1  }
0x164: {  	v5 =	vmul.f32 v5, v4;
	_ =	sdelay $0x1  }
0x165: {  	v5 =	vadd.f32 $-1.607517450e-01, v5;
	_ =	sdelay $0x1  }
0x166: {  	v5 =	vmul.f32 v5, v4;
	_ =	sdelay $0x1  }
0x167: {  	v5 =	vadd.f32 $1.988030670e-01, v5;
	_ =	sdelay $0x1  }
0x168: {  	v5 =	vmul.f32 v5, v4;
	_ =	sdelay $0x1  }
0x169: {  	v5 =	vadd.f32 $-2.498516740e-01, v5;
	_ =	sdelay $0x1  }
0x16a: {  	v5 =	vmul.f32 v5, v4;
	_ =	sdelay $0x1  }
0x16b: {  	v5 =	vadd.f32 $3.333233300e-01, v5;
	_ =	sdelay $0x1  }
0x16c: {  	v5 =	vmul.f32 v5, v4;
	_ =	sdelay $0x1  }
0x16d: {  	v5 =	vadd.f32 $-4.999997020e-01, v5;
	_ =	sdelay $0x1  }
0x16e: {  	v5 =	vmul.f32 v5, v4  }
0x16f: {  	v63 =	vshll.u32 v2, $0x3  }
0x170: {  	v2 =	vand.u32 $0x7F, v2;
	v6 =	vand.u32 $0xFFFFFC00, v63;
	v5 =	vadd.f32 $1.000000000e+00, v5  }
0x171: {  	s5 =	sadd.s32 $0x1, s5;
	v2 =	vor.u32 v2, v6  }
0x172: {  	p2 =	slt.u32 s5, s9;
	v2 =	vadd.s32 v1, v2;
	v4 =	vmul.f32 v5, v4  }
.Ltmp5:
0x173: {  	v3 =	vmax.f32 v3, $0.0e+00;
	(pc) =	sbr.rel @p2 .LBB2_15-.Ltmp5, $3  }
0x174: {  	v3 =	vadd.f32 v4, v3;
	_ =	sdelay $0x1  }
0x175: {  	s4 =	sadd.s32 $0x10, s4;
	[tilespmem:s0+$0x0] =	vst v3  }
0x176: {  	s2 =	sadd.s32 $0x10, s2;
	s1 =	sadd.s32 $0x10, s1;
	s0 =	sadd.s32 $0x10, s0;
	[tilespmem:v2+s23+$0x0] =	vst.idx.add.f32.msk $0xffff, v3  }
.LBB2_6:
0x177: {  	s0 =	simm.s32 $0x0  }
0x178: {  	s4 =	sand.u32 $0x60, s0;
	s2 =	sand.u32 $0x1C00, s0  }
0x179: {  	s3 =	sadd.s32 $0x3E00, s2;
	s1 =	sor.u32 $0x10, s4  }
0x17a: {  	s5 =	sor.u32 s1, s3  }
0x17b: {  	v2 =	vld [tilespmem:s5+$0x0]  }
0x17c: {  	s3 =	sor.u32 s4, s3;
	v3 =	vld [tilespmem:s5+$0x80]  }
0x17d: {  	v4 =	vld [tilespmem:s3+$0x0]  }
0x17e: {  	v5 =	vld [tilespmem:s5+$0x100]  }
0x17f: {  	v6 =	vld [tilespmem:s3+$0x80]  }
0x180: {  	v7 =	vld [tilespmem:s5+$0x180]  }
0x181: {  	v8 =	vld [tilespmem:s3+$0x100]  }
0x182: {  	v9 =	vld [tilespmem:s5+$0x200]  }
0x183: {  	v10 =	vld [tilespmem:s3+$0x180]  }
0x184: {  	v11 =	vld [tilespmem:s5+$0x280]  }
0x185: {  	v12 =	vld [tilespmem:s3+$0x200]  }
0x186: {  	v13 =	vld [tilespmem:s5+$0x300]  }
0x187: {  	v14 =	vld [tilespmem:s3+$0x280]  }
0x188: {  	s6 =	sadd.s32 $0x5E00, s2;
	v15 =	vld [tilespmem:s5+$0x380]  }
0x189: {  	s17 =	sor.u32 s1, s6;
	v16 =	vld [tilespmem:s3+$0x300]  }
0x18a: {  	s7 =	sadd.s32 $0x5E80, s2;
	v17 =	vld [tilespmem:s17+$0x0]  }
0x18b: {  	s18 =	sor.u32 s1, s7;
	v18 =	vld [tilespmem:s3+$0x380]  }
0x18c: {  	s20 =	sadd.s32 $0x5F00, s2;
	s19 =	sor.u32 s4, s6;
	v19 =	vld [tilespmem:s18+$0x0]  }
0x18d: {  	s24 =	sor.u32 s1, s20;
	v20 =	vld [tilespmem:s19+$0x0]  }
0x18e: {  	s26 =	sadd.s32 $0x5F80, s2;
	s25 =	sor.u32 s4, s7;
	v21 =	vld [tilespmem:s24+$0x0]  }
0x18f: {  	s12 =	sor.u32 s1, s26;
	v22 =	vld [tilespmem:s25+$0x0]  }
0x190: {  	s14 =	sor.u32 $0x6000, s2;
	s13 =	sor.u32 s4, s20;
	v23 =	vld [tilespmem:s12+$0x0]  }
0x191: {  	s15 =	sor.u32 s1, s14;
	v24 =	vld [tilespmem:s13+$0x0]  }
0x192: {  	s16 =	sor.u32 s4, s26;
	v25 =	vld [tilespmem:s15+$0x0]  }
0x193: {  	s29 =	simm.s32 $0x20;
	s20 =	sor.u32 $0x6100, s2;
	v26 =	vld [tilespmem:s16+$0x0];
	s19 =	sor.u32 s4, s14  }
0x194: {  	s17 =	sor.u32 $0x6080, s2;
	s24 =	sor.u32 s1, s20;
	s13 =	simm.s32 $0x100;
	v28 =	vld [tilespmem:s19+$0x0]  }
0x195: {  	s26 =	sor.u32 $0x6180, s2;
	s18 =	sor.u32 s1, s17;
	v29 =	vld [tilespmem:s24+$0x0];
	s2 =	sand.u32 $0x1C00, s13  }
0x196: {  	s31 =	sand.u32 $0x60, s29;
	s25 =	sor.u32 s4, s17;
	v27 =	vld [tilespmem:s18+$0x0];
	s16 =	sadd.s32 $0x3E00, s2  }
0x197: {  	s30 =	sor.u32 $0x10, s31;
	v30 =	vld [tilespmem:s25+$0x0];
	s18 =	sor.u32 s31, s16;
	v2 =	vadd.f32 v3, v2  }
0x198: {  	s17 =	sor.u32 s30, s16;
	v53 =	vld [tilespmem:s18+$0x80];
	v3 =	vadd.f32 v6, v4  }
0x199: {  	v54 =	vld [tilespmem:s17+$0x200];
	v2 =	vadd.f32 v5, v2  }
0x19a: {  	v55 =	vld [tilespmem:s17+$0x280];
	v3 =	vadd.f32 v8, v3  }
0x19b: {  	v8 =	vld [tilespmem:s17+$0x0];
	v2 =	vadd.f32 v7, v2  }
0x19c: {  	v3 =	vadd.f32 v10, v3;
	v7 =	vld [tilespmem:s17+$0x80]  }
0x19d: {  	v56 =	vld [tilespmem:s17+$0x300];
	v2 =	vadd.f32 v9, v2  }
0x19e: {  	v3 =	vadd.f32 v12, v3;
	v9 =	vld [tilespmem:s17+$0x100]  }
0x19f: {  	v10 =	vld [tilespmem:s18+$0x0];
	v2 =	vadd.f32 v11, v2  }
0x1a0: {  	v3 =	vadd.f32 v14, v3;
	v11 =	vld [tilespmem:s17+$0x180]  }
0x1a1: {  	v7 =	vadd.f32 v7, v8;
	v8 =	vld [tilespmem:s18+$0x100];
	v2 =	vadd.f32 v13, v2  }
0x1a2: {  	s19 =	sadd.s32 $0x5E00, s2;
	v57 =	vld [tilespmem:s17+$0x380];
	v3 =	vadd.f32 v16, v3  }
0x1a3: {  	s14 =	sor.u32 s4, s20;
	s20 =	sor.u32 s30, s19;
	v7 =	vadd.f32 v9, v7;
	v9 =	vld [tilespmem:s18+$0x180];
	v2 =	vadd.f32 v15, v2  }
0x1a4: {  	s24 =	sadd.s32 $0x5E80, s2;
	v58 =	vld [tilespmem:s20+$0x0];
	v10 =	vadd.f32 v53, v10;
	v3 =	vadd.f32 v18, v3  }
0x1a5: {  	s25 =	sor.u32 s30, s24;
	v7 =	vadd.f32 v11, v7;
	v11 =	vld [tilespmem:s18+$0x200];
	v2 =	vadd.f32 v17, v2  }
0x1a6: {  	v59 =	vld [tilespmem:s25+$0x0];
	v3 =	vadd.f32 v20, v3;
	v8 =	vadd.f32 v8, v10  }
0x1a7: {  	s12 =	sor.u32 s1, s26;
	v10 =	vld [tilespmem:s18+$0x280];
	v7 =	vadd.f32 v54, v7;
	v2 =	vadd.f32 v19, v2  }
0x1a8: {  	v4 =	vld [tilespmem:s12+$0x0];
	v3 =	vadd.f32 v22, v3;
	v8 =	vadd.f32 v9, v8  }
0x1a9: {  	v9 =	vld [tilespmem:s18+$0x300];
	v7 =	vadd.f32 v55, v7;
	v2 =	vadd.f32 v21, v2  }
0x1aa: {  	v6 =	vld [tilespmem:s14+$0x0];
	v3 =	vadd.f32 v24, v3;
	v8 =	vadd.f32 v11, v8  }
0x1ab: {  	s15 =	sor.u32 s4, s26;
	v11 =	vld [tilespmem:s18+$0x380];
	v7 =	vadd.f32 v56, v7;
	v2 =	vadd.f32 v23, v2  }
0x1ac: {  	s26 =	sadd.s32 $0x5F00, s2;
	s4 =	sor.u32 s31, s19;
	v5 =	vld [tilespmem:s15+$0x0];
	v3 =	vadd.f32 v26, v3;
	v8 =	vadd.f32 v10, v8  }
0x1ad: {  	v10 =	vld [tilespmem:s4+$0x0];
	s4 =	sor.u32 s30, s26;
	v7 =	vadd.f32 v57, v7;
	v2 =	vadd.f32 v25, v2  }
0x1ae: {  	s7 =	sor.u32 s31, s24;
	s12 =	sadd.s32 $0x5F80, s2;
	v60 =	vld [tilespmem:s4+$0x0];
	v3 =	vadd.f32 v28, v3;
	v8 =	vadd.f32 v9, v8  }
0x1af: {  	s13 =	sor.u32 s30, s12;
	v9 =	vld [tilespmem:s7+$0x0];
	v7 =	vadd.f32 v58, v7;
	v2 =	vadd.f32 v27, v2  }
0x1b0: {  	s14 =	sor.u32 s31, s26;
	s15 =	sor.u32 $0x6000, s2;
	v61 =	vld [tilespmem:s13+$0x0];
	v3 =	vadd.f32 v30, v3;
	v8 =	vadd.f32 v11, v8  }
0x1b1: {  	s16 =	sor.u32 s30, s15;
	v11 =	vld [tilespmem:s14+$0x0];
	v7 =	vadd.f32 v59, v7;
	v62 =	vadd.f32 v29, v2  }
0x1b2: {  	v63 =	vld [tilespmem:s16+$0x0];
	s17 =	sor.u32 s31, s12;
	s18 =	sor.u32 $0x6080, s2;
	v3 =	vadd.f32 v6, v3;
	v6 =	vadd.f32 v10, v8  }
0x1b3: {  	s28 =	simm.s32 $0x7E00;
	s19 =	sor.u32 s30, s18;
	v2 =	vld [tilespmem:s17+$0x0];
	v7 =	vadd.f32 v60, v7;
	v8 =	vadd.f32 v4, v62  }
0x1b4: {  	s24 =	sor.u32 $0x6100, s2;
	s20 =	sand.u32 $0x380, s0;
	s5 =	sor.u32 s31, s15;
	v10 =	vadd.f32 v5, v3;
	v3 =	vld [tilespmem:s19+$0x0];
	v6 =	vadd.f32 v9, v6  }
0x1b5: {  	s6 =	sor.u32 $0x6180, s2;
	s25 =	sor.u32 s30, s24;
	s1 =	sor.u32 s1, s20;
	v4 =	vld [tilespmem:s5+$0x0];
	v7 =	vadd.f32 v61, v7  }
0x1b6: {  	s0 =	simm.s32 $0x2;
	s2 =	simm.s32 $0x40;
	s26 =	sor.u32 s31, s18;
	v5 =	vld [tilespmem:s25+$0x0];
	[tilespmem:s1+$0x7E00] =	vst v8;
	v8 =	vadd.f32 v11, v6  }
0x1b7: {  	s7 =	sor.u32 s30, s6;
	s5 =	sor.u32 s31, s24;
	[tilespmem:s28+$0x0] =	vst v10;
	v6 =	vld [tilespmem:s26+$0x0];
	s1 =	simm.s32 $0x200;
	v7 =	vadd.f32 v63, v7  }
.LBB2_7:
0x1b8: {  	s4 =	sand.u32 $0x1C00, s1;
	v2 =	vadd.f32 v2, v8;
	s3 =	sor.u32 s31, s6;
	s31 =	sand.u32 $0x60, s2;
	v8 =	vld [tilespmem:s7+$0x0]  }
0x1b9: {  	s0 =	sadd.s32 $0x2, s0;
	s6 =	sadd.s32 $0x3E00, s4;
	s7 =	sor.u32 $0x10, s31;
	v9 =	vld [tilespmem:s5+$0x0];
	v3 =	vadd.f32 v3, v7  }
0x1ba: {  	p2 =	slt.u32 s0, $0x3E;
	s5 =	sor.u32 s31, s6;
	s6 =	sor.u32 s7, s6;
	v2 =	vadd.f32 v4, v2;
	v4 =	vld [tilespmem:s3+$0x0]  }
0x1bb: {  	v7 =	vld [tilespmem:s6+$0x0];
	v3 =	vadd.f32 v5, v3  }
0x1bc: {  	v5 =	vld [tilespmem:s6+$0x80];
	v2 =	vadd.f32 v6, v2  }
0x1bd: {  	s3 =	sand.u32 $0x380, s29;
	s29 =	smov.u32 s2;
	v6 =	vld [tilespmem:s5+$0x0];
	v3 =	vadd.f32 v8, v3  }
0x1be: {  	s3 =	sor.u32 s30, s3;
	s30 =	smov.u32 s7;
	v8 =	vld [tilespmem:s6+$0x100];
	v2 =	vadd.f32 v9, v2  }
0x1bf: {  	v9 =	vld [tilespmem:s5+$0x80];
	[tilespmem:s3+$0x7E00] =	vst v3  }
0x1c0: {  	v3 =	vld [tilespmem:s6+$0x180];
	v2 =	vadd.f32 v4, v2  }
0x1c1: {  	s28 =	sadd.s32 $0x20, s28;
	v4 =	vld [tilespmem:s5+$0x100];
	v5 =	vadd.f32 v5, v7  }
0x1c2: {  	v7 =	vld [tilespmem:s6+$0x200];
	[tilespmem:s28+$0x0] =	vst v2  }
0x1c3: {  	v2 =	vld [tilespmem:s5+$0x180];
	v5 =	vadd.f32 v8, v5  }
0x1c4: {  	v6 =	vadd.f32 v9, v6;
	v8 =	vld [tilespmem:s6+$0x280]  }
0x1c5: {  	v9 =	vld [tilespmem:s5+$0x200];
	v3 =	vadd.f32 v3, v5  }
0x1c6: {  	v4 =	vadd.f32 v4, v6;
	v5 =	vld [tilespmem:s6+$0x300]  }
0x1c7: {  	v6 =	vld [tilespmem:s5+$0x280];
	v3 =	vadd.f32 v7, v3  }
0x1c8: {  	s3 =	sadd.s32 $0x5E00, s4;
	v2 =	vadd.f32 v2, v4;
	v4 =	vld [tilespmem:s6+$0x380]  }
0x1c9: {  	s6 =	sor.u32 s31, s3;
	s3 =	sor.u32 s30, s3;
	v7 =	vld [tilespmem:s5+$0x300];
	v3 =	vadd.f32 v8, v3  }
0x1ca: {  	s7 =	sadd.s32 $0x5E80, s4;
	v2 =	vadd.f32 v9, v2;
	v8 =	vld [tilespmem:s3+$0x0]  }
0x1cb: {  	s3 =	sor.u32 s31, s7;
	v9 =	vld [tilespmem:s5+$0x380];
	v3 =	vadd.f32 v5, v3;
	s5 =	sor.u32 s30, s7  }
0x1cc: {  	s7 =	sadd.s32 $0x5F00, s4;
	v2 =	vadd.f32 v6, v2;
	v5 =	vld [tilespmem:s5+$0x0]  }
0x1cd: {  	s5 =	sor.u32 s31, s7;
	v6 =	vld [tilespmem:s6+$0x0];
	v3 =	vadd.f32 v4, v3;
	s6 =	sor.u32 s30, s7  }
0x1ce: {  	s7 =	sadd.s32 $0x5F80, s4;
	v2 =	vadd.f32 v7, v2;
	v4 =	vld [tilespmem:s6+$0x0]  }
0x1cf: {  	s6 =	sor.u32 s30, s7;
	v7 =	vld [tilespmem:s3+$0x0];
	s3 =	sor.u32 s31, s7;
	v3 =	vadd.f32 v8, v3  }
0x1d0: {  	s7 =	sor.u32 $0x6000, s4;
	v2 =	vadd.f32 v9, v2;
	v8 =	vld [tilespmem:s6+$0x0]  }
0x1d1: {  	s6 =	sor.u32 s30, s7;
	v9 =	vld [tilespmem:s5+$0x0];
	s5 =	sor.u32 s31, s7;
	v3 =	vadd.f32 v5, v3  }
0x1d2: {  	s7 =	sor.u32 $0x6080, s4;
	v5 =	vadd.f32 v6, v2;
	v10 =	vld [tilespmem:s6+$0x0]  }
.Ltmp6:
0x1d3: {  	s6 =	sor.u32 s30, s7;
	v2 =	vld [tilespmem:s3+$0x0];
	s3 =	sor.u32 s31, s7;
	v6 =	vadd.f32 v4, v3;
	(pc) =	sbr.rel @p2 .LBB2_7-.Ltmp6, $4  }
0x1d4: {  	s7 =	sor.u32 $0x6100, s4;
	v5 =	vadd.f32 v7, v5;
	v3 =	vld [tilespmem:s6+$0x0]  }
0x1d5: {  	v4 =	vld [tilespmem:s5+$0x0];
	s5 =	sor.u32 s31, s7;
	v7 =	vadd.f32 v8, v6;
	s7 =	sor.u32 s30, s7  }
0x1d6: {  	s6 =	sor.u32 $0x6180, s4;
	v8 =	vadd.f32 v9, v5;
	v5 =	vld [tilespmem:s7+$0x0]  }
0x1d7: {  	s1 =	sadd.s32 $0x100, s1;
	s2 =	sadd.s32 $0x20, s2;
	s7 =	sor.u32 s30, s6;
	v6 =	vld [tilespmem:s3+$0x0];
	v7 =	vadd.f32 v10, v7  }
0x1d8: {  	v2 =	vadd.f32 v2, v8  }
0x1d9: {  	v62 =	vld [tilespmem:s5+$0x0]  }
0x1da: {  	s0 =	sor.u32 s31, s6;
	v9 =	vld [tilespmem:s7+$0x0];
	v2 =	vadd.f32 v4, v2  }
0x1db: {  	v3 =	vadd.f32 v3, v7;
	v63 =	vld [tilespmem:s0+$0x0]  }
0x1dc: {  	v2 =	vadd.f32 v6, v2  }
0x1dd: {  	v3 =	vadd.f32 v5, v3  }
0x1de: {  	v2 =	vadd.f32 v62, v2  }
0x1df: {  	s25 =	sand.u32 $0x380, s29;
	v3 =	vadd.f32 v9, v3  }
0x1e0: {  	s0 =	sor.u32 s30, s25;
	v2 =	vadd.f32 v63, v2  }
0x1e1: {  	s26 =	sadd.s32 $0x20, s28;
	[tilespmem:s0+$0x7E00] =	vst v3  }
0x1e2: {  	[tilespmem:s26+$0x0] =	vst v2  }
0x1e3: {  	s1 =	simm.s32 @p0 $0x3180;
	s0 =	simm.s32 @p0 $0x0;
	s2 =	rddreg [dreg:$0xc]  }
0x1e4: {  	[hbm4b:s2+s0] =	stream.linear.scatter @p0 [tilespmem:s1], [sflag:$0x1], $0xAE0, $0x38;
	[tilespmem:$0x8200] =	vst v63  }
0x1e5: {  	s0 =	simm.s32 @p0 $0x1  }
0x1e6: {  	_ =	swait.ge @p0 [sflag:s0], $0xAE0  }
0x1e7: {  	s1 =	simm.s32 @!p0 $0x3180;
	[sflag:s0] =	ssyncset.done @p0 $0x0  }
0x1e8: {  	s2 =	rddreg [dreg:$0xb];
	[sflag:s0] =	ssyncadd.s32 @p0 $0xFFFFF520;
	s0 =	simm.s32 @!p0 $0x0  }
0x1e9: {  	[hbm4b:s2+s0] =	stream.linear.scatter @!p0 [tilespmem:s1], [sflag:$0x1], $0xC40, $0x38;
	[tilespmem:$0x8200] =	vst v63  }
0x1ea: {  	s0 =	simm.s32 @!p0 $0x1  }
0x1eb: {  	_ =	swait.ge @!p0 [sflag:s0], $0xC40  }
0x1ec: {  	s29 =	simm.s32 $0x80;
	[sflag:s0] =	ssyncset.done @!p0 $0x0  }
0x1ed: {  	s30 =	simm.s32 $0x7E00;
	s28 =	rddreg [dreg:$0xd];
	[sflag:s0] =	ssyncadd.s32 @!p0 $0xFFFFF3C0  }
0x1ee: {  	[hbm4b:s28+s29] =	stream.strided.scatter [tilespmem:s30], [sflag:$0x1], $0x400, s21, s29, $0x38;
	[tilespmem:$0x8200] =	vst v63  }
0x1ef: {  	_ =	swait.ge [sflag:s8], $0x400  }
0x1f0: {  	s10 =	sadd.s32 $0x1, s10;
	s31 =	rddreg [dreg:$0xe]  }
0x1f1: {  	p2 =	sne.s32 s10, s31  }
.Ltmp7:
0x1f2: {  	_ = 	snop;
	(pc) =	sbr.rel @p2 .LBB2_1-.Ltmp7, $4  }
.Ltmp8:
0x1f3: {  	_ = 	snop;
	(pc) =	sbr.rel @!p2 .LBB2_9-.Ltmp8, $4  }
0x1f4: {  	_ = 	snop  }
0x1f5: {  	[sflag:s8] =	ssyncset.done $0x0  }
0x1f6: {  	[sflag:s8] =	ssyncadd.s32 $0xFFFFFC00  }
0x1f7: {  	_ = 	snop  }
.LBB2_4:
.Ltmp9:
0x1f8: {  	(pc) =	sbr.rel .LBB2_14-.Ltmp9, $2  }
0x1f9: {  	_ =	sdelay $0x2  }
0x1fa: {  	v18 =	vmov v10;
	s31 =	simm.s32 $0x31A0;
	s8 =	simm.s32 $0x1;
	s10 =	rddreg [dreg:$0x13]  }
.LBB2_11:
.Ltmp10:
0x1fb: {  	(pc) =	sbr.rel .LBB2_14-.Ltmp10, $4  }
0x1fc: {  	_ = 	snop  }
0x1fd: {  	v29 =	vmovc v3;
	v27 =	vmov v4;
	v28 =	vmov v2;
	v21 =	vmov v5  }
0x1fe: {  	v24 =	vmovc v7;
	v19 =	vmovc v6;
	v3 =	vmov v22;
	v4 =	vmov v25;
	v2 =	vmov v17  }
0x1ff: {  	s31 =	simm.s32 $0x31A0;
	v5 =	vmovc v15;
	v15 =	vmovc v12;
	v7 =	vmov v14;
	v6 =	vmov v16;
	v14 =	vmov v13;
	s8 =	simm.s32 $0x1;
	s10 =	rddreg [dreg:$0x13]  }
.LBB2_9:
0x200: {  	_ =	sfence.sel $0x180000  }
0x201: {  	[bflag:$0x0] =	sbarrier.arrive $0xFFFF  }
0x202: {  	_ =	strace $0x90000047  }
0x203: {  	s0 =	stileid.u32;
	[bflag:$0x2] =	sbarrier.arrive $0xFFFF  }
0x204: {  	p0 =	sne.s32 s0, $0x0;
	s0 =	rddreg [dreg:$0x4]  }
0x205: {  	s0 =	sadd.s32 @!p0 $0x100000, s0  }
0x206: {  	[sflag:s0] =	ssyncadd.tile.s32 @!p0 $0x1;
	_ =	shalt  }
.Lfunc_end2:
_tile_overlayer_lowered:
.L_overlay_start_2:
0x207: {  	(tag) =	ssettag $0x2  }
0x208: {  	s0 =	rddreg [dreg:$0x0];
	s2 =	stileid.u32  }
0x209: {  	s1 =	rddreg [dreg:$0x1];
	p0 =	sne.s32 s2, $0x0  }
0x20a: {  	s3 =	rddreg [dreg:$0x2];
	[bflag:$0x3] =	sbarrier.arrive $0xFFFF;
	s2 =	simm.s32 @!p0 $0x1C01  }
0x20b: {  	[timem:s3], [sflag:s2] =	dma.local @!p0 [hbm:s0], s1  }
0x20c: {  	s0 =	simm.s32 @!p0 $0x1  }
0x20d: {  	_ =	swait.ge @!p0 [sflag:s0], s1  }
0x20e: {  	s1 =	ssub.s32 @!p0 $0x0, s1;
	[sflag:s0] =	ssyncset.done @!p0 $0x0  }
0x20f: {  	[sflag:s0] =	ssyncadd.s32 @!p0 s1  }
0x210: {  	[bflag:$0x3] =	sbarrier.arrive $0xFFFF  }
0x211: {  	_ =	shalt  }

// kernel: kernel.9.cloned.1.call-start
scs
__scs_entry_jumppad:
0x0: {  	(pc) =	sbr.rel $0x88, $3  }
0x1: {  	(tag) =	ssettag $0x0;
	lr =	simm.s32 $0x1  }
0x2: {  	[smem:$0x3F97] =	sst lr;
	_ =	strace $0xD0000000  }
0x3: {  	_ = 	snop  }
0x4: {  	_ = 	snop  }
0x5: {  	_ = 	snop  }
0x6: {  	_ = 	snop  }
0x7: {  	_ = 	snop  }
__scs_overlays_trampoline_lowered:
0x8: {  	[smem:$0x3FA6] =	sst s0  }
0x9: {  	[smem:$0x3FA7] =	sst s1  }
0xa: {  	[smem:$0x3FA8] =	sst s2  }
0xb: {  	[smem:$0x3FA9] =	sst s3  }
0xc: {  	[smem:$0x3FAA] =	sst s4  }
0xd: {  	[smem:$0x3FAB] =	sst s5  }
0xe: {  	[smem:$0x3FAC] =	sst s6  }
0xf: {  	[smem:$0x3FAD] =	sst s7  }
0x10: {  	[smem:$0x3FAE] =	sst s8  }
0x11: {  	[smem:$0x3FAF] =	sst s9;
	s0 =	simm.s32 @!p0 $0x0  }
0x12: {  	s1 =	sld [smem:$0x3F95];
	s0 =	simm.s32 @p0 $0x1  }
0x13: {  	[smem:$0x3FB0] =	sst s0;
	s0 =	simm.s32 @!p1 $0x0  }
0x14: {  	s2 =	sld [smem:$0x3F94];
	s0 =	simm.s32 @p1 $0x1  }
0x15: {  	[smem:$0x3FB1] =	sst s0;
	s0 =	simm.s32 @!p2 $0x0  }
0x16: {  	s3 =	sld [smem:$0x3FDB];
	s0 =	simm.s32 @p2 $0x1  }
0x17: {  	s4 =	simm.s32 $0x1BF5;
	[smem:$0x3FB3] =	sst s0  }
0x18: {  	s0 =	sld [smem:$0x3F96];
	_ =	swait.ge [sflag:s4], $0x0  }
0x19: {  	s7 =	sld [smem:$0x3F97]  }
0x1a: {  	s8 =	sadd.s32 $0xFFFFE003, lr  }
0x1b: {  	s9 =	sadd.s32 $0xFFFFFEF7, lr;
	s5 =	simm.s32 $0xFFFFFFFF;
	p2 =	slt.u32 s8, $0xFFFFF086  }
0x1c: {  	p1 =	slt.u32 s9, $0xF7A;
	s5 =	simm.s32 @!p2 $0x0  }
0x1d: {  	s5 =	simm.s32 @p1 $0x1;
	p0 =	seq.s32 s7, s2  }
0x1e: {  	s7 =	smul.u32 @!p0 $0xF7A, s2;
	p2 =	seq.s32 @!p0 s5, $0x0  }
0x1f: {  	s9 =	smul.u32 $0xF7A, s1;
	s8 =	simm.s32 @!p0 $0x1BF5;
	p2 =	por !p2, p0  }
0x20: {  	[sflag:s8] =	ssyncset.s32 @!p0 $0xFFFFF086;
	s6 =	sadd.s32 @!p0 s3, s7;
	s7 =	simm.s32 @!p0 $0x108  }
0x21: {  	s3 =	sadd.s32 s3, s9;
	s6 =	sadd.s32 @!p0 $0x88, s6;
	s7 =	simm.s32 @p2 $0x1082  }
0x22: {  	[simem:s7], [sflag:s8] =	dma.local @!p0 [hbm:s6], $0xF7A  }
0x23: {  	s9 =	sor.u32 $0xD0000000, s2;
	s6 =	simm.s32 $0x108;
	_ =	swait.ge @!p0 [sflag:s8], $0x0  }
0x24: {  	s3 =	sadd.s32 $0x88, s3;
	s6 =	simm.s32 @!p1 $0x1082;
	[sflag:s4] =	ssyncset.s32 $0xFFFFF086  }
0x25: {  	[simem:s6], [sflag:s4] =	dma.local [hbm:s3], $0xF7A  }
0x26: {  	[smem:$0x3F97] =	sst s1;
	(tag) =	ssettag s2;
	_ =	strace s9  }
0x27: {  	s1 =	sld [smem:$0x3FA7]  }
0x28: {  	s2 =	sld [smem:$0x3FA8]  }
0x29: {  	s4 =	sld [smem:$0x3FAA]  }
0x2a: {  	p0 =	seq.s32 s5, $0x0;
	s5 =	sld [smem:$0x3FAB]  }
0x2b: {  	s6 =	sld [smem:$0x3FAC]  }
0x2c: {  	s7 =	sld [smem:$0x3FAD]  }
0x2d: {  	s3 =	simm.s32 $0x108;
	s8 =	sld [smem:$0x3FAE]  }
0x2e: {  	s3 =	simm.s32 @!p0 $0x1082;
	s9 =	sld [smem:$0x3FAF]  }
0x2f: {  	lr =	sadd.s32 s0, s3;
	s0 =	sld [smem:$0x3FA6]  }
0x30: {  	s3 =	sld [smem:$0x3FA9]  }
0x31: {  	[smem:$0x3FB2] =	sst s10  }
0x32: {  	s10 =	sld [smem:$0x3FB0];
	_ =	sdelay $0x3  }
0x33: {  	p0 =	seq.s32 s10, $0x1;
	s10 =	sld [smem:$0x3FB2];
	_ =	sdelay $0x3  }
0x34: {  	[smem:$0x3FB2] =	sst s10  }
0x35: {  	s10 =	sld [smem:$0x3FB1];
	_ =	sdelay $0x3  }
0x36: {  	p1 =	seq.s32 s10, $0x1;
	s10 =	sld [smem:$0x3FB2];
	_ =	sdelay $0x3  }
0x37: {  	[smem:$0x3FB2] =	sst s10  }
0x38: {  	s10 =	sld [smem:$0x3FB3]  }
0x39: {  	_ = 	snop;
	(pc) =	sbr.ind lr, $3  }
0x3a: {  	_ = 	snop  }
0x3b: {  	_ = 	snop  }
0x3c: {  	p2 =	seq.s32 s10, $0x1;
	s10 =	sld [smem:$0x3FB2]  }
0x3d: {  	_ =	shalt  }
0x3e: {  	_ =	shalt  }
0x3f: {  	_ =	shalt  }
0x40: {  	_ =	shalt  }
0x41: {  	_ =	shalt  }
0x42: {  	_ =	shalt  }
0x43: {  	_ =	shalt  }
0x44: {  	_ =	shalt  }
0x45: {  	_ =	shalt  }
0x46: {  	_ =	shalt  }
0x47: {  	_ =	shalt  }
0x48: {  	_ =	shalt  }
0x49: {  	_ =	shalt  }
0x4a: {  	_ =	shalt  }
0x4b: {  	_ =	shalt  }
0x4c: {  	_ =	shalt  }
0x4d: {  	_ =	shalt  }
0x4e: {  	_ =	shalt  }
0x4f: {  	_ =	shalt  }
0x50: {  	_ =	shalt  }
0x51: {  	_ =	shalt  }
0x52: {  	_ =	shalt  }
0x53: {  	_ =	shalt  }
0x54: {  	_ =	shalt  }
0x55: {  	_ =	shalt  }
0x56: {  	_ =	shalt  }
0x57: {  	_ =	shalt  }
0x58: {  	_ =	shalt  }
0x59: {  	_ =	shalt  }
0x5a: {  	_ =	shalt  }
0x5b: {  	_ =	shalt  }
0x5c: {  	_ =	shalt  }
0x5d: {  	_ =	shalt  }
0x5e: {  	_ =	shalt  }
0x5f: {  	_ =	shalt  }
0x60: {  	_ =	shalt  }
0x61: {  	_ =	shalt  }
0x62: {  	_ =	shalt  }
0x63: {  	_ =	shalt  }
0x64: {  	_ =	shalt  }
0x65: {  	_ =	shalt  }
0x66: {  	_ =	shalt  }
0x67: {  	_ =	shalt  }
0x68: {  	_ =	shalt  }
0x69: {  	_ =	shalt  }
0x6a: {  	_ =	shalt  }
0x6b: {  	_ =	shalt  }
0x6c: {  	_ =	shalt  }
0x6d: {  	_ =	shalt  }
0x6e: {  	_ =	shalt  }
0x6f: {  	_ =	shalt  }
0x70: {  	_ =	shalt  }
0x71: {  	_ =	shalt  }
0x72: {  	_ =	shalt  }
0x73: {  	_ =	shalt  }
0x74: {  	_ =	shalt  }
0x75: {  	_ =	shalt  }
0x76: {  	_ =	shalt  }
0x77: {  	_ =	shalt  }
0x78: {  	_ =	shalt  }
0x79: {  	_ =	shalt  }
0x7a: {  	_ =	shalt  }
0x7b: {  	_ =	shalt  }
0x7c: {  	_ =	shalt  }
0x7d: {  	_ =	shalt  }
0x7e: {  	_ =	shalt  }
0x7f: {  	_ =	shalt  }
0x80: {  	_ =	shalt  }
0x81: {  	_ =	shalt  }
0x82: {  	_ =	shalt  }
0x83: {  	_ =	shalt  }
0x84: {  	_ =	shalt  }
0x85: {  	_ =	shalt  }
0x86: {  	_ =	shalt  }
0x87: {  	_ =	shalt  }
.Lfunc_end0:
.L_simem_size_0:
called_computation.1_lowered:
.L_overlay_start_0:
0x88: {  	s2 =	sld [smem:$0x3FD9]  }
0x89: {  	s3 =	sld [smem:$0x3FFE];
	_ =	sdelay $0x1  }
0x8a: {  	s1 =	srdreg.scid  }
0x8b: {  	s0 =	sand.u32 $0x1, s1  }
0x8c: {  	s17 =	sshll.u32 s0, $0xA;
	s2 =	sadd.s32 s3, s2  }
0x8d: {  	s2 =	sadd.s32 s2, s17  }
0x8e: {  	[smem:$0x3FBE] =	sst s2  }
0x8f: {  	_ = 	snop  }
0x90: {  	s2 =	sld [smem:$0x3FC8]  }
0x91: {  	s18 =	sld [smem:$0x3FC7]  }
0x92: {  	s4 =	sld [smem:$0x3FD0];
	(tm) =	ssettm $0x1  }
0x93: {  	s5 =	sld [smem:$0x3FFB];
	_ =	sdelay $0x3  }
0x94: {  	_ =	strace s5  }
0x95: {  	s5 =	sld [smem:$0x3FFC];
	_ =	sdelay $0x3  }
0x96: {  	_ =	strace s5  }
0x97: {  	s5 =	sld [smem:$0x3FFD];
	_ =	sdelay $0x3  }
0x98: {  	_ =	strace s5  }
0x99: {  	_ =	strace $0x8FFFFFFF  }
0x9a: {  	s19 =	sld [smem:$0x3FDB];
	_ =	sdelay $0x1  }
0x9b: {  	s6 =	simm.s32 $_scs_section_size  }
0x9c: {  	s7 =	simm.s32 $_size__tile_overlayer_lowered;
	s8 =	simm.s32 $_tile_overlayer_lowered  }
0x9d: {  	s22 =	simm.s32 $0x1BFF;
	s21 =	sshll.u32 s8, $0x1;
	s5 =	sadd.s32 s6, s19  }
0x9e: {  	s9 =	simm.s32 $0x0;
	s20 =	sshll.u32 s7, $0x1;
	s7 =	sadd.s32 s21, s5  }
0x9f: {  	[timem:s9], [sflag:s22] =	dma.local [hbm:s7], s20  }
0xa0: {  	_ =	swait.ge [sflag:s22], s20  }
0xa1: {  	s6 =	ssub.s32 $0x0, s20;
	[sflag:s22] =	ssyncset.done $0x0  }
0xa2: {  	[sflag:s22] =	ssyncadd.s32 s6;
	_ =	sdelay $0x1  }
0xa3: {  	s23 =	simm.s32 $0x1B8B  }
0xa4: {  	_ =	swait.ge [sflag:s23], $0x1  }
0xa5: {  	[sflag:s23] =	ssyncset.done $0x0  }
0xa6: {  	s25 =	simm.s32 $0x1B8E;
	s24 =	sld [smem:$0x3FFE];
	[sflag:s23] =	ssyncadd.s32 $0xFFFFFFFF  }
0xa7: {  	s26 =	simm.s32 $execute0_lowered;
	[smem:$0x3FD2] =	sst s25  }
0xa8: {  	s7 =	sshll.u32 s26, $0x1;
	_ =	strace $0x80000049;
	[dreg:$0x1] =	wrdreg $0xFFFFFFFF  }
0xa9: {  	s28 =	simm.s32 $_size_execute0_lowered;
	s5 =	sadd.s32 s5, s7;
	[dreg:$0x0] =	wrdreg $0x0  }
0xaa: {  	s7 =	sshll.u32 s28, $0x1;
	[dreg:$0x2] =	wrdreg s5  }
0xab: {  	[dreg:$0x3] =	wrdreg s7  }
0xac: {  	[dreg:$0x4] =	wrdreg $0xC0  }
0xad: {  	_ =	task [dreg:s9], $0x5FFFF  }
0xae: {  	[dreg:$0x1] =	wrdreg $0xFFFFFFFF  }
0xaf: {  	[dreg:$0x0] =	wrdreg $0x60  }
0xb0: {  	[dreg:$0x2] =	wrdreg s2  }
0xb1: {  	[dreg:$0x3] =	wrdreg s18  }
0xb2: {  	[dreg:$0x4] =	wrdreg s24  }
0xb3: {  	[dreg:$0x5] =	wrdreg s4  }
0xb4: {  	[dreg:$0x6] =	wrdreg $0x9  }
0xb5: {  	_ =	task.clear_ibuf [dreg:s9], $0x7FFFF;
	_ =	strace $0x90000049  }
0xb6: {  	s29 =	simm.s32 $0x9;
	_ =	strace $0x8000004B  }
0xb7: {  	_ =	swait.ge [sflag:s29], $0x1  }
0xb8: {  	[sflag:s29] =	ssyncadd.s32 $0xFFFFFFFF  }
0xb9: {  	_ =	strace $0x9000004B  }
0xba: {  	_ =	sfence  }
0xbb: {  	s30 =	sld [smem:$0x0];
	_ =	sdelay $0x2  }
0xbc: {  	s31 =	sshll.u32 s1, $0xD;
	s1 =	sshrl.u32 s1, $0x2  }
0xbd: {  	s3 =	sand.u32 $0x4000, s31;
	s1 =	sadd.s32 s1, s30  }
0xbe: {  	s0 =	sor.u32 s3, s0;
	s1 =	sshll.u32 s1, $0x11  }
0xbf: {  	s0 =	sor.u32 s1, s0  }
0xc0: {  	s0 =	sadd.s32 $0x8F2B, s0  }
0xc1: {  	[sflag:s0] =	ssyncadd.remote.s32 $0x1  }
0xc2: {  	_ =	sfence.sel $0xFFFF  }
0xc3: {  	[dreg:$0x0] =	wrdreg $0xFFFFFFFF;
	(pc) =	sbr.abs _section_cstart, $3  }
0xc4: {  	[dreg:$0x1] =	wrdreg $0xFFFFFFFF  }
0xc5: {  	_ =	task.clear_ibuf [dreg:s9], $0x2FFFF;
	_ =	strace $0x9FFFFFFF  }
0xc6: {  	(tm) =	ssettm $0x7FFFFFFF  }
0xc7: {  	_ =	shalt  }
tec
execute0_lowered:
.L_overlay_start_1:
0x0: {  	(tag) =	ssettag $0x1  }
0x1: {  	s0 =	rddreg [dreg:$0x1]  }
0x2: {  	s1 =	rddreg [dreg:$0x2];
	s2 =	srdreg.scid  }
0x3: {  	s3 =	stileid.u32;
	s4 =	rddreg [dreg:$0x3]  }
0x4: {  	s20 =	simm.s32 $0x1;
	s22 =	simm.s32 $0x8C00;
	s2 =	sand.u32 $0x1, s2  }
0x5: {  	s5 =	sshll.u32 s3, $0x1;
	s3 =	simm.s32 $0x0;
	s7 =	sadd.s32 $0x8C00, s1  }
0x6: {  	s26 =	sadd.s32 $0x8978, s1;
	s5 =	sor.u32 s2, s5;
	[smem:$0x7FF] =	sst s3  }
0x7: {  	s2 =	ssub.s32 $0x2, s2;
	s6 =	smul.u32 $0x188, s5;
	_ =	strace $0x8000004A  }
0x8: {  	[dreg:$0x5] =	wrdreg s7;
	s8 =	sshrl.u32 s2, $0x1;
	p0 =	seq.s32 s5, $0x1F  }
0x9: {  	s5 =	simm.s32 $0xAE;
	[dreg:$0x9] =	wrdreg s26;
	s2 =	ssub.s32 s2, s8  }
0xa: {  	s5 =	simm.s32 @!p0 $0xC4;
	s23 =	sadd.s32 s6, s1;
	s24 =	sadd.s32 s0, s6  }
0xb: {  	s0 =	sadd.s32 $0x2F78, s0;
	s10 =	sand.u32 $0xEC, s5;
	[dreg:$0x6] =	wrdreg s24  }
0xc: {  	s28 =	sadd.s32 s4, s6;
	s30 =	sshll.u32 s5, $0x4;
	[dreg:$0x8] =	wrdreg s0  }
0xd: {  	s4 =	sadd.s32 $0x2F78, s4;
	s1 =	sadd.s32 $0x5778, s1;
	[dreg:$0xa] =	wrdreg s28  }
0xe: {  	s31 =	smax.u32 s2, $0x1;
	s25 =	sadd.s32 $0x5A00, s23;
	[dreg:$0xc] =	wrdreg s4  }
.Ltmp0:
0xf: {  	s29 =	sadd.s32 $0x2800, s23;
	[dreg:$0xd] =	wrdreg s1;
	(pc) =	sbr.rel .LBB2_1-.Ltmp0, $4  }
0x10: {  	s0 =	sand.u32 $0xEC0, s30;
	[dreg:$0xe] =	wrdreg s31;
	s23 =	simm.s32 $0x400  }
0x11: {  	s24 =	simm.s32 $0x800;
	p1 =	seq.s32 s10, s5;
	[dreg:$0x7] =	wrdreg s25  }
0x12: {  	[dreg:$0xb] =	wrdreg s29;
	s16 =	sor.u32 $0x9000, s0;
	s17 =	sadd.s32 $0x9C80, s0  }
0x13: {  	s18 =	sadd.s32 $0xA900, s0;
	s19 =	sadd.s32 $0xB580, s0;
	s25 =	simm.s32 $0x0  }
.LBB2_11:
0x14: {  	s0 =	simm.s32 @p0 $0x0;
	s1 =	simm.s32 @p0 $0xA900;
	s2 =	rddreg [dreg:$0xc]  }
0x15: {  	[hbm4b:s2+s0] =	stream.linear.scatter @p0 [tilespmem:s1], [sflag:$0x1], $0xAE0, $0x38;
	[tilespmem:$0xC200] =	vst v63  }
0x16: {  	s1 =	simm.s32 @p0 $0x1  }
0x17: {  	_ =	swait.ge @p0 [sflag:s1], $0xAE0  }
0x18: {  	[sflag:s1] =	ssyncset.done @p0 $0x0  }
0x19: {  	s2 =	simm.s32 @p0 $0xB580;
	s4 =	rddreg [dreg:$0xd];
	[sflag:s1] =	ssyncadd.s32 @p0 $0xFFFFF520  }
0x1a: {  	[hbm4b:s4+s0] =	stream.linear.scatter @p0 [tilespmem:s2], [sflag:$0x1], $0xAE0, $0x38;
	[tilespmem:$0xC200] =	vst v63  }
0x1b: {  	_ =	swait.ge @p0 [sflag:s1], $0xAE0  }
0x1c: {  	s0 =	simm.s32 @!p0 $0x0;
	[sflag:s1] =	ssyncset.done @p0 $0x0  }
0x1d: {  	s2 =	rddreg [dreg:$0xa];
	[sflag:s1] =	ssyncadd.s32 @p0 $0xFFFFF520;
	s1 =	simm.s32 @!p0 $0xA900  }
0x1e: {  	[hbm4b:s2+s0] =	stream.linear.scatter @!p0 [tilespmem:s1], [sflag:$0x1], $0xC40, $0x38;
	[tilespmem:$0xC200] =	vst v63  }
0x1f: {  	s1 =	simm.s32 @!p0 $0x1  }
0x20: {  	_ =	swait.ge @!p0 [sflag:s1], $0xC40  }
0x21: {  	[sflag:s1] =	ssyncset.done @!p0 $0x0  }
0x22: {  	s2 =	simm.s32 @!p0 $0xB580;
	s4 =	rddreg [dreg:$0xb];
	[sflag:s1] =	ssyncadd.s32 @!p0 $0xFFFFF3C0  }
0x23: {  	[hbm4b:s4+s0] =	stream.linear.scatter @!p0 [tilespmem:s2], [sflag:$0x1], $0xC40, $0x38;
	[tilespmem:$0xC200] =	vst v63  }
0x24: {  	_ =	swait.ge @!p0 [sflag:s1], $0xC40  }
0x25: {  	s25 =	sadd.s32 $0x1, s25;
	s31 =	rddreg [dreg:$0xe]  }
0x26: {  	p2 =	sne.s32 s25, s31  }
.Ltmp1:
0x27: {  	_ = 	snop;
	(pc) =	sbr.rel @!p2 .LBB2_12-.Ltmp1, $3  }
0x28: {  	_ =	sdelay $0x1  }
0x29: {  	[sflag:s1] =	ssyncset.done @!p0 $0x0  }
0x2a: {  	[sflag:s1] =	ssyncadd.s32 @!p0 $0xFFFFF3C0  }
.LBB2_1:
0x2b: {  	s0 =	rddreg [dreg:$0x0]  }
0x2c: {  	[tilespmem:s3], [sflag:$0x1] =	stream.linear.gather [hbm4b:s0+s3], $0x400, $0x38;
	[tilespmem:$0xC200] =	vst v63  }
0x2d: {  	_ =	swait.ge [sflag:s20], $0x400  }
0x2e: {  	[sflag:s20] =	ssyncset.done $0x0  }
0x2f: {  	s1 =	simm.s32 $0xC00;
	s11 =	rddreg [dreg:$0x5];
	[sflag:s20] =	ssyncadd.s32 $0xFFFFFC00  }
0x30: {  	[tilespmem:s1], [sflag:$0x1] =	stream.linear.gather [hbm4b:s11+s3], $0x8000, $0x38;
	[tilespmem:$0xC200] =	vst v63  }
0x31: {  	_ =	swait.ge [sflag:s20], $0x8000  }
0x32: {  	s0 =	simm.s32 @p0 $0x0;
	[sflag:s20] =	ssyncset.done $0x0  }
0x33: {  	s1 =	simm.s32 @p0 $0x9000;
	s2 =	rddreg [dreg:$0x8];
	[sflag:s20] =	ssyncadd.s32 $0xFFFF8000  }
0x34: {  	[tilespmem:s1], [sflag:$0x1] =	stream.linear.gather @p0 [hbm4b:s2+s0], $0xAE0, $0x38;
	[tilespmem:$0xC200] =	vst v63  }
0x35: {  	s1 =	simm.s32 @p0 $0x1  }
0x36: {  	_ =	swait.ge @p0 [sflag:s1], $0xAE0  }
0x37: {  	[sflag:s1] =	ssyncset.done @p0 $0x0  }
0x38: {  	s2 =	simm.s32 @p0 $0x9C80;
	s4 =	rddreg [dreg:$0x9];
	[sflag:s1] =	ssyncadd.s32 @p0 $0xFFFFF520  }
0x39: {  	[tilespmem:s2], [sflag:$0x1] =	stream.linear.gather @p0 [hbm4b:s4+s0], $0xAE0, $0x38;
	[tilespmem:$0xC200] =	vst v63  }
0x3a: {  	_ =	swait.ge @p0 [sflag:s1], $0xAE0  }
0x3b: {  	s0 =	simm.s32 @!p0 $0x0;
	[sflag:s1] =	ssyncset.done @p0 $0x0  }
0x3c: {  	s2 =	rddreg [dreg:$0x6];
	[sflag:s1] =	ssyncadd.s32 @p0 $0xFFFFF520;
	s1 =	simm.s32 @!p0 $0x9000  }
0x3d: {  	[tilespmem:s1], [sflag:$0x1] =	stream.linear.gather @!p0 [hbm4b:s2+s0], $0xC40, $0x38;
	[tilespmem:$0xC200] =	vst v63  }
0x3e: {  	s1 =	simm.s32 @!p0 $0x1  }
0x3f: {  	_ =	swait.ge @!p0 [sflag:s1], $0xC40  }
0x40: {  	[sflag:s1] =	ssyncset.done @!p0 $0x0  }
0x41: {  	s2 =	simm.s32 @!p0 $0x9C80;
	s4 =	rddreg [dreg:$0x7];
	[sflag:s1] =	ssyncadd.s32 @!p0 $0xFFFFF3C0  }
0x42: {  	[tilespmem:s2], [sflag:$0x1] =	stream.linear.gather @!p0 [hbm4b:s4+s0], $0xC40, $0x38;
	[tilespmem:$0xC200] =	vst v63  }
0x43: {  	_ =	swait.ge @!p0 [sflag:s1], $0xC40  }
0x44: {  	[sflag:s1] =	ssyncset.done @!p0 $0x0  }
0x45: {  	[sflag:s1] =	ssyncadd.s32 @!p0 $0xFFFFF3C0  }
0x46: {  	s1 =	sand.u32 $0x60, s3;
	v0 =	vld [tilespmem:s3+$0x0]  }
0x47: {  	s12 =	sand.u32 $0x380, s3;
	s4 =	sor.u32 $0x10, s1  }
0x48: {  	s0 =	sor.u32 s12, s4  }
0x49: {  	v1 =	vld [tilespmem:s0+$0x0];
	_ =	sdelay $0x1  }
0x4a: {  	v2 =	vsub.f32 $0.0e+00, v0  }
0x4b: {  	v0 =	vmax.f32 v0, $0.0e+00  }
0x4c: {  	s8 =	sand.u32 $0x1C00, s3;
	s13 =	sor.u32 s3, s3;
	s7 =	simm.s32 $0x20;
	[tilespmem:s23+$0x0] =	vst v0;
	v0 =	vmax.f32 v2, $0.0e+00  }
0x4d: {  	s6 =	sadd.s32 $0xC00, s8;
	s2 =	sor.u32 $0x380, s13;
	v2 =	vsub.f32 $0.0e+00, v1;
	[tilespmem:s24+$0x0] =	vst v0;
	v0 =	vmax.f32 v1, $0.0e+00;
	v1 =	vld [tilespmem:s7+$0x0]  }
0x4e: {  	s14 =	sor.u32 s4, s6;
	s6 =	sor.u32 s1, s6;
	v35 =	vld [tilespmem:s2+$0xC00]  }
0x4f: {  	v5 =	vld [tilespmem:s6+$0x0]  }
0x50: {  	v60 =	vld [tilespmem:s6+$0x80]  }
0x51: {  	v59 =	vld [tilespmem:s6+$0x100]  }
0x52: {  	v58 =	vld [tilespmem:s6+$0x180]  }
0x53: {  	s11 =	sadd.s32 $0x2C80, s8;
	v57 =	vld [tilespmem:s6+$0x200]  }
0x54: {  	s13 =	sor.u32 s1, s11;
	s12 =	sor.u32 s4, s11;
	s11 =	sadd.s32 $0x2E00, s8;
	v55 =	vld [tilespmem:s6+$0x280]  }
0x55: {  	[tilespmem:s0+$0x400] =	vst v0;
	v0 =	vmax.f32 v2, $0.0e+00;
	v47 =	vld [tilespmem:s13+$0x0];
	s13 =	sor.u32 s1, s11  }
0x56: {  	[tilespmem:s0+$0x800] =	vst v0;
	v41 =	vld [tilespmem:s13+$0x0]  }
0x57: {  	v9 =	vld [tilespmem:s14+$0x0]  }
0x58: {  	s9 =	sand.u32 $0x3, s3;
	v61 =	vld [tilespmem:s14+$0x80]  }
0x59: {  	s9 =	sshll.u32 s9, $0x5;
	v0 =	vld [tilespmem:s14+$0x100]  }
0x5a: {  	s9 =	sadd.s32 $0x0, s9;
	v54 =	vld [tilespmem:s14+$0x180]  }
0x5b: {  	s15 =	sadd.s32 $0x10, s9;
	v53 =	vld [tilespmem:s14+$0x200]  }
0x5c: {  	s21 =	sor.u32 $0x300, s15;
	v52 =	vld [tilespmem:s14+$0x280]  }
0x5d: {  	s26 =	sadd.s32 $0x2C00, s8;
	s2 =	sor.u32 $0x380, s15;
	v51 =	vld [tilespmem:s21+$0xC00]  }
0x5e: {  	s6 =	sor.u32 s4, s26;
	v50 =	vld [tilespmem:s2+$0xC00]  }
0x5f: {  	v48 =	vld [tilespmem:s6+$0x0]  }
0x60: {  	s21 =	sor.u32 $0x300, s9;
	v46 =	vld [tilespmem:s12+$0x0]  }
0x61: {  	s9 =	sor.u32 s1, s26;
	v56 =	vld [tilespmem:s21+$0xC00]  }
0x62: {  	s14 =	sadd.s32 $0x2D00, s8;
	s12 =	sor.u32 s4, s11;
	v49 =	vld [tilespmem:s9+$0x0]  }
0x63: {  	s15 =	sor.u32 s4, s14;
	v40 =	vld [tilespmem:s12+$0x0]  }
0x64: {  	s26 =	sadd.s32 $0x2D80, s8;
	s21 =	sor.u32 s1, s14;
	v44 =	vld [tilespmem:s15+$0x0]  }
0x65: {  	s6 =	sor.u32 s4, s26;
	v45 =	vld [tilespmem:s21+$0x0]  }
0x66: {  	s11 =	sadd.s32 $0x2F80, s8;
	s9 =	sor.u32 s1, s26;
	v42 =	vld [tilespmem:s6+$0x0]  }
0x67: {  	s12 =	sor.u32 s4, s11;
	v43 =	vld [tilespmem:s9+$0x0]  }
0x68: {  	s14 =	sadd.s32 $0x2E80, s8;
	s13 =	sor.u32 s1, s11;
	v33 =	vld [tilespmem:s12+$0x0]  }
0x69: {  	s15 =	sor.u32 s4, s14;
	v34 =	vld [tilespmem:s13+$0x0]  }
0x6a: {  	s26 =	sadd.s32 $0x2F00, s8;
	s21 =	sor.u32 s1, s14;
	v38 =	vld [tilespmem:s15+$0x0]  }
0x6b: {  	s6 =	sor.u32 s4, s26;
	v39 =	vld [tilespmem:s21+$0x0]  }
0x6c: {  	s11 =	sadd.s32 $0x4D00, s8;
	s9 =	sor.u32 s1, s26;
	v36 =	vld [tilespmem:s6+$0x0]  }
0x6d: {  	s12 =	sor.u32 s4, s11;
	v37 =	vld [tilespmem:s9+$0x0]  }
0x6e: {  	s14 =	sadd.s32 $0x4C00, s8;
	s13 =	sor.u32 s1, s11;
	v27 =	vld [tilespmem:s12+$0x0]  }
0x6f: {  	s15 =	sor.u32 s4, s14;
	v28 =	vld [tilespmem:s13+$0x0]  }
0x70: {  	s26 =	sadd.s32 $0x4C80, s8;
	s21 =	sor.u32 s1, s14;
	v31 =	vld [tilespmem:s15+$0x0]  }
0x71: {  	s6 =	sor.u32 s4, s26;
	v32 =	vld [tilespmem:s21+$0x0]  }
0x72: {  	s11 =	sadd.s32 $0x4E80, s8;
	s9 =	sor.u32 s1, s26;
	v29 =	vld [tilespmem:s6+$0x0]  }
0x73: {  	s12 =	sor.u32 s4, s11;
	v30 =	vld [tilespmem:s9+$0x0]  }
0x74: {  	s14 =	sadd.s32 $0x4D80, s8;
	s13 =	sor.u32 s1, s11;
	v21 =	vld [tilespmem:s12+$0x0]  }
0x75: {  	s15 =	sor.u32 s4, s14;
	v22 =	vld [tilespmem:s13+$0x0]  }
0x76: {  	s26 =	sadd.s32 $0x4E00, s8;
	s21 =	sor.u32 s1, s14;
	v25 =	vld [tilespmem:s15+$0x0]  }
0x77: {  	s6 =	sor.u32 s4, s26;
	v26 =	vld [tilespmem:s21+$0x0]  }
0x78: {  	s11 =	sadd.s32 $0x6C00, s8;
	s9 =	sor.u32 s1, s26;
	v23 =	vld [tilespmem:s6+$0x0]  }
0x79: {  	s12 =	sor.u32 s4, s11;
	v24 =	vld [tilespmem:s9+$0x0]  }
0x7a: {  	s14 =	sadd.s32 $0x4F00, s8;
	s13 =	sor.u32 s1, s11;
	v15 =	vld [tilespmem:s12+$0x0]  }
0x7b: {  	s15 =	sor.u32 s4, s14;
	v16 =	vld [tilespmem:s13+$0x0]  }
0x7c: {  	s26 =	sadd.s32 $0x4F80, s8;
	s21 =	sor.u32 s1, s14;
	v19 =	vld [tilespmem:s15+$0x0]  }
0x7d: {  	s6 =	sor.u32 s4, s26;
	v20 =	vld [tilespmem:s21+$0x0]  }
0x7e: {  	s9 =	sor.u32 s1, s26;
	s14 =	sadd.s32 $0x6C80, s8;
	v17 =	vld [tilespmem:s6+$0x0]  }
0x7f: {  	v18 =	vld [tilespmem:s9+$0x0];
	s15 =	sor.u32 s4, s14  }
0x80: {  	s26 =	sadd.s32 $0x6D00, s8;
	s21 =	sor.u32 s1, s14;
	v13 =	vld [tilespmem:s15+$0x0]  }
0x81: {  	s11 =	sor.u32 s4, s26;
	v14 =	vld [tilespmem:s21+$0x0]  }
0x82: {  	s13 =	sadd.s32 $0x6D80, s8;
	s12 =	sor.u32 s1, s26;
	v10 =	vld [tilespmem:s11+$0x0]  }
0x83: {  	s14 =	sor.u32 s4, s13;
	v11 =	vld [tilespmem:s12+$0x0]  }
0x84: {  	s29 =	sadd.s32 $0x6F00, s8;
	s2 =	sand.u32 $0x60, s7;
	s9 =	sor.u32 s1, s13;
	v6 =	vld [tilespmem:s14+$0x0]  }
0x85: {  	s6 =	sor.u32 $0x10, s2;
	s26 =	sand.u32 $0x380, s7;
	s13 =	sor.u32 s4, s29;
	v8 =	vld [tilespmem:s9+$0x0]  }
0x86: {  	s28 =	sadd.s32 $0x6E80, s8;
	s26 =	sor.u32 s26, s6;
	v2 =	vld [tilespmem:s13+$0x0]  }
0x87: {  	s12 =	sor.u32 s4, s28;
	v62 =	vld [tilespmem:s26+$0x0]  }
0x88: {  	v61 =	vadd.f32 v61, v9;
	s14 =	sor.u32 s1, s28;
	v3 =	vld [tilespmem:s12+$0x0]  }
0x89: {  	s15 =	sadd.s32 $0x6E00, s8;
	s28 =	simm.s32 $0x40;
	v7 =	vld [tilespmem:s14+$0x0]  }
0x8a: {  	v61 =	vadd.f32 v0, v61;
	s11 =	sor.u32 s4, s15;
	v0 =	vld [tilespmem:s28+$0x0]  }
0x8b: {  	v63 =	vsub.f32 $0.0e+00, v1;
	s8 =	sadd.s32 $0x6F80, s8;
	s21 =	sor.u32 s1, s15;
	v4 =	vld [tilespmem:s11+$0x0]  }
0x8c: {  	v9 =	vmax.f32 v1, $0.0e+00;
	s9 =	simm.s32 $0x100;
	s4 =	sor.u32 s4, s8;
	v12 =	vld [tilespmem:s21+$0x0];
	s21 =	simm.s32 $0x420  }
0x8d: {  	v60 =	vadd.f32 v60, v5;
	v5 =	vmax.f32 v63, $0.0e+00;
	s15 =	sor.u32 s1, s29;
	v1 =	vld [tilespmem:s4+$0x0];
	s11 =	simm.s32 $0x820;
	s4 =	sand.u32 $0x1C00, s9;
	[tilespmem:s21+$0x0] =	vst v9;
	v63 =	vsub.f32 $0.0e+00, v62  }
0x8e: {  	s1 =	sor.u32 s1, s8;
	v54 =	vadd.f32 v54, v61;
	v9 =	vld [tilespmem:s15+$0x0];
	s12 =	sadd.s32 $0xC00, s4;
	[tilespmem:s11+$0x0] =	vst v5;
	v62 =	vmax.f32 v62, $0.0e+00  }
0x8f: {  	v59 =	vadd.f32 v59, v60;
	v5 =	vld [tilespmem:s1+$0x0];
	s1 =	sor.u32 s2, s12;
	[tilespmem:s26+$0x400] =	vst v62;
	v60 =	vmax.f32 v63, $0.0e+00  }
0x90: {  	s13 =	sor.u32 s6, s12;
	v53 =	vadd.f32 v53, v54;
	v54 =	vld [tilespmem:s1+$0x80];
	[tilespmem:s26+$0x800] =	vst v60  }
0x91: {  	v58 =	vadd.f32 v58, v59;
	v59 =	vld [tilespmem:s13+$0x0]  }
0x92: {  	v61 =	vld [tilespmem:s13+$0x80]  }
0x93: {  	v52 =	vadd.f32 v52, v53;
	v53 =	vld [tilespmem:s1+$0x100];
	v63 =	vadd.f32 v57, v58  }
0x94: {  	v58 =	vld [tilespmem:s13+$0x100]  }
0x95: {  	s7 =	sor.u32 s9, s7;
	v57 =	vld [tilespmem:s1+$0x0];
	v62 =	vadd.f32 v55, v63  }
0x96: {  	s29 =	simm.s32 $0x1;
	s7 =	sor.u32 $0x380, s7;
	v51 =	vadd.f32 v51, v52;
	v55 =	vld [tilespmem:s13+$0x180]  }
0x97: {  	s14 =	sand.u32 $0x3, s29;
	v60 =	vld [tilespmem:s7+$0xC00];
	v63 =	vadd.f32 v56, v62;
	v61 =	vadd.f32 v61, v59  }
0x98: {  	s8 =	sshll.u32 s14, $0x5;
	v50 =	vadd.f32 v50, v51;
	v62 =	vld [tilespmem:s13+$0x200]  }
0x99: {  	s8 =	sadd.s32 $0x100, s8;
	v51 =	vld [tilespmem:s1+$0x180];
	v35 =	vadd.f32 v35, v63;
	v63 =	vadd.f32 v58, v61  }
0x9a: {  	s15 =	sadd.s32 $0x10, s8;
	v56 =	vld [tilespmem:s13+$0x280];
	v48 =	vadd.f32 v48, v50;
	v54 =	vadd.f32 v54, v57  }
0x9b: {  	s21 =	sor.u32 $0x300, s15;
	v35 =	vadd.f32 v49, v35;
	v49 =	vld [tilespmem:s1+$0x200];
	v57 =	vadd.f32 v55, v63  }
0x9c: {  	v46 =	vadd.f32 v46, v48;
	v58 =	vadd.f32 v53, v54;
	v53 =	vld [tilespmem:s21+$0xC00]  }
0x9d: {  	s11 =	sor.u32 $0x380, s15;
	v61 =	vld [tilespmem:s1+$0x280];
	v35 =	vadd.f32 v47, v35;
	v62 =	vadd.f32 v62, v57  }
0x9e: {  	s12 =	sor.u32 $0x300, s8;
	s13 =	sadd.s32 $0x2C00, s4;
	v44 =	vadd.f32 v44, v46;
	v63 =	vadd.f32 v51, v58;
	v51 =	vld [tilespmem:s11+$0xC00]  }
0x9f: {  	s9 =	sadd.s32 $0x2D00, s4;
	s14 =	sor.u32 s6, s13;
	v54 =	vld [tilespmem:s12+$0xC00];
	v35 =	vadd.f32 v45, v35;
	v55 =	vadd.f32 v56, v62  }
0xa0: {  	s21 =	sadd.s32 $0x2C80, s4;
	s12 =	sor.u32 s2, s9;
	v42 =	vadd.f32 v42, v44;
	v57 =	vld [tilespmem:s14+$0x0];
	v56 =	vadd.f32 v49, v63  }
0xa1: {  	s7 =	sor.u32 s6, s21;
	v52 =	vld [tilespmem:s12+$0x0];
	v35 =	vadd.f32 v43, v35;
	v59 =	vadd.f32 v53, v55  }
0xa2: {  	s15 =	sor.u32 s2, s13;
	v40 =	vadd.f32 v40, v42;
	v62 =	vld [tilespmem:s7+$0x0];
	v61 =	vadd.f32 v61, v56  }
0xa3: {  	v58 =	vld [tilespmem:s15+$0x0];
	s11 =	sor.u32 s6, s9;
	v35 =	vadd.f32 v41, v35;
	v48 =	vadd.f32 v51, v59  }
0xa4: {  	s13 =	sadd.s32 $0x2D80, s4;
	s8 =	sor.u32 s2, s21;
	v38 =	vadd.f32 v38, v40;
	v50 =	vadd.f32 v54, v61;
	v51 =	vld [tilespmem:s11+$0x0]  }
0xa5: {  	s9 =	sadd.s32 $0x2E80, s4;
	s14 =	sor.u32 s6, s13;
	v63 =	vld [tilespmem:s8+$0x0];
	v35 =	vadd.f32 v39, v35;
	v53 =	vadd.f32 v57, v48  }
0xa6: {  	s21 =	sadd.s32 $0x2E00, s4;
	s12 =	sor.u32 s2, s9;
	v36 =	vadd.f32 v36, v38;
	v55 =	vld [tilespmem:s14+$0x0];
	v54 =	vadd.f32 v60, v50  }
0xa7: {  	v43 =	vld [tilespmem:s12+$0x0];
	s7 =	sor.u32 s6, s21;
	v35 =	vadd.f32 v37, v35;
	v57 =	vadd.f32 v62, v53  }
0xa8: {  	s15 =	sor.u32 s2, s13;
	v33 =	vadd.f32 v33, v36;
	v59 =	vld [tilespmem:s7+$0x0];
	v58 =	vadd.f32 v58, v54  }
0xa9: {  	v56 =	vld [tilespmem:s15+$0x0];
	s11 =	sor.u32 s6, s9;
	v34 =	vadd.f32 v34, v35;
	v61 =	vadd.f32 v51, v57  }
0xaa: {  	s13 =	sadd.s32 $0x2F00, s4;
	s8 =	sor.u32 s2, s21;
	v31 =	vadd.f32 v31, v33;
	v62 =	vadd.f32 v63, v58;
	v63 =	vld [tilespmem:s11+$0x0]  }
0xab: {  	s14 =	sor.u32 s6, s13;
	v60 =	vld [tilespmem:s8+$0x0];
	v32 =	vadd.f32 v32, v34;
	v45 =	vadd.f32 v55, v61  }
0xac: {  	s21 =	sadd.s32 $0x2F80, s4;
	s15 =	sor.u32 s2, s13;
	v47 =	vld [tilespmem:s14+$0x0];
	v29 =	vadd.f32 v29, v31;
	v46 =	vadd.f32 v52, v62  }
0xad: {  	s7 =	sor.u32 s6, s21;
	v48 =	vld [tilespmem:s15+$0x0];
	v30 =	vadd.f32 v30, v32;
	v49 =	vadd.f32 v59, v45  }
0xae: {  	s9 =	sadd.s32 $0x4C00, s4;
	s8 =	sor.u32 s2, s21;
	v27 =	vadd.f32 v27, v29;
	v51 =	vld [tilespmem:s7+$0x0];
	v50 =	vadd.f32 v56, v46  }
0xaf: {  	s21 =	sadd.s32 $0x4D00, s4;
	s11 =	sor.u32 s6, s9;
	v52 =	vld [tilespmem:s8+$0x0];
	v28 =	vadd.f32 v28, v30;
	v53 =	vadd.f32 v63, v49  }
0xb0: {  	s13 =	sadd.s32 $0x4C80, s4;
	v25 =	vadd.f32 v25, v27;
	v55 =	vld [tilespmem:s11+$0x0];
	s8 =	sor.u32 s2, s21;
	v54 =	vadd.f32 v60, v50  }
0xb1: {  	s14 =	sor.u32 s6, s13;
	v33 =	vld [tilespmem:s8+$0x0];
	v26 =	vadd.f32 v26, v28;
	v57 =	vadd.f32 v47, v53  }
0xb2: {  	s12 =	sor.u32 s2, s9;
	v23 =	vadd.f32 v23, v25;
	v59 =	vld [tilespmem:s14+$0x0];
	v58 =	vadd.f32 v43, v54  }
0xb3: {  	s7 =	sor.u32 s6, s21;
	v56 =	vld [tilespmem:s12+$0x0];
	v24 =	vadd.f32 v24, v26;
	v61 =	vadd.f32 v51, v57  }
0xb4: {  	s15 =	sor.u32 s2, s13;
	s9 =	sadd.s32 $0x4D80, s4;
	v21 =	vadd.f32 v21, v23;
	v63 =	vld [tilespmem:s7+$0x0];
	v62 =	vadd.f32 v48, v58  }
0xb5: {  	s11 =	sor.u32 s6, s9;
	s21 =	sadd.s32 $0x4E80, s4;
	v60 =	vld [tilespmem:s15+$0x0];
	v22 =	vadd.f32 v22, v24;
	v35 =	vadd.f32 v55, v61  }
0xb6: {  	s13 =	sadd.s32 $0x4E00, s4;
	v37 =	vld [tilespmem:s11+$0x0];
	s8 =	sor.u32 s2, s21;
	v19 =	vadd.f32 v19, v21;
	v36 =	vadd.f32 v52, v62  }
0xb7: {  	s14 =	sor.u32 s6, s13;
	v46 =	vld [tilespmem:s8+$0x0];
	v20 =	vadd.f32 v20, v22;
	v39 =	vadd.f32 v59, v35  }
0xb8: {  	s12 =	sor.u32 s2, s9;
	v41 =	vld [tilespmem:s14+$0x0];
	v17 =	vadd.f32 v17, v19;
	v40 =	vadd.f32 v56, v36  }
0xb9: {  	v38 =	vld [tilespmem:s12+$0x0];
	s7 =	sor.u32 s6, s21;
	v18 =	vadd.f32 v18, v20;
	v43 =	vadd.f32 v63, v39  }
0xba: {  	s9 =	sadd.s32 $0x4F00, s4;
	s15 =	sor.u32 s2, s13;
	v45 =	vld [tilespmem:s7+$0x0];
	v15 =	vadd.f32 v15, v17;
	v44 =	vadd.f32 v60, v40  }
0xbb: {  	s11 =	sor.u32 s6, s9;
	v42 =	vld [tilespmem:s15+$0x0];
	v16 =	vadd.f32 v16, v18;
	v47 =	vadd.f32 v37, v43  }
0xbc: {  	s12 =	sor.u32 s2, s9;
	s13 =	sadd.s32 $0x4F80, s4;
	v49 =	vld [tilespmem:s11+$0x0];
	v13 =	vadd.f32 v13, v15;
	v48 =	vadd.f32 v33, v44  }
0xbd: {  	v50 =	vld [tilespmem:s12+$0x0];
	s14 =	sor.u32 s6, s13;
	v14 =	vadd.f32 v14, v16;
	v51 =	vadd.f32 v41, v47  }
0xbe: {  	s21 =	sadd.s32 $0x6C00, s4;
	s15 =	sor.u32 s2, s13;
	v53 =	vld [tilespmem:s14+$0x0];
	v10 =	vadd.f32 v10, v13;
	v52 =	vadd.f32 v38, v48  }
0xbf: {  	s7 =	sor.u32 s6, s21;
	s13 =	sadd.s32 $0x6D00, s4;
	v54 =	vld [tilespmem:s15+$0x0];
	v11 =	vadd.f32 v11, v14;
	v55 =	vadd.f32 v45, v51  }
0xc0: {  	s9 =	sadd.s32 $0x6C80, s4;
	s14 =	sor.u32 s6, s13;
	v57 =	vld [tilespmem:s7+$0x0];
	v6 =	vadd.f32 v6, v10;
	v56 =	vadd.f32 v42, v52  }
0xc1: {  	s11 =	sor.u32 s6, s9;
	v61 =	vld [tilespmem:s14+$0x0];
	v8 =	vadd.f32 v8, v11;
	v11 =	vadd.f32 v49, v55  }
0xc2: {  	s8 =	sor.u32 s2, s21;
	s21 =	sadd.s32 $0x6D80, s4;
	v59 =	vld [tilespmem:s11+$0x0];
	v4 =	vadd.f32 v4, v6;
	v58 =	vadd.f32 v46, v56  }
0xc3: {  	s7 =	sor.u32 s6, s21;
	v10 =	vld [tilespmem:s8+$0x0];
	v6 =	vadd.f32 v12, v8;
	v11 =	vadd.f32 v53, v11  }
0xc4: {  	s12 =	sor.u32 s2, s9;
	v62 =	vld [tilespmem:s7+$0x0];
	v3 =	vadd.f32 v3, v4;
	v60 =	vadd.f32 v50, v58  }
0xc5: {  	s15 =	sor.u32 s2, s13;
	v8 =	vld [tilespmem:s12+$0x0];
	v4 =	vadd.f32 v7, v6;
	v7 =	vadd.f32 v57, v11  }
0xc6: {  	s30 =	sand.u32 $0x60, s28;
	s9 =	sadd.s32 $0x6E00, s4;
	s8 =	sor.u32 s2, s21;
	v2 =	vadd.f32 v2, v3;
	v6 =	vld [tilespmem:s15+$0x0];
	v11 =	vadd.f32 v54, v60  }
0xc7: {  	s31 =	sor.u32 $0x10, s30;
	s11 =	sand.u32 $0x380, s28;
	s12 =	sor.u32 s6, s9;
	v3 =	vadd.f32 v9, v4;
	v4 =	vld [tilespmem:s8+$0x0];
	v7 =	vadd.f32 v59, v7  }
0xc8: {  	s13 =	sadd.s32 $0x6E80, s4;
	s1 =	sor.u32 s11, s31;
	v1 =	vadd.f32 v1, v2;
	v9 =	vadd.f32 v10, v11;
	v10 =	vld [tilespmem:s12+$0x0]  }
0xc9: {  	s14 =	sor.u32 s6, s13;
	v2 =	vadd.f32 v5, v3;
	v5 =	vld [tilespmem:s1+$0x0];
	v3 =	vadd.f32 v61, v7  }
0xca: {  	s15 =	sadd.s32 $0x6F00, s4;
	s8 =	sor.u32 s2, s9;
	v7 =	vadd.f32 v8, v9;
	v9 =	vld [tilespmem:s14+$0x0]  }
0xcb: {  	s11 =	sor.u32 s6, s15;
	v63 =	vld [tilespmem:s8+$0x0];
	v11 =	vadd.f32 $9.999999930e-09, v2;
	v3 =	vadd.f32 v62, v3  }
0xcc: {  	s12 =	sor.u32 s2, s13;
	s13 =	sadd.s32 $0x6F80, s4;
	v8 =	vadd.f32 $9.999999930e-09, v1;
	v1 =	vld [tilespmem:s11+$0x0];
	v6 =	vadd.f32 v6, v7  }
0xcd: {  	s7 =	simm.s32 $0x840;
	v2 =	vld [tilespmem:s12+$0x0];
	s14 =	sor.u32 s6, s13;
	[tilespmem:s22+$0x0] =	vst v11;
	v7 =	vsub.f32 $0.0e+00, v0;
	v10 =	vadd.f32 v10, v3  }
0xce: {  	s21 =	simm.s32 $0x200;
	s15 =	sor.u32 s2, s15;
	s6 =	simm.s32 $0x440;
	[tilespmem:s0+$0x8C00] =	vst v8;
	v0 =	vmax.f32 v0, $0.0e+00;
	v11 =	vadd.f32 v4, v6;
	v3 =	vld [tilespmem:s14+$0x0]  }
0xcf: {  	s9 =	sor.u32 s21, s28;
	s8 =	simm.s32 $0x60;
	s2 =	sor.u32 s2, s13;
	v8 =	vsub.f32 $0.0e+00, v5;
	[tilespmem:s6+$0x0] =	vst v0;
	v0 =	vmax.f32 v7, $0.0e+00;
	v4 =	vld [tilespmem:s15+$0x0];
	v6 =	vadd.f32 v9, v10  }
0xd0: {  	s4 =	simm.s32 $0x4;
	s0 =	sand.u32 $0x1C00, s21;
	[tilespmem:s7+$0x0] =	vst v0;
	v9 =	vmax.f32 v5, $0.0e+00;
	v7 =	vadd.f32 v63, v11;
	v5 =	vld [tilespmem:s2+$0x0];
	s2 =	simm.s32 $0x8C00  }
.LBB2_2:
0xd1: {  	v0 =	vld [tilespmem:s8+$0x0];
	s11 =	sadd.s32 $0xC00, s0;
	s9 =	sor.u32 $0x380, s9;
	[tilespmem:s1+$0x400] =	vst v9;
	v8 =	vmax.f32 v8, $0.0e+00;
	v1 =	vadd.f32 v1, v6  }
0xd2: {  	s12 =	sor.u32 s30, s11;
	v6 =	vld [tilespmem:s9+$0xC00];
	[tilespmem:s1+$0x800] =	vst v8;
	s9 =	sor.u32 s31, s11;
	v2 =	vadd.f32 v2, v7  }
0xd3: {  	v7 =	vld [tilespmem:s9+$0x0];
	v1 =	vadd.f32 v3, v1  }
0xd4: {  	v3 =	vld [tilespmem:s9+$0x80];
	v2 =	vadd.f32 v4, v2  }
0xd5: {  	v4 =	vld [tilespmem:s12+$0x0];
	v1 =	vadd.f32 $9.999999930e-09, v1  }
0xd6: {  	v8 =	vld [tilespmem:s9+$0x100];
	v2 =	vadd.f32 v5, v2  }
0xd7: {  	v5 =	vld [tilespmem:s12+$0x80];
	[tilespmem:s26+$0x8C00] =	vst v1  }
0xd8: {  	s29 =	sadd.s32 $0x1, s29;
	s26 =	smov.u32 s1;
	v1 =	vld [tilespmem:s9+$0x180];
	v2 =	vadd.f32 $9.999999930e-09, v2  }
0xd9: {  	s2 =	sadd.s32 $0x20, s2;
	s1 =	sand.u32 $0x3, s29;
	v9 =	vld [tilespmem:s12+$0x100];
	v3 =	vadd.f32 v3, v7  }
0xda: {  	s1 =	sshll.u32 s1, $0x5;
	v7 =	vld [tilespmem:s9+$0x200];
	[tilespmem:s2+$0x0] =	vst v2  }
0xdb: {  	s1 =	sadd.s32 s1, s21;
	v2 =	vld [tilespmem:s12+$0x180];
	v3 =	vadd.f32 v8, v3  }
0xdc: {  	s11 =	sor.u32 $0x300, s1;
	s1 =	sadd.s32 $0x10, s1;
	v4 =	vadd.f32 v5, v4;
	v5 =	vld [tilespmem:s9+$0x280]  }
0xdd: {  	s9 =	sor.u32 $0x300, s1;
	v8 =	vld [tilespmem:s12+$0x200];
	v1 =	vadd.f32 v1, v3  }
0xde: {  	v3 =	vadd.f32 v9, v4;
	v4 =	vld [tilespmem:s9+$0xC00]  }
0xdf: {  	s1 =	sor.u32 $0x380, s1;
	v9 =	vld [tilespmem:s12+$0x280];
	v1 =	vadd.f32 v7, v1  }
0xe0: {  	s9 =	sadd.s32 $0x2C00, s0;
	v2 =	vadd.f32 v2, v3;
	v3 =	vld [tilespmem:s1+$0xC00]  }
0xe1: {  	s1 =	sor.u32 s30, s9;
	s9 =	sor.u32 s31, s9;
	v7 =	vld [tilespmem:s11+$0xC00];
	v1 =	vadd.f32 v5, v1  }
0xe2: {  	s11 =	sadd.s32 $0x2C80, s0;
	v2 =	vadd.f32 v8, v2;
	v5 =	vld [tilespmem:s9+$0x0]  }
0xe3: {  	s9 =	sor.u32 s31, s11;
	v8 =	vld [tilespmem:s1+$0x0];
	s1 =	sor.u32 s30, s11;
	v1 =	vadd.f32 v4, v1  }
0xe4: {  	s11 =	sadd.s32 $0x2D00, s0;
	v2 =	vadd.f32 v9, v2;
	v4 =	vld [tilespmem:s9+$0x0]  }
0xe5: {  	s9 =	sor.u32 s31, s11;
	v9 =	vld [tilespmem:s1+$0x0];
	s1 =	sor.u32 s30, s11;
	v1 =	vadd.f32 v3, v1  }
0xe6: {  	s11 =	sadd.s32 $0x2D80, s0;
	v2 =	vadd.f32 v7, v2;
	v3 =	vld [tilespmem:s9+$0x0]  }
0xe7: {  	s9 =	sor.u32 s31, s11;
	v7 =	vld [tilespmem:s1+$0x0];
	s1 =	sor.u32 s30, s11;
	v1 =	vadd.f32 v5, v1  }
0xe8: {  	s11 =	sadd.s32 $0x2E00, s0;
	v2 =	vadd.f32 v6, v2;
	v5 =	vld [tilespmem:s9+$0x0]  }
0xe9: {  	s9 =	sor.u32 s31, s11;
	v6 =	vld [tilespmem:s1+$0x0];
	s1 =	sor.u32 s30, s11;
	v1 =	vadd.f32 v4, v1  }
0xea: {  	s11 =	sadd.s32 $0x2E80, s0;
	v2 =	vadd.f32 v8, v2;
	v4 =	vld [tilespmem:s9+$0x0]  }
0xeb: {  	s9 =	sor.u32 s31, s11;
	v8 =	vld [tilespmem:s1+$0x0];
	s1 =	sor.u32 s30, s11;
	v1 =	vadd.f32 v3, v1  }
0xec: {  	s11 =	sadd.s32 $0x2F00, s0;
	v2 =	vadd.f32 v9, v2;
	v3 =	vld [tilespmem:s9+$0x0]  }
0xed: {  	s9 =	sor.u32 s31, s11;
	v9 =	vld [tilespmem:s1+$0x0];
	s1 =	sor.u32 s30, s11;
	v1 =	vadd.f32 v5, v1  }
0xee: {  	s11 =	sadd.s32 $0x2F80, s0;
	v2 =	vadd.f32 v7, v2;
	v5 =	vld [tilespmem:s9+$0x0]  }
0xef: {  	s9 =	sor.u32 s31, s11;
	v7 =	vld [tilespmem:s1+$0x0];
	s1 =	sor.u32 s30, s11;
	v1 =	vadd.f32 v4, v1  }
0xf0: {  	s11 =	sadd.s32 $0x4C00, s0;
	v2 =	vadd.f32 v6, v2;
	v4 =	vld [tilespmem:s9+$0x0]  }
0xf1: {  	s9 =	sor.u32 s31, s11;
	v6 =	vld [tilespmem:s1+$0x0];
	s1 =	sor.u32 s30, s11;
	v1 =	vadd.f32 v3, v1  }
0xf2: {  	s11 =	sadd.s32 $0x4C80, s0;
	v2 =	vadd.f32 v8, v2;
	v3 =	vld [tilespmem:s9+$0x0]  }
0xf3: {  	s9 =	sor.u32 s31, s11;
	v8 =	vld [tilespmem:s1+$0x0];
	s1 =	sor.u32 s30, s11;
	v1 =	vadd.f32 v5, v1  }
0xf4: {  	s11 =	sadd.s32 $0x4D00, s0;
	v2 =	vadd.f32 v9, v2;
	v5 =	vld [tilespmem:s9+$0x0]  }
0xf5: {  	s9 =	sor.u32 s31, s11;
	v9 =	vld [tilespmem:s1+$0x0];
	s1 =	sor.u32 s30, s11;
	v1 =	vadd.f32 v4, v1  }
0xf6: {  	s11 =	sadd.s32 $0x4D80, s0;
	v2 =	vadd.f32 v7, v2;
	v4 =	vld [tilespmem:s9+$0x0]  }
0xf7: {  	s9 =	sor.u32 s31, s11;
	v7 =	vld [tilespmem:s1+$0x0];
	s1 =	sor.u32 s30, s11;
	v1 =	vadd.f32 v3, v1  }
0xf8: {  	s11 =	sadd.s32 $0x4E00, s0;
	v2 =	vadd.f32 v6, v2;
	v3 =	vld [tilespmem:s9+$0x0]  }
0xf9: {  	s9 =	sor.u32 s31, s11;
	v6 =	vld [tilespmem:s1+$0x0];
	s1 =	sor.u32 s30, s11;
	v1 =	vadd.f32 v5, v1  }
0xfa: {  	s11 =	sadd.s32 $0x4E80, s0;
	v2 =	vadd.f32 v8, v2;
	v5 =	vld [tilespmem:s9+$0x0]  }
0xfb: {  	s9 =	sor.u32 s31, s11;
	v8 =	vld [tilespmem:s1+$0x0];
	s1 =	sor.u32 s30, s11;
	v1 =	vadd.f32 v4, v1  }
0xfc: {  	s11 =	sadd.s32 $0x4F00, s0;
	v2 =	vadd.f32 v9, v2;
	v4 =	vld [tilespmem:s9+$0x0]  }
0xfd: {  	s9 =	sor.u32 s31, s11;
	v9 =	vld [tilespmem:s1+$0x0];
	s1 =	sor.u32 s30, s11;
	v1 =	vadd.f32 v3, v1  }
0xfe: {  	s11 =	sadd.s32 $0x4F80, s0;
	v2 =	vadd.f32 v7, v2;
	v3 =	vld [tilespmem:s9+$0x0]  }
0xff: {  	s9 =	sor.u32 s31, s11;
	v7 =	vld [tilespmem:s1+$0x0];
	s1 =	sor.u32 s30, s11;
	v1 =	vadd.f32 v5, v1  }
0x100: {  	s11 =	sadd.s32 $0x6C00, s0;
	v2 =	vadd.f32 v6, v2;
	v5 =	vld [tilespmem:s9+$0x0]  }
0x101: {  	s9 =	sor.u32 s31, s11;
	v6 =	vld [tilespmem:s1+$0x0];
	s1 =	sor.u32 s30, s11;
	v1 =	vadd.f32 v4, v1  }
0x102: {  	s11 =	sadd.s32 $0x6C80, s0;
	v2 =	vadd.f32 v8, v2;
	v4 =	vld [tilespmem:s9+$0x0]  }
0x103: {  	s9 =	sor.u32 s31, s11;
	v8 =	vld [tilespmem:s1+$0x0];
	s1 =	sor.u32 s30, s11;
	v1 =	vadd.f32 v3, v1  }
0x104: {  	s11 =	sadd.s32 $0x6D00, s0;
	v2 =	vadd.f32 v9, v2;
	v3 =	vld [tilespmem:s9+$0x0]  }
0x105: {  	s9 =	sor.u32 s31, s11;
	v9 =	vld [tilespmem:s1+$0x0];
	s1 =	sor.u32 s30, s11;
	v1 =	vadd.f32 v5, v1  }
0x106: {  	s11 =	sadd.s32 $0x6D80, s0;
	v2 =	vadd.f32 v7, v2;
	v5 =	vld [tilespmem:s9+$0x0]  }
0x107: {  	s28 =	sadd.s32 $0x20, s28;
	s9 =	sor.u32 s31, s11;
	v7 =	vld [tilespmem:s1+$0x0];
	s1 =	sor.u32 s30, s11;
	v1 =	vadd.f32 v4, v1  }
0x108: {  	s12 =	sadd.s32 $0x6E00, s0;
	s11 =	sand.u32 $0x60, s28;
	v2 =	vadd.f32 v6, v2;
	v4 =	vld [tilespmem:s9+$0x0]  }
0x109: {  	s13 =	sand.u32 $0x380, s28;
	s14 =	sor.u32 s31, s12;
	s9 =	sor.u32 $0x10, s11;
	v6 =	vld [tilespmem:s1+$0x0];
	v1 =	vadd.f32 v3, v1  }
0x10a: {  	s4 =	sadd.s32 $0x2, s4;
	s1 =	sor.u32 s13, s9;
	s13 =	sadd.s32 $0x6E80, s0;
	v2 =	vadd.f32 v8, v2;
	v3 =	vld [tilespmem:s14+$0x0]  }
0x10b: {  	p2 =	slt.u32 s4, $0x3E;
	s12 =	sor.u32 s30, s12;
	s14 =	sor.u32 s31, s13;
	v10 =	vld [tilespmem:s1+$0x0];
	v1 =	vadd.f32 v5, v1  }
0x10c: {  	s15 =	sadd.s32 $0x6F00, s0;
	s13 =	sor.u32 s30, s13;
	v2 =	vadd.f32 v9, v2;
	v5 =	vld [tilespmem:s14+$0x0]  }
0x10d: {  	s14 =	sor.u32 s31, s15;
	v11 =	vld [tilespmem:s12+$0x0];
	s12 =	sor.u32 s30, s15;
	v4 =	vadd.f32 v4, v1  }
.Ltmp2:
0x10e: {  	s0 =	sadd.s32 $0x6F80, s0;
	v7 =	vadd.f32 v7, v2;
	v1 =	vld [tilespmem:s14+$0x0];
	(pc) =	sbr.rel @p2 .LBB2_2-.Ltmp2, $4  }
0x10f: {  	v8 =	vsub.f32 $0.0e+00, v0;
	v2 =	vld [tilespmem:s13+$0x0];
	s13 =	sor.u32 s30, s0;
	v9 =	vadd.f32 v3, v4;
	s0 =	sor.u32 s31, s0;
	s30 =	smov.u32 s11  }
0x110: {  	s6 =	sadd.s32 $0x20, s6;
	v0 =	vmax.f32 v0, $0.0e+00;
	s31 =	smov.u32 s9;
	v7 =	vadd.f32 v6, v7;
	v3 =	vld [tilespmem:s0+$0x0]  }
0x111: {  	s7 =	sadd.s32 $0x20, s7;
	s21 =	sadd.s32 $0x100, s21;
	[tilespmem:s6+$0x0] =	vst v0;
	v0 =	vmax.f32 v8, $0.0e+00;
	v8 =	vsub.f32 $0.0e+00, v10;
	v4 =	vld [tilespmem:s12+$0x0];
	v6 =	vadd.f32 v5, v9  }
0x112: {  	s8 =	sadd.s32 $0x20, s8;
	s9 =	sor.u32 s21, s28;
	s0 =	sand.u32 $0x1C00, s21;
	v9 =	vmax.f32 v10, $0.0e+00;
	[tilespmem:s7+$0x0] =	vst v0;
	v7 =	vadd.f32 v11, v7;
	v5 =	vld [tilespmem:s13+$0x0]  }
0x113: {  	s4 =	sadd.s32 $0xC00, s0;
	[tilespmem:s1+$0x400] =	vst v9;
	v0 =	vmax.f32 v8, $0.0e+00  }
0x114: {  	[tilespmem:s1+$0x800] =	vst v0;
	s6 =	sor.u32 s31, s4  }
0x115: {  	v0 =	vld [tilespmem:s6+$0x0]  }
0x116: {  	s4 =	sor.u32 s30, s4;
	v8 =	vld [tilespmem:s6+$0x80]  }
0x117: {  	v9 =	vld [tilespmem:s4+$0x0]  }
0x118: {  	v10 =	vld [tilespmem:s4+$0x80]  }
0x119: {  	v11 =	vld [tilespmem:s6+$0x100]  }
0x11a: {  	v12 =	vld [tilespmem:s4+$0x100]  }
0x11b: {  	s7 =	sadd.s32 $0x1, s29;
	v13 =	vld [tilespmem:s6+$0x180]  }
0x11c: {  	s7 =	sand.u32 $0x3, s7;
	v0 =	vadd.f32 v8, v0;
	v8 =	vld [tilespmem:s4+$0x180]  }
0x11d: {  	s7 =	sshll.u32 s7, $0x5;
	v9 =	vadd.f32 v10, v9;
	v10 =	vld [tilespmem:s6+$0x200]  }
0x11e: {  	s7 =	sadd.s32 s7, s21;
	v0 =	vadd.f32 v11, v0;
	v11 =	vld [tilespmem:s4+$0x200]  }
0x11f: {  	s15 =	sadd.s32 $0x10, s7;
	v9 =	vadd.f32 v12, v9;
	v12 =	vld [tilespmem:s6+$0x280]  }
0x120: {  	s8 =	sor.u32 $0x300, s15;
	v0 =	vadd.f32 v13, v0;
	v13 =	vld [tilespmem:s4+$0x280]  }
0x121: {  	s21 =	sor.u32 $0x300, s7;
	v8 =	vadd.f32 v8, v9;
	v9 =	vld [tilespmem:s8+$0xC00]  }
0x122: {  	s6 =	sor.u32 $0x380, s15;
	v0 =	vadd.f32 v10, v0;
	v10 =	vld [tilespmem:s21+$0xC00]  }
0x123: {  	s28 =	sor.u32 $0x380, s9;
	s29 =	sadd.s32 $0x2C00, s0;
	v8 =	vadd.f32 v11, v8;
	v11 =	vld [tilespmem:s6+$0xC00]  }
0x124: {  	s6 =	sor.u32 s31, s29;
	v0 =	vadd.f32 v12, v0;
	v12 =	vld [tilespmem:s28+$0xC00]  }
0x125: {  	s7 =	sor.u32 s30, s29;
	s8 =	sadd.s32 $0x2C80, s0;
	v8 =	vadd.f32 v13, v8;
	v13 =	vld [tilespmem:s6+$0x0]  }
0x126: {  	s9 =	sor.u32 s31, s8;
	v0 =	vadd.f32 v9, v0;
	v9 =	vld [tilespmem:s7+$0x0]  }
0x127: {  	s12 =	sadd.s32 $0x2D00, s0;
	s11 =	sor.u32 s30, s8;
	v8 =	vadd.f32 v10, v8;
	v10 =	vld [tilespmem:s9+$0x0]  }
0x128: {  	s13 =	sor.u32 s31, s12;
	v0 =	vadd.f32 v11, v0;
	v11 =	vld [tilespmem:s11+$0x0]  }
0x129: {  	s14 =	sor.u32 s30, s12;
	s15 =	sadd.s32 $0x2D80, s0;
	v8 =	vadd.f32 v12, v8;
	v12 =	vld [tilespmem:s13+$0x0]  }
0x12a: {  	s21 =	sor.u32 s31, s15;
	v0 =	vadd.f32 v13, v0;
	v13 =	vld [tilespmem:s14+$0x0]  }
0x12b: {  	s29 =	sadd.s32 $0x2E00, s0;
	s28 =	sor.u32 s30, s15;
	v8 =	vadd.f32 v9, v8;
	v9 =	vld [tilespmem:s21+$0x0]  }
0x12c: {  	s6 =	sor.u32 s31, s29;
	v0 =	vadd.f32 v10, v0;
	v10 =	vld [tilespmem:s28+$0x0]  }
0x12d: {  	s8 =	sadd.s32 $0x2E80, s0;
	s7 =	sor.u32 s30, s29;
	v8 =	vadd.f32 v11, v8;
	v11 =	vld [tilespmem:s6+$0x0]  }
0x12e: {  	s9 =	sor.u32 s31, s8;
	v0 =	vadd.f32 v12, v0;
	v12 =	vld [tilespmem:s7+$0x0]  }
0x12f: {  	s12 =	sadd.s32 $0x2F00, s0;
	s11 =	sor.u32 s30, s8;
	v8 =	vadd.f32 v13, v8;
	v13 =	vld [tilespmem:s9+$0x0]  }
0x130: {  	s13 =	sor.u32 s31, s12;
	v0 =	vadd.f32 v9, v0;
	v9 =	vld [tilespmem:s11+$0x0]  }
0x131: {  	s15 =	sadd.s32 $0x2F80, s0;
	s14 =	sor.u32 s30, s12;
	v8 =	vadd.f32 v10, v8;
	v10 =	vld [tilespmem:s13+$0x0]  }
0x132: {  	s21 =	sor.u32 s31, s15;
	v0 =	vadd.f32 v11, v0;
	v11 =	vld [tilespmem:s14+$0x0]  }
0x133: {  	s29 =	sadd.s32 $0x4C00, s0;
	s28 =	sor.u32 s30, s15;
	v8 =	vadd.f32 v12, v8;
	v12 =	vld [tilespmem:s21+$0x0]  }
0x134: {  	s6 =	sor.u32 s31, s29;
	v0 =	vadd.f32 v13, v0;
	v13 =	vld [tilespmem:s28+$0x0]  }
0x135: {  	s8 =	sadd.s32 $0x4C80, s0;
	s7 =	sor.u32 s30, s29;
	v8 =	vadd.f32 v9, v8;
	v9 =	vld [tilespmem:s6+$0x0]  }
0x136: {  	s9 =	sor.u32 s31, s8;
	v0 =	vadd.f32 v10, v0;
	v10 =	vld [tilespmem:s7+$0x0]  }
0x137: {  	s12 =	sadd.s32 $0x4D00, s0;
	s11 =	sor.u32 s30, s8;
	v8 =	vadd.f32 v11, v8;
	v11 =	vld [tilespmem:s9+$0x0]  }
0x138: {  	s13 =	sor.u32 s31, s12;
	v0 =	vadd.f32 v12, v0;
	v12 =	vld [tilespmem:s11+$0x0]  }
0x139: {  	s15 =	sadd.s32 $0x4D80, s0;
	s14 =	sor.u32 s30, s12;
	v8 =	vadd.f32 v13, v8;
	v13 =	vld [tilespmem:s13+$0x0]  }
0x13a: {  	s21 =	sor.u32 s31, s15;
	v0 =	vadd.f32 v9, v0;
	v9 =	vld [tilespmem:s14+$0x0]  }
0x13b: {  	s29 =	sadd.s32 $0x4E00, s0;
	s28 =	sor.u32 s30, s15;
	v8 =	vadd.f32 v10, v8;
	v10 =	vld [tilespmem:s21+$0x0]  }
0x13c: {  	s6 =	sor.u32 s31, s29;
	v0 =	vadd.f32 v11, v0;
	v11 =	vld [tilespmem:s28+$0x0]  }
0x13d: {  	s8 =	sadd.s32 $0x4E80, s0;
	s7 =	sor.u32 s30, s29;
	v8 =	vadd.f32 v12, v8;
	v12 =	vld [tilespmem:s6+$0x0]  }
0x13e: {  	s9 =	sor.u32 s31, s8;
	v0 =	vadd.f32 v13, v0;
	v13 =	vld [tilespmem:s7+$0x0]  }
0x13f: {  	s12 =	sadd.s32 $0x4F00, s0;
	s11 =	sor.u32 s30, s8;
	v8 =	vadd.f32 v9, v8;
	v9 =	vld [tilespmem:s9+$0x0]  }
0x140: {  	s13 =	sor.u32 s31, s12;
	v0 =	vadd.f32 v10, v0;
	v10 =	vld [tilespmem:s11+$0x0]  }
0x141: {  	s15 =	sadd.s32 $0x4F80, s0;
	s14 =	sor.u32 s30, s12;
	v8 =	vadd.f32 v11, v8;
	v11 =	vld [tilespmem:s13+$0x0]  }
0x142: {  	s21 =	sor.u32 s31, s15;
	v0 =	vadd.f32 v12, v0;
	v12 =	vld [tilespmem:s14+$0x0]  }
0x143: {  	s29 =	sadd.s32 $0x6C00, s0;
	s28 =	sor.u32 s30, s15;
	v8 =	vadd.f32 v13, v8;
	v13 =	vld [tilespmem:s21+$0x0]  }
0x144: {  	s6 =	sor.u32 s31, s29;
	v0 =	vadd.f32 v9, v0;
	v9 =	vld [tilespmem:s28+$0x0]  }
0x145: {  	s8 =	sadd.s32 $0x6C80, s0;
	s7 =	sor.u32 s30, s29;
	v8 =	vadd.f32 v10, v8;
	v10 =	vld [tilespmem:s6+$0x0]  }
0x146: {  	s9 =	sor.u32 s31, s8;
	v0 =	vadd.f32 v11, v0;
	v11 =	vld [tilespmem:s7+$0x0]  }
0x147: {  	s12 =	sadd.s32 $0x6D00, s0;
	s11 =	sor.u32 s30, s8;
	v8 =	vadd.f32 v12, v8;
	v12 =	vld [tilespmem:s9+$0x0]  }
0x148: {  	s13 =	sor.u32 s31, s12;
	v0 =	vadd.f32 v13, v0;
	v13 =	vld [tilespmem:s11+$0x0]  }
0x149: {  	s15 =	sadd.s32 $0x6D80, s0;
	s14 =	sor.u32 s30, s12;
	v8 =	vadd.f32 v9, v8;
	v9 =	vld [tilespmem:s13+$0x0]  }
0x14a: {  	s21 =	sor.u32 s31, s15;
	v0 =	vadd.f32 v10, v0;
	v10 =	vld [tilespmem:s14+$0x0]  }
0x14b: {  	s29 =	sadd.s32 $0x6E00, s0;
	s28 =	sor.u32 s30, s15;
	v8 =	vadd.f32 v11, v8;
	v11 =	vld [tilespmem:s21+$0x0]  }
0x14c: {  	s6 =	sor.u32 s31, s29;
	v0 =	vadd.f32 v12, v0;
	v12 =	vld [tilespmem:s28+$0x0]  }
0x14d: {  	s8 =	sadd.s32 $0x6E80, s0;
	s9 =	sor.u32 s30, s29;
	v8 =	vadd.f32 v13, v8;
	v13 =	vld [tilespmem:s6+$0x0]  }
0x14e: {  	s11 =	sor.u32 s31, s8;
	v0 =	vadd.f32 v9, v0;
	v9 =	vld [tilespmem:s9+$0x0]  }
0x14f: {  	s12 =	sor.u32 s30, s8;
	s13 =	sadd.s32 $0x6F00, s0;
	v8 =	vadd.f32 v10, v8;
	v10 =	vld [tilespmem:s11+$0x0]  }
0x150: {  	s14 =	sor.u32 s31, s13;
	v0 =	vadd.f32 v11, v0;
	v11 =	vld [tilespmem:s12+$0x0]  }
0x151: {  	s15 =	sor.u32 s30, s13;
	s21 =	sadd.s32 $0x6F80, s0;
	v8 =	vadd.f32 v12, v8;
	v12 =	vld [tilespmem:s14+$0x0]  }
0x152: {  	s28 =	sor.u32 s31, s21;
	v0 =	vadd.f32 v13, v0;
	v13 =	vld [tilespmem:s15+$0x0]  }
0x153: {  	v2 =	vadd.f32 v2, v7;
	s0 =	sor.u32 s30, s21;
	v62 =	vadd.f32 v9, v8;
	v8 =	vld [tilespmem:s28+$0x0]  }
0x154: {  	v1 =	vadd.f32 v1, v6;
	v63 =	vld [tilespmem:s0+$0x0];
	v0 =	vadd.f32 v10, v0  }
0x155: {  	v2 =	vadd.f32 v4, v2;
	v4 =	vadd.f32 v11, v62  }
0x156: {  	v1 =	vadd.f32 v3, v1;
	v0 =	vadd.f32 v12, v0  }
0x157: {  	v2 =	vadd.f32 v5, v2;
	v3 =	vadd.f32 v13, v4  }
0x158: {  	v1 =	vadd.f32 $9.999999930e-09, v1;
	v0 =	vadd.f32 v8, v0  }
0x159: {  	v2 =	vadd.f32 $9.999999930e-09, v2;
	v3 =	vadd.f32 v63, v3  }
0x15a: {  	[tilespmem:s26+$0x8C00] =	vst v1;
	s29 =	sadd.s32 $0x20, s2;
	v0 =	vadd.f32 $9.999999930e-09, v0  }
0x15b: {  	[tilespmem:s29+$0x0] =	vst v2;
	v1 =	vadd.f32 $9.999999930e-09, v3  }
0x15c: {  	s30 =	sadd.s32 $0x20, s29;
	[tilespmem:s1+$0x8C00] =	vst v0  }
0x15d: {  	s31 =	simm.s32 $0x9020;
	[tilespmem:s30+$0x0] =	vst v1  }
0x15e: {  	v15 =	vld [tilespmem:s31+$0x10]  }
0x15f: {  	v11 =	vld [tilespmem:s31+$0xFFFFFFF0]  }
0x160: {  	v12 =	vld [tilespmem:s31+$0xFFFFFFE0]  }
0x161: {  	v0 =	vld [tilespmem:s31+$0x0];
	_ =	sdelay $0x4  }
0x162: {  	v2 =	vld.idx.msk [tilespmem:v15+s22+$0x0], $0xffff  }
0x163: {  	v3 =	vld.idx.msk [tilespmem:v11+s22+$0x0], $0xffff  }
0x164: {  	v4 =	vld.idx.msk [tilespmem:v12+s22+$0x0], $0xffff  }
0x165: {  	p3 =	sgt.u32 s10, $0x4;
	v5 =	vld.idx.msk [tilespmem:v0+s22+$0x0], $0xffff  }
.Ltmp3:
0x166: {  	s2 =	simm.s32 $0x9CA0;
	(pc) =	sbr.rel @!p3 .LBB2_4-.Ltmp3, $4  }
0x167: {  	v16 =	vld [tilespmem:s2+$0x10];
	(erf) = vrcp.f32 v2  }
0x168: {  	v1 =	vld.idx.msk [tilespmem:v12+s23+$0x0], $0xffff;
	(erf) = vrcp.f32 v3  }
0x169: {  	p2 =	por $0x0, $0x0;
	v2 =	vld.idx.msk [tilespmem:v11+s23+$0x0], $0xffff;
	(erf) = vrcp.f32 v4  }
0x16a: {  	s4 =	simm.s32 $0x9060;
	s0 =	simm.s32 $0xB5A0;
	s1 =	simm.s32 $0xA920;
	v3 =	vld.idx.msk [tilespmem:v0+s23+$0x0], $0xffff;
	(erf) = vrcp.f32 v5  }
0x16b: {  	_ =	sdelay $0x2  }
0x16c: {  	v8 =	vld [tilespmem:s4+$0x10]  }
0x16d: {  	v4 =	vld.idx.msk [tilespmem:v15+s23+$0x0], $0xffff  }
0x16e: {  	v5 =	vld [tilespmem:s4+$0xFFFFFFF0]  }
0x16f: {  	v7 =	vld [tilespmem:s4+$0xFFFFFFE0];
	_ =	sdelay $0x1  }
0x170: {  	v10 =	vld [tilespmem:s4+$0x0];
	v6 =	vpop (erf)  }
0x171: {  	v9 =	vld [tilespmem:s2+$0xFFFFFFF0];
	v13 =	vmul.f32 v6, v16  }
0x172: {  	v6 =	vld [tilespmem:s2+$0xFFFFFFE0]  }
0x173: {  	v4 =	vmul.f32 v13, v4;
	v17 =	vld.idx.msk [tilespmem:v8+s22+$0x0], $0xffff  }
0x174: {  	v14 =	vld [tilespmem:s2+$0x0]  }
0x175: {  	v16 =	vpop (erf);
	v18 =	vld.idx.msk [tilespmem:v5+s22+$0x0], $0xffff  }
0x176: {  	v9 =	vmul.f32 v16, v9;
	v16 =	vld.idx.msk [tilespmem:v7+s22+$0x0], $0xffff;
	[tilespmem:s1+$0x10] =	vst v4  }
0x177: {  	v15 =	vld.idx.msk [tilespmem:v15+s24+$0x0], $0xffff;
	v4 =	vpop (erf)  }
0x178: {  	v20 =	vld.idx.msk [tilespmem:v10+s22+$0x0], $0xffff;
	v6 =	vmul.f32 v4, v6;
	v4 =	vpop (erf);
	(erf) = vrcp.f32 v17  }
0x179: {  	p3 =	sgt.u32 s10, $0x8;
	v4 =	vmul.f32 v4, v14;
	v14 =	vmul.f32 v9, v2;
	v2 =	vld.idx.msk [tilespmem:v5+s23+$0x0], $0xffff  }
.Ltmp4:
0x17a: {  	s2 =	simm.s32 $0x9CE0;
	(erf) = vrcp.f32 v18;
	v19 =	vmul.f32 v6, v1;
	v1 =	vld.idx.msk [tilespmem:v7+s23+$0x0], $0xffff;
	(pc) =	sbr.rel @!p3 .LBB2_6-.Ltmp4, $4  }
0x17b: {  	(erf) = vrcp.f32 v16;
	v16 =	vld [tilespmem:s2+$0x10];
	v21 =	vmul.f32 v4, v3;
	[tilespmem:s1+$0xFFFFFFF0] =	vst v14  }
0x17c: {  	v3 =	vld.idx.msk [tilespmem:v10+s23+$0x0], $0xffff;
	v15 =	vmul.f32 v15, v13;
	[tilespmem:s1+$0xFFFFFFE0] =	vst v19  }
0x17d: {  	s7 =	simm.s32 $0x8;
	s8 =	simm.s32 $0x90A0;
	v13 =	vld.idx.msk [tilespmem:v12+s24+$0x0], $0xffff;
	[tilespmem:s1+$0x0] =	vst v21  }
0x17e: {  	p2 =	por $0x1, $0x1;
	s4 =	simm.s32 $0xB5A0;
	s6 =	simm.s32 $0xA920;
	(erf) = vrcp.f32 v20;
	v14 =	vld.idx.msk [tilespmem:v11+s24+$0x0], $0xffff;
	[tilespmem:s0+$0x10] =	vst v15  }
.LBB2_7:
0x17f: {  	v11 =	vld [tilespmem:s8+$0x10]  }
0x180: {  	s7 =	sadd.s32 $0x4, s7;
	v12 =	vld.idx.msk [tilespmem:v8+s23+$0x0], $0xffff  }
0x181: {  	p3 =	slt.u32 s7, s10;
	v15 =	vld [tilespmem:s8+$0xFFFFFFF0]  }
0x182: {  	v6 =	vmul.f32 v13, v6;
	v17 =	vld [tilespmem:s8+$0x0]  }
0x183: {  	v21 =	vmul.f32 v14, v9;
	v18 =	vld [tilespmem:s8+$0xFFFFFFE0];
	v13 =	vpop (erf)  }
0x184: {  	v14 =	vld [tilespmem:s2+$0xFFFFFFE0];
	v13 =	vmul.f32 v13, v16;
	[tilespmem:s4+$0xFFFFFFE0] =	vst v6  }
0x185: {  	v16 =	vld [tilespmem:s2+$0xFFFFFFF0];
	v19 =	vpop (erf);
	[tilespmem:s4+$0xFFFFFFF0] =	vst v21  }
0x186: {  	v20 =	vld [tilespmem:s2+$0x0];
	v6 =	vmul.f32 v13, v12;
	v9 =	vpop (erf)  }
0x187: {  	s6 =	sadd.s32 $0x40, s6;
	v12 =	vpop (erf);
	v21 =	vld.idx.msk [tilespmem:v0+s24+$0x0], $0xffff;
	v0 =	vmov v10;
	v10 =	vmov v17  }
0x188: {  	v17 =	vld.idx.msk [tilespmem:v11+s22+$0x0], $0xffff;
	[tilespmem:s6+$0x10] =	vst v6  }
0x189: {  	v6 =	vmul.f32 v9, v14;
	v14 =	vld.idx.msk [tilespmem:v8+s24+$0x0], $0xffff;
	v8 =	vmov v11  }
0x18a: {  	v11 =	vld.idx.msk [tilespmem:v15+s22+$0x0], $0xffff;
	v9 =	vmul.f32 v19, v16  }
0x18b: {  	v16 =	vld.idx.msk [tilespmem:v18+s22+$0x0], $0xffff;
	v19 =	vmul.f32 v6, v1;
	v12 =	vmul.f32 v12, v20  }
0x18c: {  	v20 =	vld.idx.msk [tilespmem:v10+s22+$0x0], $0xffff;
	v22 =	vmul.f32 v9, v2  }
0x18d: {  	v21 =	vmul.f32 v21, v4;
	v1 =	vld.idx.msk [tilespmem:v18+s23+$0x0], $0xffff;
	[tilespmem:s6+$0xFFFFFFE0] =	vst v19;
	v19 =	vmul.f32 v12, v3;
	v4 =	vmov v12  }
.Ltmp5:
0x18e: {  	v2 =	vld.idx.msk [tilespmem:v15+s23+$0x0], $0xffff;
	(erf) = vrcp.f32 v17;
	[tilespmem:s6+$0xFFFFFFF0] =	vst v22;
	(pc) =	sbr.rel @p3 .LBB2_7-.Ltmp5, $4  }
0x18f: {  	v12 =	vmul.f32 v14, v13;
	v3 =	vld.idx.msk [tilespmem:v10+s23+$0x0], $0xffff;
	[tilespmem:s6+$0x0] =	vst v19  }
0x190: {  	(erf) = vrcp.f32 v11;
	v13 =	vld.idx.msk [tilespmem:v7+s24+$0x0], $0xffff;
	[tilespmem:s4+$0x0] =	vst v21;
	s4 =	sadd.s32 $0x40, s4;
	v7 =	vmov v18  }
0x191: {  	s2 =	sadd.s32 $0x40, s2;
	(erf) = vrcp.f32 v16;
	v14 =	vld.idx.msk [tilespmem:v5+s24+$0x0], $0xffff;
	[tilespmem:s4+$0x10] =	vst v12;
	v5 =	vmov v15  }
0x192: {  	s8 =	sadd.s32 $0x40, s8;
	v16 =	vld [tilespmem:s2+$0x10];
	(erf) = vrcp.f32 v20  }
0x193: {  	v17 =	vmovc v0;
	v15 =	vmovc v8;
	v0 =	vmov v10;
	v12 =	vmov v7;
	v11 =	vmov v5  }
.LBB2_9:
0x194: {  	_ =	sdelay $0x3  }
0x195: {  	v5 =	vld.idx.msk [tilespmem:v15+s23+$0x0], $0xffff  }
0x196: {  	v8 =	vld [tilespmem:s2+$0xFFFFFFF0]  }
0x197: {  	v7 =	vld [tilespmem:s2+$0xFFFFFFE0]  }
0x198: {  	v18 =	vld [tilespmem:s2+$0x0]  }
0x199: {  	v10 =	vpop (erf)  }
0x19a: {  	v10 =	vmul.f32 v10, v16;
	v19 =	vpop (erf)  }
0x19b: {  	v57 =	vpop (erf);
	v8 =	vmul.f32 v19, v8  }
0x19c: {  	s2 =	sadd.s32 @p2 $0x40, s6;
	v5 =	vmul.f32 v10, v5;
	v7 =	vmul.f32 v57, v7;
	v58 =	vpop (erf)  }
0x19d: {  	s1 =	smov.u32 @p2 s2;
	v16 =	vmul.f32 v58, v18;
	v2 =	vmul.f32 v8, v2  }
0x19e: {  	[tilespmem:s1+$0x10] =	vst v5;
	v5 =	vld.idx.msk @p2 [tilespmem:v17+s24+$0x0], $0xffff;
	v1 =	vmul.f32 v7, v1  }
0x19f: {  	v59 =	vld.idx.msk [tilespmem:v15+s24+$0x0], $0xffff;
	v60 =	vmul.f32 v16, v3;
	[tilespmem:s1+$0xFFFFFFF0] =	vst v2  }
0x1a0: {  	[tilespmem:s1+$0xFFFFFFE0] =	vst v1;
	v62 =	vld.idx.msk [tilespmem:v11+s24+$0x0], $0xffff  }
0x1a1: {  	v3 =	vmul.f32 @p2 v13, v6;
	v61 =	vld.idx.msk [tilespmem:v12+s24+$0x0], $0xffff;
	[tilespmem:s1+$0x0] =	vst v60  }
0x1a2: {  	v6 =	vmul.f32 @p2 v14, v9;
	v0 =	vld.idx.msk [tilespmem:v0+s24+$0x0], $0xffff  }
0x1a3: {  	[tilespmem:s4+$0xFFFFFFE0] =	vst @p2 v3;
	v3 =	vmul.f32 @p2 v5, v4  }
0x1a4: {  	[tilespmem:s4+$0xFFFFFFF0] =	vst @p2 v6;
	s1 =	sadd.s32 @p2 $0x40, s4;
	v63 =	vmul.f32 v59, v10  }
.Ltmp6:
0x1a5: {  	s0 =	smov.u32 @p2 s1;
	[tilespmem:s4+$0x0] =	vst @p2 v3;
	v1 =	vmul.f32 v62, v8;
	(pc) =	sbr.rel @p1 .LBB2_11-.Ltmp6, $4  }
0x1a6: {  	[tilespmem:s0+$0x10] =	vst v63;
	v2 =	vmul.f32 v61, v7  }
0x1a7: {  	v0 =	vmul.f32 v0, v16;
	[tilespmem:s0+$0xFFFFFFF0] =	vst v1  }
0x1a8: {  	s6 =	smov.u32 s10;
	s2 =	smov.u32 s17;
	[tilespmem:s0+$0xFFFFFFE0] =	vst v2  }
0x1a9: {  	s1 =	smov.u32 s18;
	s4 =	smov.u32 s16;
	[tilespmem:s0+$0x0] =	vst v0;
	s0 =	smov.u32 s19  }
.LBB2_10:
0x1aa: {  	v0 =	vld [tilespmem:s4+$0x0];
	_ =	sdelay $0x7  }
0x1ab: {  	v1 =	vld.idx.msk [tilespmem:v0+s22+$0x0], $0xffff;
	_ =	sdelay $0x4  }
0x1ac: {  	(erf) = vrcp.f32 v1;
	_ =	sdelay $0x4  }
0x1ad: {  	v63 =	vld [tilespmem:s2+$0x0];
	_ =	sdelay $0x1  }
0x1ae: {  	v2 =	vld.idx.msk [tilespmem:v0+s23+$0x0], $0xffff;
	_ =	sdelay $0x1  }
0x1af: {  	v3 =	vpop (erf)  }
0x1b0: {  	v1 =	vmul.f32 v3, v63;
	_ =	sdelay $0x1  }
0x1b1: {  	v2 =	vmul.f32 v1, v2;
	_ =	sdelay $0x1  }
0x1b2: {  	[tilespmem:s1+$0x0] =	vst v2  }
0x1b3: {  	v0 =	vld.idx.msk [tilespmem:v0+s24+$0x0], $0xffff  }
0x1b4: {  	s6 =	sadd.s32 $0x1, s6  }
0x1b5: {  	p2 =	slt.u32 s6, s5  }
.Ltmp7:
0x1b6: {  	_ = 	snop;
	(pc) =	sbr.rel @p2 .LBB2_10-.Ltmp7, $4  }
0x1b7: {  	_ = 	snop  }
0x1b8: {  	v0 =	vmul.f32 v0, v1  }
0x1b9: {  	s4 =	sadd.s32 $0x10, s4  }
0x1ba: {  	s2 =	sadd.s32 $0x10, s2;
	s1 =	sadd.s32 $0x10, s1;
	[tilespmem:s0+$0x0] =	vst v0;
	s0 =	sadd.s32 $0x10, s0  }
.Ltmp8:
0x1bb: {  	_ = 	snop;
	(pc) =	sbr.rel .LBB2_11-.Ltmp8, $1  }
0x1bc: {  	_ =	sdelay $0x3  }
.LBB2_4:
.Ltmp9:
0x1bd: {  	(pc) =	sbr.rel .LBB2_9-.Ltmp9, $2  }
0x1be: {  	_ =	sdelay $0x2  }
0x1bf: {  	s4 =	simm.s32 $0xB5A0;
	s6 =	simm.s32 $0xA920  }
.LBB2_6:
.Ltmp10:
0x1c0: {  	(pc) =	sbr.rel .LBB2_9-.Ltmp10, $2  }
0x1c1: {  	_ =	sdelay $0x2  }
0x1c2: {  	v17 =	vmovc v0;
	v15 =	vmovc v8;
	s4 =	simm.s32 $0xB5A0;
	s6 =	simm.s32 $0xA920;
	v0 =	vmov v10;
	v12 =	vmov v7;
	v11 =	vmov v5  }
.LBB2_12:
0x1c3: {  	_ =	sfence.sel $0x180000  }
0x1c4: {  	[bflag:$0x0] =	sbarrier.arrive $0xFFFF  }
0x1c5: {  	_ =	strace $0x9000004A  }
0x1c6: {  	s0 =	stileid.u32;
	[bflag:$0x2] =	sbarrier.arrive $0xFFFF  }
0x1c7: {  	p0 =	sne.s32 s0, $0x0;
	s0 =	rddreg [dreg:$0x4]  }
0x1c8: {  	s0 =	sadd.s32 @!p0 $0x100000, s0  }
0x1c9: {  	[sflag:s0] =	ssyncadd.tile.s32 @!p0 $0x1;
	_ =	shalt  }
.Lfunc_end2:
_tile_overlayer_lowered:
.L_overlay_start_2:
0x1ca: {  	(tag) =	ssettag $0x2  }
0x1cb: {  	s0 =	rddreg [dreg:$0x0];
	s2 =	stileid.u32  }
0x1cc: {  	s1 =	rddreg [dreg:$0x1];
	p0 =	sne.s32 s2, $0x0  }
0x1cd: {  	s3 =	rddreg [dreg:$0x2];
	[bflag:$0x3] =	sbarrier.arrive $0xFFFF;
	s2 =	simm.s32 @!p0 $0x1C01  }
0x1ce: {  	[timem:s3], [sflag:s2] =	dma.local @!p0 [hbm:s0], s1  }
0x1cf: {  	s0 =	simm.s32 @!p0 $0x1  }
0x1d0: {  	_ =	swait.ge @!p0 [sflag:s0], s1  }
0x1d1: {  	s1 =	ssub.s32 @!p0 $0x0, s1;
	[sflag:s0] =	ssyncset.done @!p0 $0x0  }
0x1d2: {  	[sflag:s0] =	ssyncadd.s32 @!p0 s1  }
0x1d3: {  	[bflag:$0x3] =	sbarrier.arrive $0xFFFF  }
0x1d4: {  	_ =	shalt  }

</sc_bundles>
